<compile_context>
chip_gen: v7x
topology: tpu7x:2x2x1
jax: 0.10.2.dev20260603
libtpu: 0.0.44.dev20260713+nightly
codegen_flags: <defaults>
</compile_context>

<pallas_src>
import functools

import jax
import jax.numpy as jnp
from jax import lax
from jax.experimental import pallas as pl
from jax.experimental.pallas import tpu as pltpu
from jax.experimental.pallas import tpu_sc as plsc

N = 10000
E = 320000
F_IN = 128
F_HID = 128
F_OUT = 40
F_OUT_PAD = 128

NC = 2
NS = 16
NW = NC * NS
EDGES_PER_TILE = E // NW
CHUNK = 128
NFULL = EDGES_PER_TILE // CHUNK
REM = EDGES_PER_TILE - NFULL * CHUNK
ACH = 128
ZROWS = 624
ZROWS_LAST = N - (NS - 1) * ZROWS

_MESH = plsc.VectorSubcoreMesh(
    core_axis_name="c", subcore_axis_name="s", num_cores=NC, num_subcores=NS
)



@functools.partial(
    pl.kernel,
    out_type=jax.ShapeDtypeStruct((NC, 2, N), jnp.float32),
    mesh=_MESH,
    scratch_types=[
        pltpu.VMEM((CHUNK,), jnp.int32),
        pltpu.VMEM((REM,), jnp.int32),
        pltpu.VMEM((CHUNK,), jnp.float32),
        pltpu.VMEM_SHARED((N,), jnp.float32),
        pltpu.VMEM_SHARED((N,), jnp.float32),
    ],
)
def _sc_degrees(src_hbm, dst_hbm, zeros_hbm, out_hbm,
                idx_v, idx_r, ones_v, acc_out, acc_in):
    c = lax.axis_index("c")
    s = lax.axis_index("s")
    tid = c * NS + s
    for j in range(CHUNK // 16):
        ones_v[pl.ds(j * 16, 16)] = jnp.full((16,), 1.0, jnp.float32)

    @pl.when(s == 0)
    def _():
        pltpu.sync_copy(zeros_hbm, acc_out)
        pltpu.sync_copy(zeros_hbm, acc_in)

    plsc.subcore_barrier()
    base = tid * EDGES_PER_TILE

    def body(i, carry):
        e0 = base + i * CHUNK
        pltpu.sync_copy(src_hbm.at[pl.ds(e0, CHUNK)], idx_v)
        pltpu.sync_copy(ones_v, acc_out.at[idx_v], add=True)
        pltpu.sync_copy(dst_hbm.at[pl.ds(e0, CHUNK)], idx_v)
        pltpu.sync_copy(ones_v, acc_in.at[idx_v], add=True)
        return carry

    lax.fori_loop(0, NFULL, body, 0)
    e0 = base + NFULL * CHUNK
    pltpu.sync_copy(src_hbm.at[pl.ds(e0, REM)], idx_r)
    pltpu.sync_copy(ones_v.at[pl.ds(0, REM)], acc_out.at[idx_r], add=True)
    pltpu.sync_copy(dst_hbm.at[pl.ds(e0, REM)], idx_r)
    pltpu.sync_copy(ones_v.at[pl.ds(0, REM)], acc_in.at[idx_r], add=True)
    plsc.subcore_barrier()

    @pl.when(s == 0)
    def _():
        pltpu.sync_copy(acc_out, out_hbm.at[c, 0])
        pltpu.sync_copy(acc_in, out_hbm.at[c, 1])


def _make_sc_agg(D):
    @functools.partial(
        pl.kernel,
        out_type=jax.ShapeDtypeStruct((NC, N, D), jnp.float32),
        mesh=_MESH,
        scratch_types=[
            pltpu.VMEM((ACH,), jnp.int32),
            pltpu.VMEM((ACH,), jnp.int32),
            pltpu.VMEM((ACH,), jnp.int32),
            pltpu.VMEM((ACH,), jnp.int32),
            pltpu.VMEM((REM,), jnp.int32),
            pltpu.VMEM((REM,), jnp.int32),
            pltpu.VMEM((ACH, D), jnp.float32),
            pltpu.VMEM((ACH, D), jnp.float32),
            pltpu.VMEM_SHARED((N, D), jnp.float32),
            pltpu.SemaphoreType.DMA,
            pltpu.SemaphoreType.DMA,
        ],
    )
    def _agg(x_hbm, src_hbm, dst_hbm, zeros_hbm, out_hbm,
             srcA, dstA, srcB, dstB, srcR, dstR, bufA, bufB, acc, sgA, sgB):
        c = lax.axis_index("c")
        s = lax.axis_index("s")
        tid = c * NS + s

        @pl.when(s < NS - 1)
        def _():
            pltpu.sync_copy(zeros_hbm.at[pl.ds(s * ZROWS, ZROWS)],
                            acc.at[pl.ds(s * ZROWS, ZROWS)])

        @pl.when(s == NS - 1)
        def _():
            pltpu.sync_copy(zeros_hbm.at[pl.ds((NS - 1) * ZROWS, ZROWS_LAST)],
                            acc.at[pl.ds((NS - 1) * ZROWS, ZROWS_LAST)])

        plsc.subcore_barrier()
        ebase = tid * EDGES_PER_TILE

        def ld(i, sref, dref):
            pltpu.sync_copy(src_hbm.at[pl.ds(ebase + i * ACH, ACH)], sref)
            pltpu.sync_copy(dst_hbm.at[pl.ds(ebase + i * ACH, ACH)], dref)

        def g_start(sref, buf, sem):
            pltpu.async_copy(x_hbm.at[sref], buf, sem)

        def g_wait(sref, buf, sem):
            pltpu.make_async_copy(x_hbm.at[sref], buf, sem).wait()

        ld(0, srcA, dstA)
        g_start(srcA, bufA, sgA)

        def body(k, carry):
            i0 = 2 * k
            ld(i0 + 1, srcB, dstB)
            g_start(srcB, bufB, sgB)
            g_wait(srcA, bufA, sgA)
            pltpu.sync_copy(bufA, acc.at[dstA], add=True)

            @pl.when(i0 + 2 < NFULL)
            def _():
                ld(i0 + 2, srcA, dstA)
                g_start(srcA, bufA, sgA)

            g_wait(srcB, bufB, sgB)
            pltpu.sync_copy(bufB, acc.at[dstB], add=True)
            return carry

        lax.fori_loop(0, NFULL // 2, body, 0)

        e0 = ebase + NFULL * ACH
        pltpu.sync_copy(src_hbm.at[pl.ds(e0, REM)], srcR)
        pltpu.sync_copy(x_hbm.at[srcR], bufA.at[pl.ds(0, REM)])
        pltpu.sync_copy(dst_hbm.at[pl.ds(e0, REM)], dstR)
        pltpu.sync_copy(bufA.at[pl.ds(0, REM)], acc.at[dstR], add=True)
        plsc.subcore_barrier()

        @pl.when(s < NS - 1)
        def _():
            pltpu.sync_copy(acc.at[pl.ds(s * ZROWS, ZROWS)],
                            out_hbm.at[c, pl.ds(s * ZROWS, ZROWS)])

        @pl.when(s == NS - 1)
        def _():
            pltpu.sync_copy(acc.at[pl.ds((NS - 1) * ZROWS, ZROWS_LAST)],
                            out_hbm.at[c, pl.ds((NS - 1) * ZROWS, ZROWS_LAST)])

    return _agg


_sc_agg128 = _make_sc_agg(F_HID)
_sc_agg_out = _make_sc_agg(F_OUT_PAD)



BN = 1000


def _tc_norms(degp):
    def body(d_ref, o_ref):
        d = d_ref[0] + d_ref[1]
        o_ref[...] = lax.rsqrt(jnp.where(d > 0, d, 1.0))

    return pl.pallas_call(
        body,
        out_shape=jax.ShapeDtypeStruct((2, N), jnp.float32),
    )(degp)


def _tc_layer0(feat, ns, w):
    def body(f_ref, ns_ref, w_ref, o_ref):
        o_ref[...] = jnp.dot(f_ref[...] * ns_ref[...], w_ref[...],
                             preferred_element_type=jnp.float32)

    return pl.pallas_call(
        body,
        grid=(N // BN,),
        in_specs=[
            pl.BlockSpec((BN, F_IN), lambda i: (i, 0)),
            pl.BlockSpec((BN, 1), lambda i: (i, 0)),
            pl.BlockSpec((F_IN, F_HID), lambda i: (0, 0)),
        ],
        out_specs=pl.BlockSpec((BN, F_HID), lambda i: (i, 0)),
        out_shape=jax.ShapeDtypeStruct((N, F_HID), jnp.float32),
    )(feat, ns, w)


def _tc_mid(aggp, nd, b, ns, w, d_out):
    def body(a_ref, nd_ref, b_ref, ns_ref, w_ref, o_ref):
        a = a_ref[0] + a_ref[1]
        h = jnp.maximum(a * nd_ref[...] + b_ref[...], 0.0)
        o_ref[...] = jnp.dot(h * ns_ref[...], w_ref[...],
                             preferred_element_type=jnp.float32)

    return pl.pallas_call(
        body,
        grid=(N // BN,),
        in_specs=[
            pl.BlockSpec((NC, BN, F_HID), lambda i: (0, i, 0)),
            pl.BlockSpec((BN, 1), lambda i: (i, 0)),
            pl.BlockSpec((1, F_HID), lambda i: (0, 0)),
            pl.BlockSpec((BN, 1), lambda i: (i, 0)),
            pl.BlockSpec((F_HID, d_out), lambda i: (0, 0)),
        ],
        out_specs=pl.BlockSpec((BN, d_out), lambda i: (i, 0)),
        out_shape=jax.ShapeDtypeStruct((N, d_out), jnp.float32),
    )(aggp, nd, b, ns, w)


def _tc_final(aggp, nd, b):
    def body(a_ref, nd_ref, b_ref, o_ref):
        a = a_ref[0] + a_ref[1]
        o_ref[...] = a * nd_ref[...] + b_ref[...]

    return pl.pallas_call(
        body,
        grid=(N // BN,),
        in_specs=[
            pl.BlockSpec((NC, BN, F_OUT_PAD), lambda i: (0, i, 0)),
            pl.BlockSpec((BN, 1), lambda i: (i, 0)),
            pl.BlockSpec((1, F_OUT_PAD), lambda i: (0, 0)),
        ],
        out_specs=pl.BlockSpec((BN, F_OUT_PAD), lambda i: (i, 0)),
        out_shape=jax.ShapeDtypeStruct((N, F_OUT_PAD), jnp.float32),
    )(aggp, nd, b)



def kernel(feat, edge_index, W0, b0, Wh, bh, Wo, bo):
    src = edge_index[0]
    dst = edge_index[1]
    zeros_n = jnp.zeros((N,), jnp.float32)
    zeros128 = jnp.zeros((N, F_HID), jnp.float32)
    zeros48 = jnp.zeros((N, F_OUT_PAD), jnp.float32)

    degp = _sc_degrees(src, dst, zeros_n)
    norms = _tc_norms(degp)
    ns = norms[0].reshape(N, 1)
    nd = norms[1].reshape(N, 1)

    x0 = _tc_layer0(feat, ns, W0)
    a0 = _sc_agg128(x0, src, dst, zeros128)
    x1 = _tc_mid(a0, nd, b0.reshape(1, F_HID), ns, Wh, F_HID)
    a1 = _sc_agg128(x1, src, dst, zeros128)

    wo_p = jnp.zeros((F_HID, F_OUT_PAD), jnp.float32).at[:, :F_OUT].set(Wo)
    bo_p = jnp.zeros((1, F_OUT_PAD), jnp.float32).at[0, :F_OUT].set(bo)
    x2 = _tc_mid(a1, nd, bh.reshape(1, F_HID), ns, wo_p, F_OUT_PAD)
    a2 = _sc_agg_out(x2, src, dst, zeros48)
    out = _tc_final(a2, nd, bo_p)
    return out[:, :F_OUT]

# --- scband reference (transcript-rebuilt; emitter-appended) ---
"""Pipeline reference for scband-gcn-17952963297346 (READ-ONLY COPY).

The authoritative reference and input builder live on the scoring server;
editing this copy changes nothing except your own understanding.
"""

import jax, jax.numpy as jnp
import numpy as np

N_NODES = 10000
N_EDGES = 320000
IN_FEATS = 128
N_HIDDEN = 128
N_CLASSES = 40


def graph_conv(feat, W, b, src, dst, n_nodes, apply_relu):
    # DGL GraphConv with norm='both', allow_zero_in_degree=True
    ones = jnp.ones((src.shape[0],), dtype=jnp.float32)
    deg_out = jnp.zeros((n_nodes,), jnp.float32).at[src].add(ones)
    deg_in = jnp.zeros((n_nodes,), jnp.float32).at[dst].add(ones)
    norm_src = jnp.where(deg_out > 0, deg_out, 1.0) ** -0.5
    norm_dst = jnp.where(deg_in > 0, deg_in, 1.0) ** -0.5
    h = feat * norm_src[:, None]
    h = h @ W
    agg = jnp.zeros((n_nodes, h.shape[1]), h.dtype).at[dst].add(h[src])
    rst = agg * norm_dst[:, None] + b
    if apply_relu:
        rst = jax.nn.relu(rst)
    return rst


def setup_inputs(seed: int = 0) -> dict:
    key = jax.random.key(seed)
    ks = jax.random.split(key, 8)
    feat = jax.random.normal(ks[0], (N_NODES, IN_FEATS), dtype=jnp.float32)
    edge_index = jax.random.randint(ks[1], (2, N_EDGES), 0, N_NODES, dtype=jnp.int32)
    s0 = 1.0 / np.sqrt(IN_FEATS)
    s1 = 1.0 / np.sqrt(N_HIDDEN)
    W0 = jax.random.normal(ks[2], (IN_FEATS, N_HIDDEN), dtype=jnp.float32) * s0
    b0 = jnp.zeros((N_HIDDEN,), jnp.float32)
    Wh = jax.random.normal(ks[3], (N_HIDDEN, N_HIDDEN), dtype=jnp.float32) * s1
    bh = jnp.zeros((N_HIDDEN,), jnp.float32)
    Wo = jax.random.normal(ks[4], (N_HIDDEN, N_CLASSES), dtype=jnp.float32) * s1
    bo = jnp.zeros((N_CLASSES,), jnp.float32)
    return {"feat": feat, "edge_index": edge_index, "W0": W0, "b0": b0, "Wh": Wh, "bh": bh, "Wo": Wo, "bo": bo}


def reference(feat, edge_index, W0, b0, Wh, bh, Wo, bo):
    src = edge_index[0]
    dst = edge_index[1]
    n = feat.shape[0]
    # layer 0: GraphConv(in_feats, n_hidden, relu)
    h = graph_conv(feat, W0, b0, src, dst, n, True)
    # dropout -> identity at inference
    # layer 1: GraphConv(n_hidden, n_hidden, relu)
    h = graph_conv(h, Wh, bh, src, dst, n, True)
    # dropout -> identity at inference
    # layer 2: GraphConv(n_hidden, n_classes, no activation)
    h = graph_conv(h, Wo, bo, src, dst, n, False)
    return h

if __name__ == "__main__":
    import jax
    _d = setup_inputs()
    print(jax.jit(kernel)(*tuple(_d.values())))

</pallas_src>

<mosaic_0001>
#map = affine_map<(d0, d1) -> (0, 0)>
#map1 = affine_map<(d0, d1) -> (0)>
#map2 = affine_map<(d0, d1) -> (0, 0, 0)>
module attributes {stable_mosaic.version = 14 : i64} {
  func.func @_agg(%arg0: i32, %arg1: i32, %arg2: memref<10000x128xf32, #tpu.memory_space<hbm>>, %arg3: memref<320000xi32, #tpu.memory_space<hbm>>, %arg4: memref<320000xi32, #tpu.memory_space<hbm>>, %arg5: memref<10000x128xf32, #tpu.memory_space<hbm>>, %arg6: memref<2x10000x128xf32, #tpu.memory_space<hbm>>, %arg7: memref<128xi32, #tpu.memory_space<vmem>>, %arg8: memref<128xi32, #tpu.memory_space<vmem>>, %arg9: memref<128xi32, #tpu.memory_space<vmem>>, %arg10: memref<128xi32, #tpu.memory_space<vmem>>, %arg11: memref<16xi32, #tpu.memory_space<vmem>>, %arg12: memref<16xi32, #tpu.memory_space<vmem>>, %arg13: memref<128x128xf32, #tpu.memory_space<vmem>>, %arg14: memref<128x128xf32, #tpu.memory_space<vmem>>, %arg15: memref<10000x128xf32, #tpu.memory_space<vmem_shared>>, %arg16: memref<!tpu.dma_semaphore, #tpu.memory_space<semaphore_mem>>, %arg17: memref<!tpu.dma_semaphore, #tpu.memory_space<semaphore_mem>>) attributes {dimension_semantics = [#tpu.dimension_semantics<core_parallel>, #tpu.dimension_semantics<subcore_parallel>], iteration_bounds = array<i64: 2, 16>, scalar_prefetch = 0 : i64, scratch_operands = 11 : i64, tpu.core_type = #tpu.core_type<sc_vector_subcore>, window_params = [{transform_indices = #map}, {transform_indices = #map1}, {transform_indices = #map1}, {transform_indices = #map}, {transform_indices = #map2}]} {
    %mul3A = arith.constant 16 : i32
    %mul3A_0 = arith.muli %arg0, %mul3A : i32
    %add3A = arith.addi %mul3A_0, %arg1 : i32
    %lt3A = arith.constant 15 : i32
    %lt3A_1 = arith.cmpi slt, %arg1, %lt3A : i32
    %convert_element_type3A = arith.extui %lt3A_1 : i1 to i32
    %cond3A = arith.constant 0 : i32
    %cond3A_2 = arith.cmpi ne, %convert_element_type3A, %cond3A : i32
    scf.if %cond3A_2 {
      %mul3A_33 = arith.constant 624 : i32
      %mul3A_34 = arith.muli %arg1, %mul3A_33 : i32
      %mul3A_35 = arith.constant 624 : i32
      %mul3A_36 = arith.muli %arg1, %mul3A_35 : i32
      "tpu.region"() ({
        %run_scoped3A = tpu.sem_alloc : memref<!tpu.dma_semaphore, #tpu.memory_space<semaphore_mem>>
        %dma_start3A_37 = arith.constant 0 : i32
        %dma_start3A_38 = tpu.memref_slice %arg15[%mul3A_36, %dma_start3A_37] : memref<10000x128xf32, #tpu.memory_space<vmem_shared>> -> memref<624x128xf32, #tpu.memory_space<vmem_shared>>
        %dma_start3A_39 = arith.constant 0 : i32
        %dma_start3A_40 = tpu.memref_slice %arg5[%mul3A_34, %dma_start3A_39] : memref<10000x128xf32, #tpu.memory_space<hbm>> -> memref<624x128xf32, #tpu.memory_space<hbm>>
        tpu.enqueue_dma source(%dma_start3A_40 : memref<624x128xf32, #tpu.memory_space<hbm>>) target(%dma_start3A_38 : memref<624x128xf32, #tpu.memory_space<vmem_shared>>) target_semaphore(%run_scoped3A : memref<!tpu.dma_semaphore, #tpu.memory_space<semaphore_mem>>)
        %dma_wait3A = arith.constant 0 : i32
        %dma_wait3A_41 = tpu.memref_slice %arg15[%mul3A_36, %dma_wait3A] : memref<10000x128xf32, #tpu.memory_space<vmem_shared>> -> memref<624x128xf32, #tpu.memory_space<vmem_shared>>
        %dma_wait3A_42 = arith.constant 0 : i32
        %dma_wait3A_43 = tpu.memref_slice %arg5[%mul3A_34, %dma_wait3A_42] : memref<10000x128xf32, #tpu.memory_space<hbm>> -> memref<624x128xf32, #tpu.memory_space<hbm>>
        tpu.wait_dma2 semaphore(%run_scoped3A : memref<!tpu.dma_semaphore, #tpu.memory_space<semaphore_mem>>) src(%dma_wait3A_43 : memref<624x128xf32, #tpu.memory_space<hbm>>) dst(%dma_wait3A_41 : memref<624x128xf32, #tpu.memory_space<vmem_shared>>)
        tpu.yield
      }) : () -> ()
    } else {
    }
    %eq3A = arith.constant 15 : i32
    %eq3A_3 = arith.cmpi eq, %arg1, %eq3A : i32
    %convert_element_type3A_4 = arith.extui %eq3A_3 : i1 to i32
    %cond3A_5 = arith.constant 0 : i32
    %cond3A_6 = arith.cmpi ne, %convert_element_type3A_4, %cond3A_5 : i32
    scf.if %cond3A_6 {
      "tpu.region"() ({
        %run_scoped3A = tpu.sem_alloc : memref<!tpu.dma_semaphore, #tpu.memory_space<semaphore_mem>>
        %dma_start3A_33 = arith.constant 9360 : i32
        %dma_start3A_34 = arith.constant 0 : i32
        %dma_start3A_35 = tpu.memref_slice %arg15[%dma_start3A_33, %dma_start3A_34] : memref<10000x128xf32, #tpu.memory_space<vmem_shared>> -> memref<640x128xf32, #tpu.memory_space<vmem_shared>>
        %dma_start3A_36 = arith.constant 9360 : i32
        %dma_start3A_37 = arith.constant 0 : i32
        %dma_start3A_38 = tpu.memref_slice %arg5[%dma_start3A_36, %dma_start3A_37] : memref<10000x128xf32, #tpu.memory_space<hbm>> -> memref<640x128xf32, #tpu.memory_space<hbm>>
        tpu.enqueue_dma source(%dma_start3A_38 : memref<640x128xf32, #tpu.memory_space<hbm>>) target(%dma_start3A_35 : memref<640x128xf32, #tpu.memory_space<vmem_shared>>) target_semaphore(%run_scoped3A : memref<!tpu.dma_semaphore, #tpu.memory_space<semaphore_mem>>)
        %dma_wait3A = arith.constant 9360 : i32
        %dma_wait3A_39 = arith.constant 0 : i32
        %dma_wait3A_40 = tpu.memref_slice %arg15[%dma_wait3A, %dma_wait3A_39] : memref<10000x128xf32, #tpu.memory_space<vmem_shared>> -> memref<640x128xf32, #tpu.memory_space<vmem_shared>>
        %dma_wait3A_41 = arith.constant 9360 : i32
        %dma_wait3A_42 = arith.constant 0 : i32
        %dma_wait3A_43 = tpu.memref_slice %arg5[%dma_wait3A_41, %dma_wait3A_42] : memref<10000x128xf32, #tpu.memory_space<hbm>> -> memref<640x128xf32, #tpu.memory_space<hbm>>
        tpu.wait_dma2 semaphore(%run_scoped3A : memref<!tpu.dma_semaphore, #tpu.memory_space<semaphore_mem>>) src(%dma_wait3A_43 : memref<640x128xf32, #tpu.memory_space<hbm>>) dst(%dma_wait3A_40 : memref<640x128xf32, #tpu.memory_space<vmem_shared>>)
        tpu.yield
      }) : () -> ()
    } else {
    }
    %barrier3A = arith.constant 0 : index
    tpu.barrier barrier_id(%barrier3A)
    %mul3A_7 = arith.constant 10000 : i32
    %mul3A_8 = arith.muli %add3A, %mul3A_7 : i32
    %add3A_9 = arith.constant 0 : i32
    %add3A_10 = arith.addi %mul3A_8, %add3A_9 : i32
    "tpu.region"() ({
      %run_scoped3A = tpu.sem_alloc : memref<!tpu.dma_semaphore, #tpu.memory_space<semaphore_mem>>
      %dma_start3A_33 = tpu.memref_slice %arg3[%add3A_10] : memref<320000xi32, #tpu.memory_space<hbm>> -> memref<128xi32, #tpu.memory_space<hbm>>
      %dma_start3A_34 = tpu.memref_slice %arg3[%add3A_10] : memref<320000xi32, #tpu.memory_space<hbm>> -> memref<128xi32, #tpu.memory_space<hbm>>
      tpu.enqueue_dma source(%dma_start3A_34 : memref<128xi32, #tpu.memory_space<hbm>>) target(%arg7 : memref<128xi32, #tpu.memory_space<vmem>>) target_semaphore(%run_scoped3A : memref<!tpu.dma_semaphore, #tpu.memory_space<semaphore_mem>>)
      %dma_wait3A = tpu.memref_slice %arg3[%add3A_10] : memref<320000xi32, #tpu.memory_space<hbm>> -> memref<128xi32, #tpu.memory_space<hbm>>
      %dma_wait3A_35 = tpu.memref_slice %arg3[%add3A_10] : memref<320000xi32, #tpu.memory_space<hbm>> -> memref<128xi32, #tpu.memory_space<hbm>>
      tpu.wait_dma2 semaphore(%run_scoped3A : memref<!tpu.dma_semaphore, #tpu.memory_space<semaphore_mem>>) src(%dma_wait3A_35 : memref<128xi32, #tpu.memory_space<hbm>>) dst(%arg7 : memref<128xi32, #tpu.memory_space<vmem>>)
      tpu.yield
    }) : () -> ()
    %add3A_11 = arith.constant 0 : i32
    %add3A_12 = arith.addi %mul3A_8, %add3A_11 : i32
    "tpu.region"() ({
      %run_scoped3A = tpu.sem_alloc : memref<!tpu.dma_semaphore, #tpu.memory_space<semaphore_mem>>
      %dma_start3A_33 = tpu.memref_slice %arg4[%add3A_12] : memref<320000xi32, #tpu.memory_space<hbm>> -> memref<128xi32, #tpu.memory_space<hbm>>
      %dma_start3A_34 = tpu.memref_slice %arg4[%add3A_12] : memref<320000xi32, #tpu.memory_space<hbm>> -> memref<128xi32, #tpu.memory_space<hbm>>
      tpu.enqueue_dma source(%dma_start3A_34 : memref<128xi32, #tpu.memory_space<hbm>>) target(%arg8 : memref<128xi32, #tpu.memory_space<vmem>>) target_semaphore(%run_scoped3A : memref<!tpu.dma_semaphore, #tpu.memory_space<semaphore_mem>>)
      %dma_wait3A = tpu.memref_slice %arg4[%add3A_12] : memref<320000xi32, #tpu.memory_space<hbm>> -> memref<128xi32, #tpu.memory_space<hbm>>
      %dma_wait3A_35 = tpu.memref_slice %arg4[%add3A_12] : memref<320000xi32, #tpu.memory_space<hbm>> -> memref<128xi32, #tpu.memory_space<hbm>>
      tpu.wait_dma2 semaphore(%run_scoped3A : memref<!tpu.dma_semaphore, #tpu.memory_space<semaphore_mem>>) src(%dma_wait3A_35 : memref<128xi32, #tpu.memory_space<hbm>>) dst(%arg8 : memref<128xi32, #tpu.memory_space<vmem>>)
      tpu.yield
    }) : () -> ()
    %dma_start3A = arith.constant 0 : i32
    %dma_start3A_13 = arith.constant 0 : i32
    %dma_start3A_14 = tpu.memref_slice %arg2[%dma_start3A, %dma_start3A_13] : memref<10000x128xf32, #tpu.memory_space<hbm>> -> memref<10000x128xf32, #tpu.memory_space<hbm>>
    tpu.enqueue_indirect_dma source(%dma_start3A_14 : memref<10000x128xf32, #tpu.memory_space<hbm>>) target(%arg13 : memref<128x128xf32, #tpu.memory_space<vmem>>) offsets(%arg7 : memref<128xi32, #tpu.memory_space<vmem>>) semaphore(%arg16 : memref<!tpu.dma_semaphore, #tpu.memory_space<semaphore_mem>>)
    %scan3A = arith.constant 0 : i32
    %scan3A_15 = arith.constant 0 : i32
    %scan3A_16 = arith.constant 39 : i32
    %scan3A_17 = arith.addi %scan3A_15, %scan3A_16 : i32
    %scan3A_18 = arith.constant 1 : i32
    scf.for %scan3A_33 = %scan3A_15 to %scan3A_17 step %scan3A_18  : i32 {
      %mul3A_34 = arith.constant 2 : i32
      %mul3A_35 = arith.muli %mul3A_34, %scan3A_33 : i32
      %add3A_36 = arith.constant 1 : i32
      %add3A_37 = arith.addi %mul3A_35, %add3A_36 : i32
      %mul3A_38 = arith.constant 128 : i32
      %mul3A_39 = arith.muli %add3A_37, %mul3A_38 : i32
      %add3A_40 = arith.addi %mul3A_8, %mul3A_39 : i32
      "tpu.region"() ({
        %run_scoped3A = tpu.sem_alloc : memref<!tpu.dma_semaphore, #tpu.memory_space<semaphore_mem>>
        %dma_start3A_59 = tpu.memref_slice %arg3[%add3A_40] : memref<320000xi32, #tpu.memory_space<hbm>> -> memref<128xi32, #tpu.memory_space<hbm>>
        %dma_start3A_60 = tpu.memref_slice %arg3[%add3A_40] : memref<320000xi32, #tpu.memory_space<hbm>> -> memref<128xi32, #tpu.memory_space<hbm>>
        tpu.enqueue_dma source(%dma_start3A_60 : memref<128xi32, #tpu.memory_space<hbm>>) target(%arg9 : memref<128xi32, #tpu.memory_space<vmem>>) target_semaphore(%run_scoped3A : memref<!tpu.dma_semaphore, #tpu.memory_space<semaphore_mem>>)
        %dma_wait3A_61 = tpu.memref_slice %arg3[%add3A_40] : memref<320000xi32, #tpu.memory_space<hbm>> -> memref<128xi32, #tpu.memory_space<hbm>>
        %dma_wait3A_62 = tpu.memref_slice %arg3[%add3A_40] : memref<320000xi32, #tpu.memory_space<hbm>> -> memref<128xi32, #tpu.memory_space<hbm>>
        tpu.wait_dma2 semaphore(%run_scoped3A : memref<!tpu.dma_semaphore, #tpu.memory_space<semaphore_mem>>) src(%dma_wait3A_62 : memref<128xi32, #tpu.memory_space<hbm>>) dst(%arg9 : memref<128xi32, #tpu.memory_space<vmem>>)
        tpu.yield
      }) : () -> ()
      %mul3A_41 = arith.constant 128 : i32
      %mul3A_42 = arith.muli %add3A_37, %mul3A_41 : i32
      %add3A_43 = arith.addi %mul3A_8, %mul3A_42 : i32
      "tpu.region"() ({
        %run_scoped3A = tpu.sem_alloc : memref<!tpu.dma_semaphore, #tpu.memory_space<semaphore_mem>>
        %dma_start3A_59 = tpu.memref_slice %arg4[%add3A_43] : memref<320000xi32, #tpu.memory_space<hbm>> -> memref<128xi32, #tpu.memory_space<hbm>>
        %dma_start3A_60 = tpu.memref_slice %arg4[%add3A_43] : memref<320000xi32, #tpu.memory_space<hbm>> -> memref<128xi32, #tpu.memory_space<hbm>>
        tpu.enqueue_dma source(%dma_start3A_60 : memref<128xi32, #tpu.memory_space<hbm>>) target(%arg10 : memref<128xi32, #tpu.memory_space<vmem>>) target_semaphore(%run_scoped3A : memref<!tpu.dma_semaphore, #tpu.memory_space<semaphore_mem>>)
        %dma_wait3A_61 = tpu.memref_slice %arg4[%add3A_43] : memref<320000xi32, #tpu.memory_space<hbm>> -> memref<128xi32, #tpu.memory_space<hbm>>
        %dma_wait3A_62 = tpu.memref_slice %arg4[%add3A_43] : memref<320000xi32, #tpu.memory_space<hbm>> -> memref<128xi32, #tpu.memory_space<hbm>>
        tpu.wait_dma2 semaphore(%run_scoped3A : memref<!tpu.dma_semaphore, #tpu.memory_space<semaphore_mem>>) src(%dma_wait3A_62 : memref<128xi32, #tpu.memory_space<hbm>>) dst(%arg10 : memref<128xi32, #tpu.memory_space<vmem>>)
        tpu.yield
      }) : () -> ()
      %dma_start3A_44 = arith.constant 0 : i32
      %dma_start3A_45 = arith.constant 0 : i32
      %dma_start3A_46 = tpu.memref_slice %arg2[%dma_start3A_44, %dma_start3A_45] : memref<10000x128xf32, #tpu.memory_space<hbm>> -> memref<10000x128xf32, #tpu.memory_space<hbm>>
      tpu.enqueue_indirect_dma source(%dma_start3A_46 : memref<10000x128xf32, #tpu.memory_space<hbm>>) target(%arg14 : memref<128x128xf32, #tpu.memory_space<vmem>>) offsets(%arg9 : memref<128xi32, #tpu.memory_space<vmem>>) semaphore(%arg17 : memref<!tpu.dma_semaphore, #tpu.memory_space<semaphore_mem>>)
      %dma_wait3A = arith.constant 0 : i32
      %dma_wait3A_47 = arith.constant 0 : i32
      %dma_wait3A_48 = tpu.memref_slice %arg2[%dma_wait3A, %dma_wait3A_47] : memref<10000x128xf32, #tpu.memory_space<hbm>> -> memref<10000x128xf32, #tpu.memory_space<hbm>>
      tpu.wait_indirect_dma semaphore(%arg16 : memref<!tpu.dma_semaphore, #tpu.memory_space<semaphore_mem>>) src(%dma_wait3A_48 : memref<10000x128xf32, #tpu.memory_space<hbm>>) dst(%arg13 : memref<128x128xf32, #tpu.memory_space<vmem>>)
      "tpu.region"() ({
        %run_scoped3A = tpu.sem_alloc : memref<!tpu.dma_semaphore, #tpu.memory_space<semaphore_mem>>
        %dma_start3A_59 = arith.constant 0 : i32
        %dma_start3A_60 = arith.constant 0 : i32
        %dma_start3A_61 = tpu.memref_slice %arg15[%dma_start3A_59, %dma_start3A_60] : memref<10000x128xf32, #tpu.memory_space<vmem_shared>> -> memref<10000x128xf32, #tpu.memory_space<vmem_shared>>
        tpu.enqueue_indirect_dma source(%arg13 : memref<128x128xf32, #tpu.memory_space<vmem>>) target(%dma_start3A_61 : memref<10000x128xf32, #tpu.memory_space<vmem_shared>>) offsets(%arg8 : memref<128xi32, #tpu.memory_space<vmem>>) semaphore(%run_scoped3A : memref<!tpu.dma_semaphore, #tpu.memory_space<semaphore_mem>>) {add = true}
        %dma_wait3A_62 = arith.constant 0 : i32
        %dma_wait3A_63 = arith.constant 0 : i32
        %dma_wait3A_64 = tpu.memref_slice %arg15[%dma_wait3A_62, %dma_wait3A_63] : memref<10000x128xf32, #tpu.memory_space<vmem_shared>> -> memref<10000x128xf32, #tpu.memory_space<vmem_shared>>
        tpu.wait_indirect_dma semaphore(%run_scoped3A : memref<!tpu.dma_semaphore, #tpu.memory_space<semaphore_mem>>) src(%arg13 : memref<128x128xf32, #tpu.memory_space<vmem>>) dst(%dma_wait3A_64 : memref<10000x128xf32, #tpu.memory_space<vmem_shared>>)
        tpu.yield
      }) : () -> ()
      %add3A_49 = arith.constant 2 : i32
      %add3A_50 = arith.addi %mul3A_35, %add3A_49 : i32
      %lt3A_51 = arith.constant 78 : i32
      %lt3A_52 = arith.cmpi slt, %add3A_50, %lt3A_51 : i32
      %convert_element_type3A_53 = arith.extui %lt3A_52 : i1 to i32
      %cond3A_54 = arith.constant 0 : i32
      %cond3A_55 = arith.cmpi ne, %convert_element_type3A_53, %cond3A_54 : i32
      scf.if %cond3A_55 {
        %add3A_59 = arith.constant 2 : i32
        %add3A_60 = arith.addi %mul3A_35, %add3A_59 : i32
        %mul3A_61 = arith.constant 128 : i32
        %mul3A_62 = arith.muli %add3A_60, %mul3A_61 : i32
        %add3A_63 = arith.addi %mul3A_8, %mul3A_62 : i32
        "tpu.region"() ({
          %run_scoped3A = tpu.sem_alloc : memref<!tpu.dma_semaphore, #tpu.memory_space<semaphore_mem>>
          %dma_start3A_70 = tpu.memref_slice %arg3[%add3A_63] : memref<320000xi32, #tpu.memory_space<hbm>> -> memref<128xi32, #tpu.memory_space<hbm>>
          %dma_start3A_71 = tpu.memref_slice %arg3[%add3A_63] : memref<320000xi32, #tpu.memory_space<hbm>> -> memref<128xi32, #tpu.memory_space<hbm>>
          tpu.enqueue_dma source(%dma_start3A_71 : memref<128xi32, #tpu.memory_space<hbm>>) target(%arg7 : memref<128xi32, #tpu.memory_space<vmem>>) target_semaphore(%run_scoped3A : memref<!tpu.dma_semaphore, #tpu.memory_space<semaphore_mem>>)
          %dma_wait3A_72 = tpu.memref_slice %arg3[%add3A_63] : memref<320000xi32, #tpu.memory_space<hbm>> -> memref<128xi32, #tpu.memory_space<hbm>>
          %dma_wait3A_73 = tpu.memref_slice %arg3[%add3A_63] : memref<320000xi32, #tpu.memory_space<hbm>> -> memref<128xi32, #tpu.memory_space<hbm>>
          tpu.wait_dma2 semaphore(%run_scoped3A : memref<!tpu.dma_semaphore, #tpu.memory_space<semaphore_mem>>) src(%dma_wait3A_73 : memref<128xi32, #tpu.memory_space<hbm>>) dst(%arg7 : memref<128xi32, #tpu.memory_space<vmem>>)
          tpu.yield
        }) : () -> ()
        %mul3A_64 = arith.constant 128 : i32
        %mul3A_65 = arith.muli %add3A_60, %mul3A_64 : i32
        %add3A_66 = arith.addi %mul3A_8, %mul3A_65 : i32
        "tpu.region"() ({
          %run_scoped3A = tpu.sem_alloc : memref<!tpu.dma_semaphore, #tpu.memory_space<semaphore_mem>>
          %dma_start3A_70 = tpu.memref_slice %arg4[%add3A_66] : memref<320000xi32, #tpu.memory_space<hbm>> -> memref<128xi32, #tpu.memory_space<hbm>>
          %dma_start3A_71 = tpu.memref_slice %arg4[%add3A_66] : memref<320000xi32, #tpu.memory_space<hbm>> -> memref<128xi32, #tpu.memory_space<hbm>>
          tpu.enqueue_dma source(%dma_start3A_71 : memref<128xi32, #tpu.memory_space<hbm>>) target(%arg8 : memref<128xi32, #tpu.memory_space<vmem>>) target_semaphore(%run_scoped3A : memref<!tpu.dma_semaphore, #tpu.memory_space<semaphore_mem>>)
          %dma_wait3A_72 = tpu.memref_slice %arg4[%add3A_66] : memref<320000xi32, #tpu.memory_space<hbm>> -> memref<128xi32, #tpu.memory_space<hbm>>
          %dma_wait3A_73 = tpu.memref_slice %arg4[%add3A_66] : memref<320000xi32, #tpu.memory_space<hbm>> -> memref<128xi32, #tpu.memory_space<hbm>>
          tpu.wait_dma2 semaphore(%run_scoped3A : memref<!tpu.dma_semaphore, #tpu.memory_space<semaphore_mem>>) src(%dma_wait3A_73 : memref<128xi32, #tpu.memory_space<hbm>>) dst(%arg8 : memref<128xi32, #tpu.memory_space<vmem>>)
          tpu.yield
        }) : () -> ()
        %dma_start3A_67 = arith.constant 0 : i32
        %dma_start3A_68 = arith.constant 0 : i32
        %dma_start3A_69 = tpu.memref_slice %arg2[%dma_start3A_67, %dma_start3A_68] : memref<10000x128xf32, #tpu.memory_space<hbm>> -> memref<10000x128xf32, #tpu.memory_space<hbm>>
        tpu.enqueue_indirect_dma source(%dma_start3A_69 : memref<10000x128xf32, #tpu.memory_space<hbm>>) target(%arg13 : memref<128x128xf32, #tpu.memory_space<vmem>>) offsets(%arg7 : memref<128xi32, #tpu.memory_space<vmem>>) semaphore(%arg16 : memref<!tpu.dma_semaphore, #tpu.memory_space<semaphore_mem>>)
      } else {
      }
      %dma_wait3A_56 = arith.constant 0 : i32
      %dma_wait3A_57 = arith.constant 0 : i32
      %dma_wait3A_58 = tpu.memref_slice %arg2[%dma_wait3A_56, %dma_wait3A_57] : memref<10000x128xf32, #tpu.memory_space<hbm>> -> memref<10000x128xf32, #tpu.memory_space<hbm>>
      tpu.wait_indirect_dma semaphore(%arg17 : memref<!tpu.dma_semaphore, #tpu.memory_space<semaphore_mem>>) src(%dma_wait3A_58 : memref<10000x128xf32, #tpu.memory_space<hbm>>) dst(%arg14 : memref<128x128xf32, #tpu.memory_space<vmem>>)
      "tpu.region"() ({
        %run_scoped3A = tpu.sem_alloc : memref<!tpu.dma_semaphore, #tpu.memory_space<semaphore_mem>>
        %dma_start3A_59 = arith.constant 0 : i32
        %dma_start3A_60 = arith.constant 0 : i32
        %dma_start3A_61 = tpu.memref_slice %arg15[%dma_start3A_59, %dma_start3A_60] : memref<10000x128xf32, #tpu.memory_space<vmem_shared>> -> memref<10000x128xf32, #tpu.memory_space<vmem_shared>>
        tpu.enqueue_indirect_dma source(%arg14 : memref<128x128xf32, #tpu.memory_space<vmem>>) target(%dma_start3A_61 : memref<10000x128xf32, #tpu.memory_space<vmem_shared>>) offsets(%arg10 : memref<128xi32, #tpu.memory_space<vmem>>) semaphore(%run_scoped3A : memref<!tpu.dma_semaphore, #tpu.memory_space<semaphore_mem>>) {add = true}
        %dma_wait3A_62 = arith.constant 0 : i32
        %dma_wait3A_63 = arith.constant 0 : i32
        %dma_wait3A_64 = tpu.memref_slice %arg15[%dma_wait3A_62, %dma_wait3A_63] : memref<10000x128xf32, #tpu.memory_space<vmem_shared>> -> memref<10000x128xf32, #tpu.memory_space<vmem_shared>>
        tpu.wait_indirect_dma semaphore(%run_scoped3A : memref<!tpu.dma_semaphore, #tpu.memory_space<semaphore_mem>>) src(%arg14 : memref<128x128xf32, #tpu.memory_space<vmem>>) dst(%dma_wait3A_64 : memref<10000x128xf32, #tpu.memory_space<vmem_shared>>)
        tpu.yield
      }) : () -> ()
    }
    %scan3A_19 = arith.constant 39 : i32
    %add3A_20 = arith.constant 9984 : i32
    %add3A_21 = arith.addi %mul3A_8, %add3A_20 : i32
    "tpu.region"() ({
      %run_scoped3A = tpu.sem_alloc : memref<!tpu.dma_semaphore, #tpu.memory_space<semaphore_mem>>
      %dma_start3A_33 = tpu.memref_slice %arg3[%add3A_21] : memref<320000xi32, #tpu.memory_space<hbm>> -> memref<16xi32, #tpu.memory_space<hbm>>
      %dma_start3A_34 = tpu.memref_slice %arg3[%add3A_21] : memref<320000xi32, #tpu.memory_space<hbm>> -> memref<16xi32, #tpu.memory_space<hbm>>
      tpu.enqueue_dma source(%dma_start3A_34 : memref<16xi32, #tpu.memory_space<hbm>>) target(%arg11 : memref<16xi32, #tpu.memory_space<vmem>>) target_semaphore(%run_scoped3A : memref<!tpu.dma_semaphore, #tpu.memory_space<semaphore_mem>>)
      %dma_wait3A = tpu.memref_slice %arg3[%add3A_21] : memref<320000xi32, #tpu.memory_space<hbm>> -> memref<16xi32, #tpu.memory_space<hbm>>
      %dma_wait3A_35 = tpu.memref_slice %arg3[%add3A_21] : memref<320000xi32, #tpu.memory_space<hbm>> -> memref<16xi32, #tpu.memory_space<hbm>>
      tpu.wait_dma2 semaphore(%run_scoped3A : memref<!tpu.dma_semaphore, #tpu.memory_space<semaphore_mem>>) src(%dma_wait3A_35 : memref<16xi32, #tpu.memory_space<hbm>>) dst(%arg11 : memref<16xi32, #tpu.memory_space<vmem>>)
      tpu.yield
    }) : () -> ()
    "tpu.region"() ({
      %run_scoped3A = tpu.sem_alloc : memref<!tpu.dma_semaphore, #tpu.memory_space<semaphore_mem>>
      %dma_start3A_33 = arith.constant 0 : i32
      %dma_start3A_34 = arith.constant 0 : i32
      %dma_start3A_35 = tpu.memref_slice %arg13[%dma_start3A_33, %dma_start3A_34] : memref<128x128xf32, #tpu.memory_space<vmem>> -> memref<16x128xf32, #tpu.memory_space<vmem>>
      %dma_start3A_36 = arith.constant 0 : i32
      %dma_start3A_37 = arith.constant 0 : i32
      %dma_start3A_38 = tpu.memref_slice %arg2[%dma_start3A_36, %dma_start3A_37] : memref<10000x128xf32, #tpu.memory_space<hbm>> -> memref<10000x128xf32, #tpu.memory_space<hbm>>
      tpu.enqueue_indirect_dma source(%dma_start3A_38 : memref<10000x128xf32, #tpu.memory_space<hbm>>) target(%dma_start3A_35 : memref<16x128xf32, #tpu.memory_space<vmem>>) offsets(%arg11 : memref<16xi32, #tpu.memory_space<vmem>>) semaphore(%run_scoped3A : memref<!tpu.dma_semaphore, #tpu.memory_space<semaphore_mem>>)
      %dma_wait3A = arith.constant 0 : i32
      %dma_wait3A_39 = arith.constant 0 : i32
      %dma_wait3A_40 = tpu.memref_slice %arg13[%dma_wait3A, %dma_wait3A_39] : memref<128x128xf32, #tpu.memory_space<vmem>> -> memref<16x128xf32, #tpu.memory_space<vmem>>
      %dma_wait3A_41 = arith.constant 0 : i32
      %dma_wait3A_42 = arith.constant 0 : i32
      %dma_wait3A_43 = tpu.memref_slice %arg2[%dma_wait3A_41, %dma_wait3A_42] : memref<10000x128xf32, #tpu.memory_space<hbm>> -> memref<10000x128xf32, #tpu.memory_space<hbm>>
      tpu.wait_indirect_dma semaphore(%run_scoped3A : memref<!tpu.dma_semaphore, #tpu.memory_space<semaphore_mem>>) src(%dma_wait3A_43 : memref<10000x128xf32, #tpu.memory_space<hbm>>) dst(%dma_wait3A_40 : memref<16x128xf32, #tpu.memory_space<vmem>>)
      tpu.yield
    }) : () -> ()
    "tpu.region"() ({
      %run_scoped3A = tpu.sem_alloc : memref<!tpu.dma_semaphore, #tpu.memory_space<semaphore_mem>>
      %dma_start3A_33 = tpu.memref_slice %arg4[%add3A_21] : memref<320000xi32, #tpu.memory_space<hbm>> -> memref<16xi32, #tpu.memory_space<hbm>>
      %dma_start3A_34 = tpu.memref_slice %arg4[%add3A_21] : memref<320000xi32, #tpu.memory_space<hbm>> -> memref<16xi32, #tpu.memory_space<hbm>>
      tpu.enqueue_dma source(%dma_start3A_34 : memref<16xi32, #tpu.memory_space<hbm>>) target(%arg12 : memref<16xi32, #tpu.memory_space<vmem>>) target_semaphore(%run_scoped3A : memref<!tpu.dma_semaphore, #tpu.memory_space<semaphore_mem>>)
      %dma_wait3A = tpu.memref_slice %arg4[%add3A_21] : memref<320000xi32, #tpu.memory_space<hbm>> -> memref<16xi32, #tpu.memory_space<hbm>>
      %dma_wait3A_35 = tpu.memref_slice %arg4[%add3A_21] : memref<320000xi32, #tpu.memory_space<hbm>> -> memref<16xi32, #tpu.memory_space<hbm>>
      tpu.wait_dma2 semaphore(%run_scoped3A : memref<!tpu.dma_semaphore, #tpu.memory_space<semaphore_mem>>) src(%dma_wait3A_35 : memref<16xi32, #tpu.memory_space<hbm>>) dst(%arg12 : memref<16xi32, #tpu.memory_space<vmem>>)
      tpu.yield
    }) : () -> ()
    "tpu.region"() ({
      %run_scoped3A = tpu.sem_alloc : memref<!tpu.dma_semaphore, #tpu.memory_space<semaphore_mem>>
      %dma_start3A_33 = arith.constant 0 : i32
      %dma_start3A_34 = arith.constant 0 : i32
      %dma_start3A_35 = tpu.memref_slice %arg13[%dma_start3A_33, %dma_start3A_34] : memref<128x128xf32, #tpu.memory_space<vmem>> -> memref<16x128xf32, #tpu.memory_space<vmem>>
      %dma_start3A_36 = arith.constant 0 : i32
      %dma_start3A_37 = arith.constant 0 : i32
      %dma_start3A_38 = tpu.memref_slice %arg15[%dma_start3A_36, %dma_start3A_37] : memref<10000x128xf32, #tpu.memory_space<vmem_shared>> -> memref<10000x128xf32, #tpu.memory_space<vmem_shared>>
      tpu.enqueue_indirect_dma source(%dma_start3A_35 : memref<16x128xf32, #tpu.memory_space<vmem>>) target(%dma_start3A_38 : memref<10000x128xf32, #tpu.memory_space<vmem_shared>>) offsets(%arg12 : memref<16xi32, #tpu.memory_space<vmem>>) semaphore(%run_scoped3A : memref<!tpu.dma_semaphore, #tpu.memory_space<semaphore_mem>>) {add = true}
      %dma_wait3A = arith.constant 0 : i32
      %dma_wait3A_39 = arith.constant 0 : i32
      %dma_wait3A_40 = tpu.memref_slice %arg13[%dma_wait3A, %dma_wait3A_39] : memref<128x128xf32, #tpu.memory_space<vmem>> -> memref<16x128xf32, #tpu.memory_space<vmem>>
      %dma_wait3A_41 = arith.constant 0 : i32
      %dma_wait3A_42 = arith.constant 0 : i32
      %dma_wait3A_43 = tpu.memref_slice %arg15[%dma_wait3A_41, %dma_wait3A_42] : memref<10000x128xf32, #tpu.memory_space<vmem_shared>> -> memref<10000x128xf32, #tpu.memory_space<vmem_shared>>
      tpu.wait_indirect_dma semaphore(%run_scoped3A : memref<!tpu.dma_semaphore, #tpu.memory_space<semaphore_mem>>) src(%dma_wait3A_40 : memref<16x128xf32, #tpu.memory_space<vmem>>) dst(%dma_wait3A_43 : memref<10000x128xf32, #tpu.memory_space<vmem_shared>>)
      tpu.yield
    }) : () -> ()
    %barrier3A_22 = arith.constant 0 : index
    tpu.barrier barrier_id(%barrier3A_22)
    %lt3A_23 = arith.constant 15 : i32
    %lt3A_24 = arith.cmpi slt, %arg1, %lt3A_23 : i32
    %convert_element_type3A_25 = arith.extui %lt3A_24 : i1 to i32
    %cond3A_26 = arith.constant 0 : i32
    %cond3A_27 = arith.cmpi ne, %convert_element_type3A_25, %cond3A_26 : i32
    scf.if %cond3A_27 {
      %mul3A_33 = arith.constant 624 : i32
      %mul3A_34 = arith.muli %arg1, %mul3A_33 : i32
      %mul3A_35 = arith.constant 624 : i32
      %mul3A_36 = arith.muli %arg1, %mul3A_35 : i32
      "tpu.region"() ({
        %run_scoped3A = tpu.sem_alloc : memref<!tpu.dma_semaphore, #tpu.memory_space<semaphore_mem>>
        %dma_start3A_37 = arith.constant 0 : i32
        %dma_start3A_38 = tpu.memref_slice %arg6[%arg0, %mul3A_36, %dma_start3A_37] : memref<2x10000x128xf32, #tpu.memory_space<hbm>> -> memref<1x624x128xf32, #tpu.memory_space<hbm>>
        %dma_start3A_39 = tpu.memref_squeeze %dma_start3A_38 : memref<1x624x128xf32, #tpu.memory_space<hbm>> -> memref<624x128xf32, #tpu.memory_space<hbm>>
        %dma_start3A_40 = arith.constant 0 : i32
        %dma_start3A_41 = tpu.memref_slice %arg15[%mul3A_34, %dma_start3A_40] : memref<10000x128xf32, #tpu.memory_space<vmem_shared>> -> memref<624x128xf32, #tpu.memory_space<vmem_shared>>
        tpu.enqueue_dma source(%dma_start3A_41 : memref<624x128xf32, #tpu.memory_space<vmem_shared>>) target(%dma_start3A_39 : memref<624x128xf32, #tpu.memory_space<hbm>>) target_semaphore(%run_scoped3A : memref<!tpu.dma_semaphore, #tpu.memory_space<semaphore_mem>>)
        %dma_wait3A = arith.constant 0 : i32
        %dma_wait3A_42 = tpu.memref_slice %arg6[%arg0, %mul3A_36, %dma_wait3A] : memref<2x10000x128xf32, #tpu.memory_space<hbm>> -> memref<1x624x128xf32, #tpu.memory_space<hbm>>
        %dma_wait3A_43 = tpu.memref_squeeze %dma_wait3A_42 : memref<1x624x128xf32, #tpu.memory_space<hbm>> -> memref<624x128xf32, #tpu.memory_space<hbm>>
        %dma_wait3A_44 = arith.constant 0 : i32
        %dma_wait3A_45 = tpu.memref_slice %arg15[%mul3A_34, %dma_wait3A_44] : memref<10000x128xf32, #tpu.memory_space<vmem_shared>> -> memref<624x128xf32, #tpu.memory_space<vmem_shared>>
        tpu.wait_dma2 semaphore(%run_scoped3A : memref<!tpu.dma_semaphore, #tpu.memory_space<semaphore_mem>>) src(%dma_wait3A_45 : memref<624x128xf32, #tpu.memory_space<vmem_shared>>) dst(%dma_wait3A_43 : memref<624x128xf32, #tpu.memory_space<hbm>>)
        tpu.yield
      }) : () -> ()
    } else {
    }
    %eq3A_28 = arith.constant 15 : i32
    %eq3A_29 = arith.cmpi eq, %arg1, %eq3A_28 : i32
    %convert_element_type3A_30 = arith.extui %eq3A_29 : i1 to i32
    %cond3A_31 = arith.constant 0 : i32
    %cond3A_32 = arith.cmpi ne, %convert_element_type3A_30, %cond3A_31 : i32
    scf.if %cond3A_32 {
      "tpu.region"() ({
        %run_scoped3A = tpu.sem_alloc : memref<!tpu.dma_semaphore, #tpu.memory_space<semaphore_mem>>
        %dma_start3A_33 = arith.constant 9360 : i32
        %dma_start3A_34 = arith.constant 0 : i32
        %dma_start3A_35 = tpu.memref_slice %arg6[%arg0, %dma_start3A_33, %dma_start3A_34] : memref<2x10000x128xf32, #tpu.memory_space<hbm>> -> memref<1x640x128xf32, #tpu.memory_space<hbm>>
        %dma_start3A_36 = tpu.memref_squeeze %dma_start3A_35 : memref<1x640x128xf32, #tpu.memory_space<hbm>> -> memref<640x128xf32, #tpu.memory_space<hbm>>
        %dma_start3A_37 = arith.constant 9360 : i32
        %dma_start3A_38 = arith.constant 0 : i32
        %dma_start3A_39 = tpu.memref_slice %arg15[%dma_start3A_37, %dma_start3A_38] : memref<10000x128xf32, #tpu.memory_space<vmem_shared>> -> memref<640x128xf32, #tpu.memory_space<vmem_shared>>
        tpu.enqueue_dma source(%dma_start3A_39 : memref<640x128xf32, #tpu.memory_space<vmem_shared>>) target(%dma_start3A_36 : memref<640x128xf32, #tpu.memory_space<hbm>>) target_semaphore(%run_scoped3A : memref<!tpu.dma_semaphore, #tpu.memory_space<semaphore_mem>>)
        %dma_wait3A = arith.constant 9360 : i32
        %dma_wait3A_40 = arith.constant 0 : i32
        %dma_wait3A_41 = tpu.memref_slice %arg6[%arg0, %dma_wait3A, %dma_wait3A_40] : memref<2x10000x128xf32, #tpu.memory_space<hbm>> -> memref<1x640x128xf32, #tpu.memory_space<hbm>>
        %dma_wait3A_42 = tpu.memref_squeeze %dma_wait3A_41 : memref<1x640x128xf32, #tpu.memory_space<hbm>> -> memref<640x128xf32, #tpu.memory_space<hbm>>
        %dma_wait3A_43 = arith.constant 9360 : i32
        %dma_wait3A_44 = arith.constant 0 : i32
        %dma_wait3A_45 = tpu.memref_slice %arg15[%dma_wait3A_43, %dma_wait3A_44] : memref<10000x128xf32, #tpu.memory_space<vmem_shared>> -> memref<640x128xf32, #tpu.memory_space<vmem_shared>>
        tpu.wait_dma2 semaphore(%run_scoped3A : memref<!tpu.dma_semaphore, #tpu.memory_space<semaphore_mem>>) src(%dma_wait3A_45 : memref<640x128xf32, #tpu.memory_space<vmem_shared>>) dst(%dma_wait3A_42 : memref<640x128xf32, #tpu.memory_space<hbm>>)
        tpu.yield
      }) : () -> ()
    } else {
    }
    return
  }
}

#map = affine_map<(d0, d1) -> (0, 0)>
#map1 = affine_map<(d0, d1) -> (0)>
#map2 = affine_map<(d0, d1) -> (0, 0, 0)>
module attributes {stable_mosaic.version = 14 : i64} {
  func.func @_agg(%arg0: i32, %arg1: i32, %arg2: memref<10000x128xf32, #tpu.memory_space<hbm>>, %arg3: memref<320000xi32, #tpu.memory_space<hbm>>, %arg4: memref<320000xi32, #tpu.memory_space<hbm>>, %arg5: memref<10000x128xf32, #tpu.memory_space<hbm>>, %arg6: memref<2x10000x128xf32, #tpu.memory_space<hbm>>, %arg7: memref<128xi32, #tpu.memory_space<vmem>>, %arg8: memref<128xi32, #tpu.memory_space<vmem>>, %arg9: memref<128xi32, #tpu.memory_space<vmem>>, %arg10: memref<128xi32, #tpu.memory_space<vmem>>, %arg11: memref<16xi32, #tpu.memory_space<vmem>>, %arg12: memref<16xi32, #tpu.memory_space<vmem>>, %arg13: memref<128x128xf32, #tpu.memory_space<vmem>>, %arg14: memref<128x128xf32, #tpu.memory_space<vmem>>, %arg15: memref<10000x128xf32, #tpu.memory_space<vmem_shared>>, %arg16: memref<!tpu.dma_semaphore, #tpu.memory_space<semaphore_mem>>, %arg17: memref<!tpu.dma_semaphore, #tpu.memory_space<semaphore_mem>>) attributes {dimension_semantics = [#tpu.dimension_semantics<core_parallel>, #tpu.dimension_semantics<subcore_parallel>], iteration_bounds = array<i64: 2, 16>, scalar_prefetch = 0 : i64, scratch_operands = 11 : i64, tpu.core_type = #tpu.core_type<sc_vector_subcore>, window_params = [{transform_indices = #map}, {transform_indices = #map1}, {transform_indices = #map1}, {transform_indices = #map}, {transform_indices = #map2}]} {
    %mul3A = arith.constant 16 : i32
    %mul3A_0 = arith.muli %arg0, %mul3A : i32
    %add3A = arith.addi %mul3A_0, %arg1 : i32
    %lt3A = arith.constant 15 : i32
    %lt3A_1 = arith.cmpi slt, %arg1, %lt3A : i32
    %convert_element_type3A = arith.extui %lt3A_1 : i1 to i32
    %cond3A = arith.constant 0 : i32
    %cond3A_2 = arith.cmpi ne, %convert_element_type3A, %cond3A : i32
    scf.if %cond3A_2 {
      %mul3A_33 = arith.constant 624 : i32
      %mul3A_34 = arith.muli %arg1, %mul3A_33 : i32
      %mul3A_35 = arith.constant 624 : i32
      %mul3A_36 = arith.muli %arg1, %mul3A_35 : i32
      "tpu.region"() ({
        %run_scoped3A = tpu.sem_alloc : memref<!tpu.dma_semaphore, #tpu.memory_space<semaphore_mem>>
        %dma_start3A_37 = arith.constant 0 : i32
        %dma_start3A_38 = tpu.memref_slice %arg15[%mul3A_36, %dma_start3A_37] : memref<10000x128xf32, #tpu.memory_space<vmem_shared>> -> memref<624x128xf32, #tpu.memory_space<vmem_shared>>
        %dma_start3A_39 = arith.constant 0 : i32
        %dma_start3A_40 = tpu.memref_slice %arg5[%mul3A_34, %dma_start3A_39] : memref<10000x128xf32, #tpu.memory_space<hbm>> -> memref<624x128xf32, #tpu.memory_space<hbm>>
        tpu.enqueue_dma source(%dma_start3A_40 : memref<624x128xf32, #tpu.memory_space<hbm>>) target(%dma_start3A_38 : memref<624x128xf32, #tpu.memory_space<vmem_shared>>) target_semaphore(%run_scoped3A : memref<!tpu.dma_semaphore, #tpu.memory_space<semaphore_mem>>)
        %dma_wait3A = arith.constant 0 : i32
        %dma_wait3A_41 = tpu.memref_slice %arg15[%mul3A_36, %dma_wait3A] : memref<10000x128xf32, #tpu.memory_space<vmem_shared>> -> memref<624x128xf32, #tpu.memory_space<vmem_shared>>
        %dma_wait3A_42 = arith.constant 0 : i32
        %dma_wait3A_43 = tpu.memref_slice %arg5[%mul3A_34, %dma_wait3A_42] : memref<10000x128xf32, #tpu.memory_space<hbm>> -> memref<624x128xf32, #tpu.memory_space<hbm>>
        tpu.wait_dma2 semaphore(%run_scoped3A : memref<!tpu.dma_semaphore, #tpu.memory_space<semaphore_mem>>) src(%dma_wait3A_43 : memref<624x128xf32, #tpu.memory_space<hbm>>) dst(%dma_wait3A_41 : memref<624x128xf32, #tpu.memory_space<vmem_shared>>)
        tpu.yield
      }) : () -> ()
    } else {
    }
    %eq3A = arith.constant 15 : i32
    %eq3A_3 = arith.cmpi eq, %arg1, %eq3A : i32
    %convert_element_type3A_4 = arith.extui %eq3A_3 : i1 to i32
    %cond3A_5 = arith.constant 0 : i32
    %cond3A_6 = arith.cmpi ne, %convert_element_type3A_4, %cond3A_5 : i32
    scf.if %cond3A_6 {
      "tpu.region"() ({
        %run_scoped3A = tpu.sem_alloc : memref<!tpu.dma_semaphore, #tpu.memory_space<semaphore_mem>>
        %dma_start3A_33 = arith.constant 9360 : i32
        %dma_start3A_34 = arith.constant 0 : i32
        %dma_start3A_35 = tpu.memref_slice %arg15[%dma_start3A_33, %dma_start3A_34] : memref<10000x128xf32, #tpu.memory_space<vmem_shared>> -> memref<640x128xf32, #tpu.memory_space<vmem_shared>>
        %dma_start3A_36 = arith.constant 9360 : i32
        %dma_start3A_37 = arith.constant 0 : i32
        %dma_start3A_38 = tpu.memref_slice %arg5[%dma_start3A_36, %dma_start3A_37] : memref<10000x128xf32, #tpu.memory_space<hbm>> -> memref<640x128xf32, #tpu.memory_space<hbm>>
        tpu.enqueue_dma source(%dma_start3A_38 : memref<640x128xf32, #tpu.memory_space<hbm>>) target(%dma_start3A_35 : memref<640x128xf32, #tpu.memory_space<vmem_shared>>) target_semaphore(%run_scoped3A : memref<!tpu.dma_semaphore, #tpu.memory_space<semaphore_mem>>)
        %dma_wait3A = arith.constant 9360 : i32
        %dma_wait3A_39 = arith.constant 0 : i32
        %dma_wait3A_40 = tpu.memref_slice %arg15[%dma_wait3A, %dma_wait3A_39] : memref<10000x128xf32, #tpu.memory_space<vmem_shared>> -> memref<640x128xf32, #tpu.memory_space<vmem_shared>>
        %dma_wait3A_41 = arith.constant 9360 : i32
        %dma_wait3A_42 = arith.constant 0 : i32
        %dma_wait3A_43 = tpu.memref_slice %arg5[%dma_wait3A_41, %dma_wait3A_42] : memref<10000x128xf32, #tpu.memory_space<hbm>> -> memref<640x128xf32, #tpu.memory_space<hbm>>
        tpu.wait_dma2 semaphore(%run_scoped3A : memref<!tpu.dma_semaphore, #tpu.memory_space<semaphore_mem>>) src(%dma_wait3A_43 : memref<640x128xf32, #tpu.memory_space<hbm>>) dst(%dma_wait3A_40 : memref<640x128xf32, #tpu.memory_space<vmem_shared>>)
        tpu.yield
      }) : () -> ()
    } else {
    }
    %barrier3A = arith.constant 0 : index
    tpu.barrier barrier_id(%barrier3A)
    %mul3A_7 = arith.constant 10000 : i32
    %mul3A_8 = arith.muli %add3A, %mul3A_7 : i32
    %add3A_9 = arith.constant 0 : i32
    %add3A_10 = arith.addi %mul3A_8, %add3A_9 : i32
    "tpu.region"() ({
      %run_scoped3A = tpu.sem_alloc : memref<!tpu.dma_semaphore, #tpu.memory_space<semaphore_mem>>
      %dma_start3A_33 = tpu.memref_slice %arg3[%add3A_10] : memref<320000xi32, #tpu.memory_space<hbm>> -> memref<128xi32, #tpu.memory_space<hbm>>
      %dma_start3A_34 = tpu.memref_slice %arg3[%add3A_10] : memref<320000xi32, #tpu.memory_space<hbm>> -> memref<128xi32, #tpu.memory_space<hbm>>
      tpu.enqueue_dma source(%dma_start3A_34 : memref<128xi32, #tpu.memory_space<hbm>>) target(%arg7 : memref<128xi32, #tpu.memory_space<vmem>>) target_semaphore(%run_scoped3A : memref<!tpu.dma_semaphore, #tpu.memory_space<semaphore_mem>>)
      %dma_wait3A = tpu.memref_slice %arg3[%add3A_10] : memref<320000xi32, #tpu.memory_space<hbm>> -> memref<128xi32, #tpu.memory_space<hbm>>
      %dma_wait3A_35 = tpu.memref_slice %arg3[%add3A_10] : memref<320000xi32, #tpu.memory_space<hbm>> -> memref<128xi32, #tpu.memory_space<hbm>>
      tpu.wait_dma2 semaphore(%run_scoped3A : memref<!tpu.dma_semaphore, #tpu.memory_space<semaphore_mem>>) src(%dma_wait3A_35 : memref<128xi32, #tpu.memory_space<hbm>>) dst(%arg7 : memref<128xi32, #tpu.memory_space<vmem>>)
      tpu.yield
    }) : () -> ()
    %add3A_11 = arith.constant 0 : i32
    %add3A_12 = arith.addi %mul3A_8, %add3A_11 : i32
    "tpu.region"() ({
      %run_scoped3A = tpu.sem_alloc : memref<!tpu.dma_semaphore, #tpu.memory_space<semaphore_mem>>
      %dma_start3A_33 = tpu.memref_slice %arg4[%add3A_12] : memref<320000xi32, #tpu.memory_space<hbm>> -> memref<128xi32, #tpu.memory_space<hbm>>
      %dma_start3A_34 = tpu.memref_slice %arg4[%add3A_12] : memref<320000xi32, #tpu.memory_space<hbm>> -> memref<128xi32, #tpu.memory_space<hbm>>
      tpu.enqueue_dma source(%dma_start3A_34 : memref<128xi32, #tpu.memory_space<hbm>>) target(%arg8 : memref<128xi32, #tpu.memory_space<vmem>>) target_semaphore(%run_scoped3A : memref<!tpu.dma_semaphore, #tpu.memory_space<semaphore_mem>>)
      %dma_wait3A = tpu.memref_slice %arg4[%add3A_12] : memref<320000xi32, #tpu.memory_space<hbm>> -> memref<128xi32, #tpu.memory_space<hbm>>
      %dma_wait3A_35 = tpu.memref_slice %arg4[%add3A_12] : memref<320000xi32, #tpu.memory_space<hbm>> -> memref<128xi32, #tpu.memory_space<hbm>>
      tpu.wait_dma2 semaphore(%run_scoped3A : memref<!tpu.dma_semaphore, #tpu.memory_space<semaphore_mem>>) src(%dma_wait3A_35 : memref<128xi32, #tpu.memory_space<hbm>>) dst(%arg8 : memref<128xi32, #tpu.memory_space<vmem>>)
      tpu.yield
    }) : () -> ()
    %dma_start3A = arith.constant 0 : i32
    %dma_start3A_13 = arith.constant 0 : i32
    %dma_start3A_14 = tpu.memref_slice %arg2[%dma_start3A, %dma_start3A_13] : memref<10000x128xf32, #tpu.memory_space<hbm>> -> memref<10000x128xf32, #tpu.memory_space<hbm>>
    tpu.enqueue_indirect_dma source(%dma_start3A_14 : memref<10000x128xf32, #tpu.memory_space<hbm>>) target(%arg13 : memref<128x128xf32, #tpu.memory_space<vmem>>) offsets(%arg7 : memref<128xi32, #tpu.memory_space<vmem>>) semaphore(%arg16 : memref<!tpu.dma_semaphore, #tpu.memory_space<semaphore_mem>>)
    %scan3A = arith.constant 0 : i32
    %scan3A_15 = arith.constant 0 : i32
    %scan3A_16 = arith.constant 39 : i32
    %scan3A_17 = arith.addi %scan3A_15, %scan3A_16 : i32
    %scan3A_18 = arith.constant 1 : i32
    scf.for %scan3A_33 = %scan3A_15 to %scan3A_17 step %scan3A_18  : i32 {
      %mul3A_34 = arith.constant 2 : i32
      %mul3A_35 = arith.muli %mul3A_34, %scan3A_33 : i32
      %add3A_36 = arith.constant 1 : i32
      %add3A_37 = arith.addi %mul3A_35, %add3A_36 : i32
      %mul3A_38 = arith.constant 128 : i32
      %mul3A_39 = arith.muli %add3A_37, %mul3A_38 : i32
      %add3A_40 = arith.addi %mul3A_8, %mul3A_39 : i32
      "tpu.region"() ({
        %run_scoped3A = tpu.sem_alloc : memref<!tpu.dma_semaphore, #tpu.memory_space<semaphore_mem>>
        %dma_start3A_59 = tpu.memref_slice %arg3[%add3A_40] : memref<320000xi32, #tpu.memory_space<hbm>> -> memref<128xi32, #tpu.memory_space<hbm>>
        %dma_start3A_60 = tpu.memref_slice %arg3[%add3A_40] : memref<320000xi32, #tpu.memory_space<hbm>> -> memref<128xi32, #tpu.memory_space<hbm>>
        tpu.enqueue_dma source(%dma_start3A_60 : memref<128xi32, #tpu.memory_space<hbm>>) target(%arg9 : memref<128xi32, #tpu.memory_space<vmem>>) target_semaphore(%run_scoped3A : memref<!tpu.dma_semaphore, #tpu.memory_space<semaphore_mem>>)
        %dma_wait3A_61 = tpu.memref_slice %arg3[%add3A_40] : memref<320000xi32, #tpu.memory_space<hbm>> -> memref<128xi32, #tpu.memory_space<hbm>>
        %dma_wait3A_62 = tpu.memref_slice %arg3[%add3A_40] : memref<320000xi32, #tpu.memory_space<hbm>> -> memref<128xi32, #tpu.memory_space<hbm>>
        tpu.wait_dma2 semaphore(%run_scoped3A : memref<!tpu.dma_semaphore, #tpu.memory_space<semaphore_mem>>) src(%dma_wait3A_62 : memref<128xi32, #tpu.memory_space<hbm>>) dst(%arg9 : memref<128xi32, #tpu.memory_space<vmem>>)
        tpu.yield
      }) : () -> ()
      %mul3A_41 = arith.constant 128 : i32
      %mul3A_42 = arith.muli %add3A_37, %mul3A_41 : i32
      %add3A_43 = arith.addi %mul3A_8, %mul3A_42 : i32
      "tpu.region"() ({
        %run_scoped3A = tpu.sem_alloc : memref<!tpu.dma_semaphore, #tpu.memory_space<semaphore_mem>>
        %dma_start3A_59 = tpu.memref_slice %arg4[%add3A_43] : memref<320000xi32, #tpu.memory_space<hbm>> -> memref<128xi32, #tpu.memory_space<hbm>>
        %dma_start3A_60 = tpu.memref_slice %arg4[%add3A_43] : memref<320000xi32, #tpu.memory_space<hbm>> -> memref<128xi32, #tpu.memory_space<hbm>>
        tpu.enqueue_dma source(%dma_start3A_60 : memref<128xi32, #tpu.memory_space<hbm>>) target(%arg10 : memref<128xi32, #tpu.memory_space<vmem>>) target_semaphore(%run_scoped3A : memref<!tpu.dma_semaphore, #tpu.memory_space<semaphore_mem>>)
        %dma_wait3A_61 = tpu.memref_slice %arg4[%add3A_43] : memref<320000xi32, #tpu.memory_space<hbm>> -> memref<128xi32, #tpu.memory_space<hbm>>
        %dma_wait3A_62 = tpu.memref_slice %arg4[%add3A_43] : memref<320000xi32, #tpu.memory_space<hbm>> -> memref<128xi32, #tpu.memory_space<hbm>>
        tpu.wait_dma2 semaphore(%run_scoped3A : memref<!tpu.dma_semaphore, #tpu.memory_space<semaphore_mem>>) src(%dma_wait3A_62 : memref<128xi32, #tpu.memory_space<hbm>>) dst(%arg10 : memref<128xi32, #tpu.memory_space<vmem>>)
        tpu.yield
      }) : () -> ()
      %dma_start3A_44 = arith.constant 0 : i32
      %dma_start3A_45 = arith.constant 0 : i32
      %dma_start3A_46 = tpu.memref_slice %arg2[%dma_start3A_44, %dma_start3A_45] : memref<10000x128xf32, #tpu.memory_space<hbm>> -> memref<10000x128xf32, #tpu.memory_space<hbm>>
      tpu.enqueue_indirect_dma source(%dma_start3A_46 : memref<10000x128xf32, #tpu.memory_space<hbm>>) target(%arg14 : memref<128x128xf32, #tpu.memory_space<vmem>>) offsets(%arg9 : memref<128xi32, #tpu.memory_space<vmem>>) semaphore(%arg17 : memref<!tpu.dma_semaphore, #tpu.memory_space<semaphore_mem>>)
      %dma_wait3A = arith.constant 0 : i32
      %dma_wait3A_47 = arith.constant 0 : i32
      %dma_wait3A_48 = tpu.memref_slice %arg2[%dma_wait3A, %dma_wait3A_47] : memref<10000x128xf32, #tpu.memory_space<hbm>> -> memref<10000x128xf32, #tpu.memory_space<hbm>>
      tpu.wait_indirect_dma semaphore(%arg16 : memref<!tpu.dma_semaphore, #tpu.memory_space<semaphore_mem>>) src(%dma_wait3A_48 : memref<10000x128xf32, #tpu.memory_space<hbm>>) dst(%arg13 : memref<128x128xf32, #tpu.memory_space<vmem>>)
      "tpu.region"() ({
        %run_scoped3A = tpu.sem_alloc : memref<!tpu.dma_semaphore, #tpu.memory_space<semaphore_mem>>
        %dma_start3A_59 = arith.constant 0 : i32
        %dma_start3A_60 = arith.constant 0 : i32
        %dma_start3A_61 = tpu.memref_slice %arg15[%dma_start3A_59, %dma_start3A_60] : memref<10000x128xf32, #tpu.memory_space<vmem_shared>> -> memref<10000x128xf32, #tpu.memory_space<vmem_shared>>
        tpu.enqueue_indirect_dma source(%arg13 : memref<128x128xf32, #tpu.memory_space<vmem>>) target(%dma_start3A_61 : memref<10000x128xf32, #tpu.memory_space<vmem_shared>>) offsets(%arg8 : memref<128xi32, #tpu.memory_space<vmem>>) semaphore(%run_scoped3A : memref<!tpu.dma_semaphore, #tpu.memory_space<semaphore_mem>>) {add = true}
        %dma_wait3A_62 = arith.constant 0 : i32
        %dma_wait3A_63 = arith.constant 0 : i32
        %dma_wait3A_64 = tpu.memref_slice %arg15[%dma_wait3A_62, %dma_wait3A_63] : memref<10000x128xf32, #tpu.memory_space<vmem_shared>> -> memref<10000x128xf32, #tpu.memory_space<vmem_shared>>
        tpu.wait_indirect_dma semaphore(%run_scoped3A : memref<!tpu.dma_semaphore, #tpu.memory_space<semaphore_mem>>) src(%arg13 : memref<128x128xf32, #tpu.memory_space<vmem>>) dst(%dma_wait3A_64 : memref<10000x128xf32, #tpu.memory_space<vmem_shared>>)
        tpu.yield
      }) : () -> ()
      %add3A_49 = arith.constant 2 : i32
      %add3A_50 = arith.addi %mul3A_35, %add3A_49 : i32
      %lt3A_51 = arith.constant 78 : i32
      %lt3A_52 = arith.cmpi slt, %add3A_50, %lt3A_51 : i32
      %convert_element_type3A_53 = arith.extui %lt3A_52 : i1 to i32
      %cond3A_54 = arith.constant 0 : i32
      %cond3A_55 = arith.cmpi ne, %convert_element_type3A_53, %cond3A_54 : i32
      scf.if %cond3A_55 {
        %add3A_59 = arith.constant 2 : i32
        %add3A_60 = arith.addi %mul3A_35, %add3A_59 : i32
        %mul3A_61 = arith.constant 128 : i32
        %mul3A_62 = arith.muli %add3A_60, %mul3A_61 : i32
        %add3A_63 = arith.addi %mul3A_8, %mul3A_62 : i32
        "tpu.region"() ({
          %run_scoped3A = tpu.sem_alloc : memref<!tpu.dma_semaphore, #tpu.memory_space<semaphore_mem>>
          %dma_start3A_70 = tpu.memref_slice %arg3[%add3A_63] : memref<320000xi32, #tpu.memory_space<hbm>> -> memref<128xi32, #tpu.memory_space<hbm>>
          %dma_start3A_71 = tpu.memref_slice %arg3[%add3A_63] : memref<320000xi32, #tpu.memory_space<hbm>> -> memref<128xi32, #tpu.memory_space<hbm>>
          tpu.enqueue_dma source(%dma_start3A_71 : memref<128xi32, #tpu.memory_space<hbm>>) target(%arg7 : memref<128xi32, #tpu.memory_space<vmem>>) target_semaphore(%run_scoped3A : memref<!tpu.dma_semaphore, #tpu.memory_space<semaphore_mem>>)
          %dma_wait3A_72 = tpu.memref_slice %arg3[%add3A_63] : memref<320000xi32, #tpu.memory_space<hbm>> -> memref<128xi32, #tpu.memory_space<hbm>>
          %dma_wait3A_73 = tpu.memref_slice %arg3[%add3A_63] : memref<320000xi32, #tpu.memory_space<hbm>> -> memref<128xi32, #tpu.memory_space<hbm>>
          tpu.wait_dma2 semaphore(%run_scoped3A : memref<!tpu.dma_semaphore, #tpu.memory_space<semaphore_mem>>) src(%dma_wait3A_73 : memref<128xi32, #tpu.memory_space<hbm>>) dst(%arg7 : memref<128xi32, #tpu.memory_space<vmem>>)
          tpu.yield
        }) : () -> ()
        %mul3A_64 = arith.constant 128 : i32
        %mul3A_65 = arith.muli %add3A_60, %mul3A_64 : i32
        %add3A_66 = arith.addi %mul3A_8, %mul3A_65 : i32
        "tpu.region"() ({
          %run_scoped3A = tpu.sem_alloc : memref<!tpu.dma_semaphore, #tpu.memory_space<semaphore_mem>>
          %dma_start3A_70 = tpu.memref_slice %arg4[%add3A_66] : memref<320000xi32, #tpu.memory_space<hbm>> -> memref<128xi32, #tpu.memory_space<hbm>>
          %dma_start3A_71 = tpu.memref_slice %arg4[%add3A_66] : memref<320000xi32, #tpu.memory_space<hbm>> -> memref<128xi32, #tpu.memory_space<hbm>>
          tpu.enqueue_dma source(%dma_start3A_71 : memref<128xi32, #tpu.memory_space<hbm>>) target(%arg8 : memref<128xi32, #tpu.memory_space<vmem>>) target_semaphore(%run_scoped3A : memref<!tpu.dma_semaphore, #tpu.memory_space<semaphore_mem>>)
          %dma_wait3A_72 = tpu.memref_slice %arg4[%add3A_66] : memref<320000xi32, #tpu.memory_space<hbm>> -> memref<128xi32, #tpu.memory_space<hbm>>
          %dma_wait3A_73 = tpu.memref_slice %arg4[%add3A_66] : memref<320000xi32, #tpu.memory_space<hbm>> -> memref<128xi32, #tpu.memory_space<hbm>>
          tpu.wait_dma2 semaphore(%run_scoped3A : memref<!tpu.dma_semaphore, #tpu.memory_space<semaphore_mem>>) src(%dma_wait3A_73 : memref<128xi32, #tpu.memory_space<hbm>>) dst(%arg8 : memref<128xi32, #tpu.memory_space<vmem>>)
          tpu.yield
        }) : () -> ()
        %dma_start3A_67 = arith.constant 0 : i32
        %dma_start3A_68 = arith.constant 0 : i32
        %dma_start3A_69 = tpu.memref_slice %arg2[%dma_start3A_67, %dma_start3A_68] : memref<10000x128xf32, #tpu.memory_space<hbm>> -> memref<10000x128xf32, #tpu.memory_space<hbm>>
        tpu.enqueue_indirect_dma source(%dma_start3A_69 : memref<10000x128xf32, #tpu.memory_space<hbm>>) target(%arg13 : memref<128x128xf32, #tpu.memory_space<vmem>>) offsets(%arg7 : memref<128xi32, #tpu.memory_space<vmem>>) semaphore(%arg16 : memref<!tpu.dma_semaphore, #tpu.memory_space<semaphore_mem>>)
      } else {
      }
      %dma_wait3A_56 = arith.constant 0 : i32
      %dma_wait3A_57 = arith.constant 0 : i32
      %dma_wait3A_58 = tpu.memref_slice %arg2[%dma_wait3A_56, %dma_wait3A_57] : memref<10000x128xf32, #tpu.memory_space<hbm>> -> memref<10000x128xf32, #tpu.memory_space<hbm>>
      tpu.wait_indirect_dma semaphore(%arg17 : memref<!tpu.dma_semaphore, #tpu.memory_space<semaphore_mem>>) src(%dma_wait3A_58 : memref<10000x128xf32, #tpu.memory_space<hbm>>) dst(%arg14 : memref<128x128xf32, #tpu.memory_space<vmem>>)
      "tpu.region"() ({
        %run_scoped3A = tpu.sem_alloc : memref<!tpu.dma_semaphore, #tpu.memory_space<semaphore_mem>>
        %dma_start3A_59 = arith.constant 0 : i32
        %dma_start3A_60 = arith.constant 0 : i32
        %dma_start3A_61 = tpu.memref_slice %arg15[%dma_start3A_59, %dma_start3A_60] : memref<10000x128xf32, #tpu.memory_space<vmem_shared>> -> memref<10000x128xf32, #tpu.memory_space<vmem_shared>>
        tpu.enqueue_indirect_dma source(%arg14 : memref<128x128xf32, #tpu.memory_space<vmem>>) target(%dma_start3A_61 : memref<10000x128xf32, #tpu.memory_space<vmem_shared>>) offsets(%arg10 : memref<128xi32, #tpu.memory_space<vmem>>) semaphore(%run_scoped3A : memref<!tpu.dma_semaphore, #tpu.memory_space<semaphore_mem>>) {add = true}
        %dma_wait3A_62 = arith.constant 0 : i32
        %dma_wait3A_63 = arith.constant 0 : i32
        %dma_wait3A_64 = tpu.memref_slice %arg15[%dma_wait3A_62, %dma_wait3A_63] : memref<10000x128xf32, #tpu.memory_space<vmem_shared>> -> memref<10000x128xf32, #tpu.memory_space<vmem_shared>>
        tpu.wait_indirect_dma semaphore(%run_scoped3A : memref<!tpu.dma_semaphore, #tpu.memory_space<semaphore_mem>>) src(%arg14 : memref<128x128xf32, #tpu.memory_space<vmem>>) dst(%dma_wait3A_64 : memref<10000x128xf32, #tpu.memory_space<vmem_shared>>)
        tpu.yield
      }) : () -> ()
    }
    %scan3A_19 = arith.constant 39 : i32
    %add3A_20 = arith.constant 9984 : i32
    %add3A_21 = arith.addi %mul3A_8, %add3A_20 : i32
    "tpu.region"() ({
      %run_scoped3A = tpu.sem_alloc : memref<!tpu.dma_semaphore, #tpu.memory_space<semaphore_mem>>
      %dma_start3A_33 = tpu.memref_slice %arg3[%add3A_21] : memref<320000xi32, #tpu.memory_space<hbm>> -> memref<16xi32, #tpu.memory_space<hbm>>
      %dma_start3A_34 = tpu.memref_slice %arg3[%add3A_21] : memref<320000xi32, #tpu.memory_space<hbm>> -> memref<16xi32, #tpu.memory_space<hbm>>
      tpu.enqueue_dma source(%dma_start3A_34 : memref<16xi32, #tpu.memory_space<hbm>>) target(%arg11 : memref<16xi32, #tpu.memory_space<vmem>>) target_semaphore(%run_scoped3A : memref<!tpu.dma_semaphore, #tpu.memory_space<semaphore_mem>>)
      %dma_wait3A = tpu.memref_slice %arg3[%add3A_21] : memref<320000xi32, #tpu.memory_space<hbm>> -> memref<16xi32, #tpu.memory_space<hbm>>
      %dma_wait3A_35 = tpu.memref_slice %arg3[%add3A_21] : memref<320000xi32, #tpu.memory_space<hbm>> -> memref<16xi32, #tpu.memory_space<hbm>>
      tpu.wait_dma2 semaphore(%run_scoped3A : memref<!tpu.dma_semaphore, #tpu.memory_space<semaphore_mem>>) src(%dma_wait3A_35 : memref<16xi32, #tpu.memory_space<hbm>>) dst(%arg11 : memref<16xi32, #tpu.memory_space<vmem>>)
      tpu.yield
    }) : () -> ()
    "tpu.region"() ({
      %run_scoped3A = tpu.sem_alloc : memref<!tpu.dma_semaphore, #tpu.memory_space<semaphore_mem>>
      %dma_start3A_33 = arith.constant 0 : i32
      %dma_start3A_34 = arith.constant 0 : i32
      %dma_start3A_35 = tpu.memref_slice %arg13[%dma_start3A_33, %dma_start3A_34] : memref<128x128xf32, #tpu.memory_space<vmem>> -> memref<16x128xf32, #tpu.memory_space<vmem>>
      %dma_start3A_36 = arith.constant 0 : i32
      %dma_start3A_37 = arith.constant 0 : i32
      %dma_start3A_38 = tpu.memref_slice %arg2[%dma_start3A_36, %dma_start3A_37] : memref<10000x128xf32, #tpu.memory_space<hbm>> -> memref<10000x128xf32, #tpu.memory_space<hbm>>
      tpu.enqueue_indirect_dma source(%dma_start3A_38 : memref<10000x128xf32, #tpu.memory_space<hbm>>) target(%dma_start3A_35 : memref<16x128xf32, #tpu.memory_space<vmem>>) offsets(%arg11 : memref<16xi32, #tpu.memory_space<vmem>>) semaphore(%run_scoped3A : memref<!tpu.dma_semaphore, #tpu.memory_space<semaphore_mem>>)
      %dma_wait3A = arith.constant 0 : i32
      %dma_wait3A_39 = arith.constant 0 : i32
      %dma_wait3A_40 = tpu.memref_slice %arg13[%dma_wait3A, %dma_wait3A_39] : memref<128x128xf32, #tpu.memory_space<vmem>> -> memref<16x128xf32, #tpu.memory_space<vmem>>
      %dma_wait3A_41 = arith.constant 0 : i32
      %dma_wait3A_42 = arith.constant 0 : i32
      %dma_wait3A_43 = tpu.memref_slice %arg2[%dma_wait3A_41, %dma_wait3A_42] : memref<10000x128xf32, #tpu.memory_space<hbm>> -> memref<10000x128xf32, #tpu.memory_space<hbm>>
      tpu.wait_indirect_dma semaphore(%run_scoped3A : memref<!tpu.dma_semaphore, #tpu.memory_space<semaphore_mem>>) src(%dma_wait3A_43 : memref<10000x128xf32, #tpu.memory_space<hbm>>) dst(%dma_wait3A_40 : memref<16x128xf32, #tpu.memory_space<vmem>>)
      tpu.yield
    }) : () -> ()
    "tpu.region"() ({
      %run_scoped3A = tpu.sem_alloc : memref<!tpu.dma_semaphore, #tpu.memory_space<semaphore_mem>>
      %dma_start3A_33 = tpu.memref_slice %arg4[%add3A_21] : memref<320000xi32, #tpu.memory_space<hbm>> -> memref<16xi32, #tpu.memory_space<hbm>>
      %dma_start3A_34 = tpu.memref_slice %arg4[%add3A_21] : memref<320000xi32, #tpu.memory_space<hbm>> -> memref<16xi32, #tpu.memory_space<hbm>>
      tpu.enqueue_dma source(%dma_start3A_34 : memref<16xi32, #tpu.memory_space<hbm>>) target(%arg12 : memref<16xi32, #tpu.memory_space<vmem>>) target_semaphore(%run_scoped3A : memref<!tpu.dma_semaphore, #tpu.memory_space<semaphore_mem>>)
      %dma_wait3A = tpu.memref_slice %arg4[%add3A_21] : memref<320000xi32, #tpu.memory_space<hbm>> -> memref<16xi32, #tpu.memory_space<hbm>>
      %dma_wait3A_35 = tpu.memref_slice %arg4[%add3A_21] : memref<320000xi32, #tpu.memory_space<hbm>> -> memref<16xi32, #tpu.memory_space<hbm>>
      tpu.wait_dma2 semaphore(%run_scoped3A : memref<!tpu.dma_semaphore, #tpu.memory_space<semaphore_mem>>) src(%dma_wait3A_35 : memref<16xi32, #tpu.memory_space<hbm>>) dst(%arg12 : memref<16xi32, #tpu.memory_space<vmem>>)
      tpu.yield
    }) : () -> ()
    "tpu.region"() ({
      %run_scoped3A = tpu.sem_alloc : memref<!tpu.dma_semaphore, #tpu.memory_space<semaphore_mem>>
      %dma_start3A_33 = arith.constant 0 : i32
      %dma_start3A_34 = arith.constant 0 : i32
      %dma_start3A_35 = tpu.memref_slice %arg13[%dma_start3A_33, %dma_start3A_34] : memref<128x128xf32, #tpu.memory_space<vmem>> -> memref<16x128xf32, #tpu.memory_space<vmem>>
      %dma_start3A_36 = arith.constant 0 : i32
      %dma_start3A_37 = arith.constant 0 : i32
      %dma_start3A_38 = tpu.memref_slice %arg15[%dma_start3A_36, %dma_start3A_37] : memref<10000x128xf32, #tpu.memory_space<vmem_shared>> -> memref<10000x128xf32, #tpu.memory_space<vmem_shared>>
      tpu.enqueue_indirect_dma source(%dma_start3A_35 : memref<16x128xf32, #tpu.memory_space<vmem>>) target(%dma_start3A_38 : memref<10000x128xf32, #tpu.memory_space<vmem_shared>>) offsets(%arg12 : memref<16xi32, #tpu.memory_space<vmem>>) semaphore(%run_scoped3A : memref<!tpu.dma_semaphore, #tpu.memory_space<semaphore_mem>>) {add = true}
      %dma_wait3A = arith.constant 0 : i32
      %dma_wait3A_39 = arith.constant 0 : i32
      %dma_wait3A_40 = tpu.memref_slice %arg13[%dma_wait3A, %dma_wait3A_39] : memref<128x128xf32, #tpu.memory_space<vmem>> -> memref<16x128xf32, #tpu.memory_space<vmem>>
      %dma_wait3A_41 = arith.constant 0 : i32
      %dma_wait3A_42 = arith.constant 0 : i32
      %dma_wait3A_43 = tpu.memref_slice %arg15[%dma_wait3A_41, %dma_wait3A_42] : memref<10000x128xf32, #tpu.memory_space<vmem_shared>> -> memref<10000x128xf32, #tpu.memory_space<vmem_shared>>
      tpu.wait_indirect_dma semaphore(%run_scoped3A : memref<!tpu.dma_semaphore, #tpu.memory_space<semaphore_mem>>) src(%dma_wait3A_40 : memref<16x128xf32, #tpu.memory_space<vmem>>) dst(%dma_wait3A_43 : memref<10000x128xf32, #tpu.memory_space<vmem_shared>>)
      tpu.yield
    }) : () -> ()
    %barrier3A_22 = arith.constant 0 : index
    tpu.barrier barrier_id(%barrier3A_22)
    %lt3A_23 = arith.constant 15 : i32
    %lt3A_24 = arith.cmpi slt, %arg1, %lt3A_23 : i32
    %convert_element_type3A_25 = arith.extui %lt3A_24 : i1 to i32
    %cond3A_26 = arith.constant 0 : i32
    %cond3A_27 = arith.cmpi ne, %convert_element_type3A_25, %cond3A_26 : i32
    scf.if %cond3A_27 {
      %mul3A_33 = arith.constant 624 : i32
      %mul3A_34 = arith.muli %arg1, %mul3A_33 : i32
      %mul3A_35 = arith.constant 624 : i32
      %mul3A_36 = arith.muli %arg1, %mul3A_35 : i32
      "tpu.region"() ({
        %run_scoped3A = tpu.sem_alloc : memref<!tpu.dma_semaphore, #tpu.memory_space<semaphore_mem>>
        %dma_start3A_37 = arith.constant 0 : i32
        %dma_start3A_38 = tpu.memref_slice %arg6[%arg0, %mul3A_36, %dma_start3A_37] : memref<2x10000x128xf32, #tpu.memory_space<hbm>> -> memref<1x624x128xf32, #tpu.memory_space<hbm>>
        %dma_start3A_39 = tpu.memref_squeeze %dma_start3A_38 : memref<1x624x128xf32, #tpu.memory_space<hbm>> -> memref<624x128xf32, #tpu.memory_space<hbm>>
        %dma_start3A_40 = arith.constant 0 : i32
        %dma_start3A_41 = tpu.memref_slice %arg15[%mul3A_34, %dma_start3A_40] : memref<10000x128xf32, #tpu.memory_space<vmem_shared>> -> memref<624x128xf32, #tpu.memory_space<vmem_shared>>
        tpu.enqueue_dma source(%dma_start3A_41 : memref<624x128xf32, #tpu.memory_space<vmem_shared>>) target(%dma_start3A_39 : memref<624x128xf32, #tpu.memory_space<hbm>>) target_semaphore(%run_scoped3A : memref<!tpu.dma_semaphore, #tpu.memory_space<semaphore_mem>>)
        %dma_wait3A = arith.constant 0 : i32
        %dma_wait3A_42 = tpu.memref_slice %arg6[%arg0, %mul3A_36, %dma_wait3A] : memref<2x10000x128xf32, #tpu.memory_space<hbm>> -> memref<1x624x128xf32, #tpu.memory_space<hbm>>
        %dma_wait3A_43 = tpu.memref_squeeze %dma_wait3A_42 : memref<1x624x128xf32, #tpu.memory_space<hbm>> -> memref<624x128xf32, #tpu.memory_space<hbm>>
        %dma_wait3A_44 = arith.constant 0 : i32
        %dma_wait3A_45 = tpu.memref_slice %arg15[%mul3A_34, %dma_wait3A_44] : memref<10000x128xf32, #tpu.memory_space<vmem_shared>> -> memref<624x128xf32, #tpu.memory_space<vmem_shared>>
        tpu.wait_dma2 semaphore(%run_scoped3A : memref<!tpu.dma_semaphore, #tpu.memory_space<semaphore_mem>>) src(%dma_wait3A_45 : memref<624x128xf32, #tpu.memory_space<vmem_shared>>) dst(%dma_wait3A_43 : memref<624x128xf32, #tpu.memory_space<hbm>>)
        tpu.yield
      }) : () -> ()
    } else {
    }
    %eq3A_28 = arith.constant 15 : i32
    %eq3A_29 = arith.cmpi eq, %arg1, %eq3A_28 : i32
    %convert_element_type3A_30 = arith.extui %eq3A_29 : i1 to i32
    %cond3A_31 = arith.constant 0 : i32
    %cond3A_32 = arith.cmpi ne, %convert_element_type3A_30, %cond3A_31 : i32
    scf.if %cond3A_32 {
      "tpu.region"() ({
        %run_scoped3A = tpu.sem_alloc : memref<!tpu.dma_semaphore, #tpu.memory_space<semaphore_mem>>
        %dma_start3A_33 = arith.constant 9360 : i32
        %dma_start3A_34 = arith.constant 0 : i32
        %dma_start3A_35 = tpu.memref_slice %arg6[%arg0, %dma_start3A_33, %dma_start3A_34] : memref<2x10000x128xf32, #tpu.memory_space<hbm>> -> memref<1x640x128xf32, #tpu.memory_space<hbm>>
        %dma_start3A_36 = tpu.memref_squeeze %dma_start3A_35 : memref<1x640x128xf32, #tpu.memory_space<hbm>> -> memref<640x128xf32, #tpu.memory_space<hbm>>
        %dma_start3A_37 = arith.constant 9360 : i32
        %dma_start3A_38 = arith.constant 0 : i32
        %dma_start3A_39 = tpu.memref_slice %arg15[%dma_start3A_37, %dma_start3A_38] : memref<10000x128xf32, #tpu.memory_space<vmem_shared>> -> memref<640x128xf32, #tpu.memory_space<vmem_shared>>
        tpu.enqueue_dma source(%dma_start3A_39 : memref<640x128xf32, #tpu.memory_space<vmem_shared>>) target(%dma_start3A_36 : memref<640x128xf32, #tpu.memory_space<hbm>>) target_semaphore(%run_scoped3A : memref<!tpu.dma_semaphore, #tpu.memory_space<semaphore_mem>>)
        %dma_wait3A = arith.constant 9360 : i32
        %dma_wait3A_40 = arith.constant 0 : i32
        %dma_wait3A_41 = tpu.memref_slice %arg6[%arg0, %dma_wait3A, %dma_wait3A_40] : memref<2x10000x128xf32, #tpu.memory_space<hbm>> -> memref<1x640x128xf32, #tpu.memory_space<hbm>>
        %dma_wait3A_42 = tpu.memref_squeeze %dma_wait3A_41 : memref<1x640x128xf32, #tpu.memory_space<hbm>> -> memref<640x128xf32, #tpu.memory_space<hbm>>
        %dma_wait3A_43 = arith.constant 9360 : i32
        %dma_wait3A_44 = arith.constant 0 : i32
        %dma_wait3A_45 = tpu.memref_slice %arg15[%dma_wait3A_43, %dma_wait3A_44] : memref<10000x128xf32, #tpu.memory_space<vmem_shared>> -> memref<640x128xf32, #tpu.memory_space<vmem_shared>>
        tpu.wait_dma2 semaphore(%run_scoped3A : memref<!tpu.dma_semaphore, #tpu.memory_space<semaphore_mem>>) src(%dma_wait3A_45 : memref<640x128xf32, #tpu.memory_space<vmem_shared>>) dst(%dma_wait3A_42 : memref<640x128xf32, #tpu.memory_space<hbm>>)
        tpu.yield
      }) : () -> ()
    } else {
    }
    return
  }
}

#map = affine_map<(d0, d1) -> (0)>
#map1 = affine_map<(d0, d1) -> (0, 0, 0)>
module attributes {stable_mosaic.version = 14 : i64} {
  func.func @_sc_degrees(%arg0: i32, %arg1: i32, %arg2: memref<320000xi32, #tpu.memory_space<hbm>>, %arg3: memref<320000xi32, #tpu.memory_space<hbm>>, %arg4: memref<10000xf32, #tpu.memory_space<hbm>>, %arg5: memref<2x2x10000xf32, #tpu.memory_space<hbm>>, %arg6: memref<128xi32, #tpu.memory_space<vmem>>, %arg7: memref<16xi32, #tpu.memory_space<vmem>>, %arg8: memref<128xf32, #tpu.memory_space<vmem>>, %arg9: memref<10000xf32, #tpu.memory_space<vmem_shared>>, %arg10: memref<10000xf32, #tpu.memory_space<vmem_shared>>) attributes {dimension_semantics = [#tpu.dimension_semantics<core_parallel>, #tpu.dimension_semantics<subcore_parallel>], iteration_bounds = array<i64: 2, 16>, scalar_prefetch = 0 : i64, scratch_operands = 5 : i64, tpu.core_type = #tpu.core_type<sc_vector_subcore>, window_params = [{transform_indices = #map}, {transform_indices = #map}, {transform_indices = #map}, {transform_indices = #map1}]} {
    %mul3A = arith.constant 16 : i32
    %mul3A_0 = arith.muli %arg0, %mul3A : i32
    %add3A = arith.addi %mul3A_0, %arg1 : i32
    %broadcast_in_dim3A = arith.constant 1.000000e+00 : f32
    %broadcast_in_dim3A_1 = vector.broadcast %broadcast_in_dim3A : f32 to vector<16xf32>
    %swap3A = arith.constant 0 : index
    %swap3A_2 = tpu.vector_load %arg8[%swap3A] {strides = array<i32>} : memref<128xf32, #tpu.memory_space<vmem>>, vector<16xf32>,
    %swap3A_3 = vector.shape_cast %swap3A_2 : vector<16xf32> to vector<16xf32>
    %swap3A_4 = vector.shape_cast %broadcast_in_dim3A_1 : vector<16xf32> to vector<16xf32>
    tpu.vector_store %arg8[%swap3A], %swap3A_4 {strides = array<i32>} : memref<128xf32, #tpu.memory_space<vmem>>, vector<16xf32>,
    %broadcast_in_dim3A_5 = arith.constant 1.000000e+00 : f32
    %broadcast_in_dim3A_6 = vector.broadcast %broadcast_in_dim3A_5 : f32 to vector<16xf32>
    %swap3A_7 = arith.constant 16 : index
    %swap3A_8 = tpu.vector_load %arg8[%swap3A_7] {strides = array<i32>} : memref<128xf32, #tpu.memory_space<vmem>>, vector<16xf32>,
    %swap3A_9 = vector.shape_cast %swap3A_8 : vector<16xf32> to vector<16xf32>
    %swap3A_10 = vector.shape_cast %broadcast_in_dim3A_6 : vector<16xf32> to vector<16xf32>
    tpu.vector_store %arg8[%swap3A_7], %swap3A_10 {strides = array<i32>} : memref<128xf32, #tpu.memory_space<vmem>>, vector<16xf32>,
    %broadcast_in_dim3A_11 = arith.constant 1.000000e+00 : f32
    %broadcast_in_dim3A_12 = vector.broadcast %broadcast_in_dim3A_11 : f32 to vector<16xf32>
    %swap3A_13 = arith.constant 32 : index
    %swap3A_14 = tpu.vector_load %arg8[%swap3A_13] {strides = array<i32>} : memref<128xf32, #tpu.memory_space<vmem>>, vector<16xf32>,
    %swap3A_15 = vector.shape_cast %swap3A_14 : vector<16xf32> to vector<16xf32>
    %swap3A_16 = vector.shape_cast %broadcast_in_dim3A_12 : vector<16xf32> to vector<16xf32>
    tpu.vector_store %arg8[%swap3A_13], %swap3A_16 {strides = array<i32>} : memref<128xf32, #tpu.memory_space<vmem>>, vector<16xf32>,
    %broadcast_in_dim3A_17 = arith.constant 1.000000e+00 : f32
    %broadcast_in_dim3A_18 = vector.broadcast %broadcast_in_dim3A_17 : f32 to vector<16xf32>
    %swap3A_19 = arith.constant 48 : index
    %swap3A_20 = tpu.vector_load %arg8[%swap3A_19] {strides = array<i32>} : memref<128xf32, #tpu.memory_space<vmem>>, vector<16xf32>,
    %swap3A_21 = vector.shape_cast %swap3A_20 : vector<16xf32> to vector<16xf32>
    %swap3A_22 = vector.shape_cast %broadcast_in_dim3A_18 : vector<16xf32> to vector<16xf32>
    tpu.vector_store %arg8[%swap3A_19], %swap3A_22 {strides = array<i32>} : memref<128xf32, #tpu.memory_space<vmem>>, vector<16xf32>,
    %broadcast_in_dim3A_23 = arith.constant 1.000000e+00 : f32
    %broadcast_in_dim3A_24 = vector.broadcast %broadcast_in_dim3A_23 : f32 to vector<16xf32>
    %swap3A_25 = arith.constant 64 : index
    %swap3A_26 = tpu.vector_load %arg8[%swap3A_25] {strides = array<i32>} : memref<128xf32, #tpu.memory_space<vmem>>, vector<16xf32>,
    %swap3A_27 = vector.shape_cast %swap3A_26 : vector<16xf32> to vector<16xf32>
    %swap3A_28 = vector.shape_cast %broadcast_in_dim3A_24 : vector<16xf32> to vector<16xf32>
    tpu.vector_store %arg8[%swap3A_25], %swap3A_28 {strides = array<i32>} : memref<128xf32, #tpu.memory_space<vmem>>, vector<16xf32>,
    %broadcast_in_dim3A_29 = arith.constant 1.000000e+00 : f32
    %broadcast_in_dim3A_30 = vector.broadcast %broadcast_in_dim3A_29 : f32 to vector<16xf32>
    %swap3A_31 = arith.constant 80 : index
    %swap3A_32 = tpu.vector_load %arg8[%swap3A_31] {strides = array<i32>} : memref<128xf32, #tpu.memory_space<vmem>>, vector<16xf32>,
    %swap3A_33 = vector.shape_cast %swap3A_32 : vector<16xf32> to vector<16xf32>
    %swap3A_34 = vector.shape_cast %broadcast_in_dim3A_30 : vector<16xf32> to vector<16xf32>
    tpu.vector_store %arg8[%swap3A_31], %swap3A_34 {strides = array<i32>} : memref<128xf32, #tpu.memory_space<vmem>>, vector<16xf32>,
    %broadcast_in_dim3A_35 = arith.constant 1.000000e+00 : f32
    %broadcast_in_dim3A_36 = vector.broadcast %broadcast_in_dim3A_35 : f32 to vector<16xf32>
    %swap3A_37 = arith.constant 96 : index
    %swap3A_38 = tpu.vector_load %arg8[%swap3A_37] {strides = array<i32>} : memref<128xf32, #tpu.memory_space<vmem>>, vector<16xf32>,
    %swap3A_39 = vector.shape_cast %swap3A_38 : vector<16xf32> to vector<16xf32>
    %swap3A_40 = vector.shape_cast %broadcast_in_dim3A_36 : vector<16xf32> to vector<16xf32>
    tpu.vector_store %arg8[%swap3A_37], %swap3A_40 {strides = array<i32>} : memref<128xf32, #tpu.memory_space<vmem>>, vector<16xf32>,
    %broadcast_in_dim3A_41 = arith.constant 1.000000e+00 : f32
    %broadcast_in_dim3A_42 = vector.broadcast %broadcast_in_dim3A_41 : f32 to vector<16xf32>
    %swap3A_43 = arith.constant 112 : index
    %swap3A_44 = tpu.vector_load %arg8[%swap3A_43] {strides = array<i32>} : memref<128xf32, #tpu.memory_space<vmem>>, vector<16xf32>,
    %swap3A_45 = vector.shape_cast %swap3A_44 : vector<16xf32> to vector<16xf32>
    %swap3A_46 = vector.shape_cast %broadcast_in_dim3A_42 : vector<16xf32> to vector<16xf32>
    tpu.vector_store %arg8[%swap3A_43], %swap3A_46 {strides = array<i32>} : memref<128xf32, #tpu.memory_space<vmem>>, vector<16xf32>,
    %eq3A = arith.constant 0 : i32
    %eq3A_47 = arith.cmpi eq, %arg1, %eq3A : i32
    %convert_element_type3A = arith.extui %eq3A_47 : i1 to i32
    %cond3A = arith.constant 0 : i32
    %cond3A_48 = arith.cmpi ne, %convert_element_type3A, %cond3A : i32
    scf.if %cond3A_48 {
      "tpu.region"() ({
        %run_scoped3A = tpu.sem_alloc : memref<!tpu.dma_semaphore, #tpu.memory_space<semaphore_mem>>
        tpu.enqueue_dma source(%arg4 : memref<10000xf32, #tpu.memory_space<hbm>>) target(%arg9 : memref<10000xf32, #tpu.memory_space<vmem_shared>>) target_semaphore(%run_scoped3A : memref<!tpu.dma_semaphore, #tpu.memory_space<semaphore_mem>>)
        tpu.wait_dma2 semaphore(%run_scoped3A : memref<!tpu.dma_semaphore, #tpu.memory_space<semaphore_mem>>) src(%arg4 : memref<10000xf32, #tpu.memory_space<hbm>>) dst(%arg9 : memref<10000xf32, #tpu.memory_space<vmem_shared>>)
        tpu.yield
      }) : () -> ()
      "tpu.region"() ({
        %run_scoped3A = tpu.sem_alloc : memref<!tpu.dma_semaphore, #tpu.memory_space<semaphore_mem>>
        tpu.enqueue_dma source(%arg4 : memref<10000xf32, #tpu.memory_space<hbm>>) target(%arg10 : memref<10000xf32, #tpu.memory_space<vmem_shared>>) target_semaphore(%run_scoped3A : memref<!tpu.dma_semaphore, #tpu.memory_space<semaphore_mem>>)
        tpu.wait_dma2 semaphore(%run_scoped3A : memref<!tpu.dma_semaphore, #tpu.memory_space<semaphore_mem>>) src(%arg4 : memref<10000xf32, #tpu.memory_space<hbm>>) dst(%arg10 : memref<10000xf32, #tpu.memory_space<vmem_shared>>)
        tpu.yield
      }) : () -> ()
    } else {
    }
    %barrier3A = arith.constant 0 : index
    tpu.barrier barrier_id(%barrier3A)
    %mul3A_49 = arith.constant 10000 : i32
    %mul3A_50 = arith.muli %add3A, %mul3A_49 : i32
    %scan3A = arith.constant 0 : i32
    %scan3A_51 = arith.constant 0 : i32
    %scan3A_52 = arith.constant 78 : i32
    %scan3A_53 = arith.addi %scan3A_51, %scan3A_52 : i32
    %scan3A_54 = arith.constant 1 : i32
    scf.for %scan3A_64 = %scan3A_51 to %scan3A_53 step %scan3A_54  : i32 {
      %mul3A_65 = arith.constant 128 : i32
      %mul3A_66 = arith.muli %scan3A_64, %mul3A_65 : i32
      %add3A_67 = arith.addi %mul3A_50, %mul3A_66 : i32
      "tpu.region"() ({
        %run_scoped3A = tpu.sem_alloc : memref<!tpu.dma_semaphore, #tpu.memory_space<semaphore_mem>>
        %dma_start3A = tpu.memref_slice %arg2[%add3A_67] : memref<320000xi32, #tpu.memory_space<hbm>> -> memref<128xi32, #tpu.memory_space<hbm>>
        %dma_start3A_68 = tpu.memref_slice %arg2[%add3A_67] : memref<320000xi32, #tpu.memory_space<hbm>> -> memref<128xi32, #tpu.memory_space<hbm>>
        tpu.enqueue_dma source(%dma_start3A_68 : memref<128xi32, #tpu.memory_space<hbm>>) target(%arg6 : memref<128xi32, #tpu.memory_space<vmem>>) target_semaphore(%run_scoped3A : memref<!tpu.dma_semaphore, #tpu.memory_space<semaphore_mem>>)
        %dma_wait3A = tpu.memref_slice %arg2[%add3A_67] : memref<320000xi32, #tpu.memory_space<hbm>> -> memref<128xi32, #tpu.memory_space<hbm>>
        %dma_wait3A_69 = tpu.memref_slice %arg2[%add3A_67] : memref<320000xi32, #tpu.memory_space<hbm>> -> memref<128xi32, #tpu.memory_space<hbm>>
        tpu.wait_dma2 semaphore(%run_scoped3A : memref<!tpu.dma_semaphore, #tpu.memory_space<semaphore_mem>>) src(%dma_wait3A_69 : memref<128xi32, #tpu.memory_space<hbm>>) dst(%arg6 : memref<128xi32, #tpu.memory_space<vmem>>)
        tpu.yield
      }) : () -> ()
      "tpu.region"() ({
        %run_scoped3A = tpu.sem_alloc : memref<!tpu.dma_semaphore, #tpu.memory_space<semaphore_mem>>
        %dma_start3A = arith.constant 0 : i32
        %dma_start3A_68 = tpu.memref_slice %arg9[%dma_start3A] : memref<10000xf32, #tpu.memory_space<vmem_shared>> -> memref<10000xf32, #tpu.memory_space<vmem_shared>>
        tpu.enqueue_indirect_dma source(%arg8 : memref<128xf32, #tpu.memory_space<vmem>>) target(%dma_start3A_68 : memref<10000xf32, #tpu.memory_space<vmem_shared>>) offsets(%arg6 : memref<128xi32, #tpu.memory_space<vmem>>) semaphore(%run_scoped3A : memref<!tpu.dma_semaphore, #tpu.memory_space<semaphore_mem>>) {add = true}
        %dma_wait3A = arith.constant 0 : i32
        %dma_wait3A_69 = tpu.memref_slice %arg9[%dma_wait3A] : memref<10000xf32, #tpu.memory_space<vmem_shared>> -> memref<10000xf32, #tpu.memory_space<vmem_shared>>
        tpu.wait_indirect_dma semaphore(%run_scoped3A : memref<!tpu.dma_semaphore, #tpu.memory_space<semaphore_mem>>) src(%arg8 : memref<128xf32, #tpu.memory_space<vmem>>) dst(%dma_wait3A_69 : memref<10000xf32, #tpu.memory_space<vmem_shared>>)
        tpu.yield
      }) : () -> ()
      "tpu.region"() ({
        %run_scoped3A = tpu.sem_alloc : memref<!tpu.dma_semaphore, #tpu.memory_space<semaphore_mem>>
        %dma_start3A = tpu.memref_slice %arg3[%add3A_67] : memref<320000xi32, #tpu.memory_space<hbm>> -> memref<128xi32, #tpu.memory_space<hbm>>
        %dma_start3A_68 = tpu.memref_slice %arg3[%add3A_67] : memref<320000xi32, #tpu.memory_space<hbm>> -> memref<128xi32, #tpu.memory_space<hbm>>
        tpu.enqueue_dma source(%dma_start3A_68 : memref<128xi32, #tpu.memory_space<hbm>>) target(%arg6 : memref<128xi32, #tpu.memory_space<vmem>>) target_semaphore(%run_scoped3A : memref<!tpu.dma_semaphore, #tpu.memory_space<semaphore_mem>>)
        %dma_wait3A = tpu.memref_slice %arg3[%add3A_67] : memref<320000xi32, #tpu.memory_space<hbm>> -> memref<128xi32, #tpu.memory_space<hbm>>
        %dma_wait3A_69 = tpu.memref_slice %arg3[%add3A_67] : memref<320000xi32, #tpu.memory_space<hbm>> -> memref<128xi32, #tpu.memory_space<hbm>>
        tpu.wait_dma2 semaphore(%run_scoped3A : memref<!tpu.dma_semaphore, #tpu.memory_space<semaphore_mem>>) src(%dma_wait3A_69 : memref<128xi32, #tpu.memory_space<hbm>>) dst(%arg6 : memref<128xi32, #tpu.memory_space<vmem>>)
        tpu.yield
      }) : () -> ()
      "tpu.region"() ({
        %run_scoped3A = tpu.sem_alloc : memref<!tpu.dma_semaphore, #tpu.memory_space<semaphore_mem>>
        %dma_start3A = arith.constant 0 : i32
        %dma_start3A_68 = tpu.memref_slice %arg10[%dma_start3A] : memref<10000xf32, #tpu.memory_space<vmem_shared>> -> memref<10000xf32, #tpu.memory_space<vmem_shared>>
        tpu.enqueue_indirect_dma source(%arg8 : memref<128xf32, #tpu.memory_space<vmem>>) target(%dma_start3A_68 : memref<10000xf32, #tpu.memory_space<vmem_shared>>) offsets(%arg6 : memref<128xi32, #tpu.memory_space<vmem>>) semaphore(%run_scoped3A : memref<!tpu.dma_semaphore, #tpu.memory_space<semaphore_mem>>) {add = true}
        %dma_wait3A = arith.constant 0 : i32
        %dma_wait3A_69 = tpu.memref_slice %arg10[%dma_wait3A] : memref<10000xf32, #tpu.memory_space<vmem_shared>> -> memref<10000xf32, #tpu.memory_space<vmem_shared>>
        tpu.wait_indirect_dma semaphore(%run_scoped3A : memref<!tpu.dma_semaphore, #tpu.memory_space<semaphore_mem>>) src(%arg8 : memref<128xf32, #tpu.memory_space<vmem>>) dst(%dma_wait3A_69 : memref<10000xf32, #tpu.memory_space<vmem_shared>>)
        tpu.yield
      }) : () -> ()
    }
    %scan3A_55 = arith.constant 78 : i32
    %add3A_56 = arith.constant 9984 : i32
    %add3A_57 = arith.addi %mul3A_50, %add3A_56 : i32
    "tpu.region"() ({
      %run_scoped3A = tpu.sem_alloc : memref<!tpu.dma_semaphore, #tpu.memory_space<semaphore_mem>>
      %dma_start3A = tpu.memref_slice %arg2[%add3A_57] : memref<320000xi32, #tpu.memory_space<hbm>> -> memref<16xi32, #tpu.memory_space<hbm>>
      %dma_start3A_64 = tpu.memref_slice %arg2[%add3A_57] : memref<320000xi32, #tpu.memory_space<hbm>> -> memref<16xi32, #tpu.memory_space<hbm>>
      tpu.enqueue_dma source(%dma_start3A_64 : memref<16xi32, #tpu.memory_space<hbm>>) target(%arg7 : memref<16xi32, #tpu.memory_space<vmem>>) target_semaphore(%run_scoped3A : memref<!tpu.dma_semaphore, #tpu.memory_space<semaphore_mem>>)
      %dma_wait3A = tpu.memref_slice %arg2[%add3A_57] : memref<320000xi32, #tpu.memory_space<hbm>> -> memref<16xi32, #tpu.memory_space<hbm>>
      %dma_wait3A_65 = tpu.memref_slice %arg2[%add3A_57] : memref<320000xi32, #tpu.memory_space<hbm>> -> memref<16xi32, #tpu.memory_space<hbm>>
      tpu.wait_dma2 semaphore(%run_scoped3A : memref<!tpu.dma_semaphore, #tpu.memory_space<semaphore_mem>>) src(%dma_wait3A_65 : memref<16xi32, #tpu.memory_space<hbm>>) dst(%arg7 : memref<16xi32, #tpu.memory_space<vmem>>)
      tpu.yield
    }) : () -> ()
    "tpu.region"() ({
      %run_scoped3A = tpu.sem_alloc : memref<!tpu.dma_semaphore, #tpu.memory_space<semaphore_mem>>
      %dma_start3A = arith.constant 0 : i32
      %dma_start3A_64 = tpu.memref_slice %arg8[%dma_start3A] : memref<128xf32, #tpu.memory_space<vmem>> -> memref<16xf32, #tpu.memory_space<vmem>>
      %dma_start3A_65 = arith.constant 0 : i32
      %dma_start3A_66 = tpu.memref_slice %arg9[%dma_start3A_65] : memref<10000xf32, #tpu.memory_space<vmem_shared>> -> memref<10000xf32, #tpu.memory_space<vmem_shared>>
      tpu.enqueue_indirect_dma source(%dma_start3A_64 : memref<16xf32, #tpu.memory_space<vmem>>) target(%dma_start3A_66 : memref<10000xf32, #tpu.memory_space<vmem_shared>>) offsets(%arg7 : memref<16xi32, #tpu.memory_space<vmem>>) semaphore(%run_scoped3A : memref<!tpu.dma_semaphore, #tpu.memory_space<semaphore_mem>>) {add = true}
      %dma_wait3A = arith.constant 0 : i32
      %dma_wait3A_67 = tpu.memref_slice %arg8[%dma_wait3A] : memref<128xf32, #tpu.memory_space<vmem>> -> memref<16xf32, #tpu.memory_space<vmem>>
      %dma_wait3A_68 = arith.constant 0 : i32
      %dma_wait3A_69 = tpu.memref_slice %arg9[%dma_wait3A_68] : memref<10000xf32, #tpu.memory_space<vmem_shared>> -> memref<10000xf32, #tpu.memory_space<vmem_shared>>
      tpu.wait_indirect_dma semaphore(%run_scoped3A : memref<!tpu.dma_semaphore, #tpu.memory_space<semaphore_mem>>) src(%dma_wait3A_67 : memref<16xf32, #tpu.memory_space<vmem>>) dst(%dma_wait3A_69 : memref<10000xf32, #tpu.memory_space<vmem_shared>>)
      tpu.yield
    }) : () -> ()
    "tpu.region"() ({
      %run_scoped3A = tpu.sem_alloc : memref<!tpu.dma_semaphore, #tpu.memory_space<semaphore_mem>>
      %dma_start3A = tpu.memref_slice %arg3[%add3A_57] : memref<320000xi32, #tpu.memory_space<hbm>> -> memref<16xi32, #tpu.memory_space<hbm>>
      %dma_start3A_64 = tpu.memref_slice %arg3[%add3A_57] : memref<320000xi32, #tpu.memory_space<hbm>> -> memref<16xi32, #tpu.memory_space<hbm>>
      tpu.enqueue_dma source(%dma_start3A_64 : memref<16xi32, #tpu.memory_space<hbm>>) target(%arg7 : memref<16xi32, #tpu.memory_space<vmem>>) target_semaphore(%run_scoped3A : memref<!tpu.dma_semaphore, #tpu.memory_space<semaphore_mem>>)
      %dma_wait3A = tpu.memref_slice %arg3[%add3A_57] : memref<320000xi32, #tpu.memory_space<hbm>> -> memref<16xi32, #tpu.memory_space<hbm>>
      %dma_wait3A_65 = tpu.memref_slice %arg3[%add3A_57] : memref<320000xi32, #tpu.memory_space<hbm>> -> memref<16xi32, #tpu.memory_space<hbm>>
      tpu.wait_dma2 semaphore(%run_scoped3A : memref<!tpu.dma_semaphore, #tpu.memory_space<semaphore_mem>>) src(%dma_wait3A_65 : memref<16xi32, #tpu.memory_space<hbm>>) dst(%arg7 : memref<16xi32, #tpu.memory_space<vmem>>)
      tpu.yield
    }) : () -> ()
    "tpu.region"() ({
      %run_scoped3A = tpu.sem_alloc : memref<!tpu.dma_semaphore, #tpu.memory_space<semaphore_mem>>
      %dma_start3A = arith.constant 0 : i32
      %dma_start3A_64 = tpu.memref_slice %arg8[%dma_start3A] : memref<128xf32, #tpu.memory_space<vmem>> -> memref<16xf32, #tpu.memory_space<vmem>>
      %dma_start3A_65 = arith.constant 0 : i32
      %dma_start3A_66 = tpu.memref_slice %arg10[%dma_start3A_65] : memref<10000xf32, #tpu.memory_space<vmem_shared>> -> memref<10000xf32, #tpu.memory_space<vmem_shared>>
      tpu.enqueue_indirect_dma source(%dma_start3A_64 : memref<16xf32, #tpu.memory_space<vmem>>) target(%dma_start3A_66 : memref<10000xf32, #tpu.memory_space<vmem_shared>>) offsets(%arg7 : memref<16xi32, #tpu.memory_space<vmem>>) semaphore(%run_scoped3A : memref<!tpu.dma_semaphore, #tpu.memory_space<semaphore_mem>>) {add = true}
      %dma_wait3A = arith.constant 0 : i32
      %dma_wait3A_67 = tpu.memref_slice %arg8[%dma_wait3A] : memref<128xf32, #tpu.memory_space<vmem>> -> memref<16xf32, #tpu.memory_space<vmem>>
      %dma_wait3A_68 = arith.constant 0 : i32
      %dma_wait3A_69 = tpu.memref_slice %arg10[%dma_wait3A_68] : memref<10000xf32, #tpu.memory_space<vmem_shared>> -> memref<10000xf32, #tpu.memory_space<vmem_shared>>
      tpu.wait_indirect_dma semaphore(%run_scoped3A : memref<!tpu.dma_semaphore, #tpu.memory_space<semaphore_mem>>) src(%dma_wait3A_67 : memref<16xf32, #tpu.memory_space<vmem>>) dst(%dma_wait3A_69 : memref<10000xf32, #tpu.memory_space<vmem_shared>>)
      tpu.yield
    }) : () -> ()
    %barrier3A_58 = arith.constant 0 : index
    tpu.barrier barrier_id(%barrier3A_58)
    %eq3A_59 = arith.constant 0 : i32
    %eq3A_60 = arith.cmpi eq, %arg1, %eq3A_59 : i32
    %convert_element_type3A_61 = arith.extui %eq3A_60 : i1 to i32
    %cond3A_62 = arith.constant 0 : i32
    %cond3A_63 = arith.cmpi ne, %convert_element_type3A_61, %cond3A_62 : i32
    scf.if %cond3A_63 {
      %run_scoped3A = arith.constant 0 : i32
      "tpu.region"() ({
        %run_scoped3A_65 = tpu.sem_alloc : memref<!tpu.dma_semaphore, #tpu.memory_space<semaphore_mem>>
        %dma_start3A = arith.constant 0 : i32
        %dma_start3A_66 = tpu.memref_slice %arg5[%arg0, %run_scoped3A, %dma_start3A] : memref<2x2x10000xf32, #tpu.memory_space<hbm>> -> memref<1x1x10000xf32, #tpu.memory_space<hbm>>
        %dma_start3A_67 = tpu.memref_squeeze %dma_start3A_66 : memref<1x1x10000xf32, #tpu.memory_space<hbm>> -> memref<10000xf32, #tpu.memory_space<hbm>>
        tpu.enqueue_dma source(%arg9 : memref<10000xf32, #tpu.memory_space<vmem_shared>>) target(%dma_start3A_67 : memref<10000xf32, #tpu.memory_space<hbm>>) target_semaphore(%run_scoped3A_65 : memref<!tpu.dma_semaphore, #tpu.memory_space<semaphore_mem>>)
        %dma_wait3A = arith.constant 0 : i32
        %dma_wait3A_68 = tpu.memref_slice %arg5[%arg0, %run_scoped3A, %dma_wait3A] : memref<2x2x10000xf32, #tpu.memory_space<hbm>> -> memref<1x1x10000xf32, #tpu.memory_space<hbm>>
        %dma_wait3A_69 = tpu.memref_squeeze %dma_wait3A_68 : memref<1x1x10000xf32, #tpu.memory_space<hbm>> -> memref<10000xf32, #tpu.memory_space<hbm>>
        tpu.wait_dma2 semaphore(%run_scoped3A_65 : memref<!tpu.dma_semaphore, #tpu.memory_space<semaphore_mem>>) src(%arg9 : memref<10000xf32, #tpu.memory_space<vmem_shared>>) dst(%dma_wait3A_69 : memref<10000xf32, #tpu.memory_space<hbm>>)
        tpu.yield
      }) : () -> ()
      %run_scoped3A_64 = arith.constant 1 : i32
      "tpu.region"() ({
        %run_scoped3A_65 = tpu.sem_alloc : memref<!tpu.dma_semaphore, #tpu.memory_space<semaphore_mem>>
        %dma_start3A = arith.constant 0 : i32
        %dma_start3A_66 = tpu.memref_slice %arg5[%arg0, %run_scoped3A_64, %dma_start3A] : memref<2x2x10000xf32, #tpu.memory_space<hbm>> -> memref<1x1x10000xf32, #tpu.memory_space<hbm>>
        %dma_start3A_67 = tpu.memref_squeeze %dma_start3A_66 : memref<1x1x10000xf32, #tpu.memory_space<hbm>> -> memref<10000xf32, #tpu.memory_space<hbm>>
        tpu.enqueue_dma source(%arg10 : memref<10000xf32, #tpu.memory_space<vmem_shared>>) target(%dma_start3A_67 : memref<10000xf32, #tpu.memory_space<hbm>>) target_semaphore(%run_scoped3A_65 : memref<!tpu.dma_semaphore, #tpu.memory_space<semaphore_mem>>)
        %dma_wait3A = arith.constant 0 : i32
        %dma_wait3A_68 = tpu.memref_slice %arg5[%arg0, %run_scoped3A_64, %dma_wait3A] : memref<2x2x10000xf32, #tpu.memory_space<hbm>> -> memref<1x1x10000xf32, #tpu.memory_space<hbm>>
        %dma_wait3A_69 = tpu.memref_squeeze %dma_wait3A_68 : memref<1x1x10000xf32, #tpu.memory_space<hbm>> -> memref<10000xf32, #tpu.memory_space<hbm>>
        tpu.wait_dma2 semaphore(%run_scoped3A_65 : memref<!tpu.dma_semaphore, #tpu.memory_space<semaphore_mem>>) src(%arg10 : memref<10000xf32, #tpu.memory_space<vmem_shared>>) dst(%dma_wait3A_69 : memref<10000xf32, #tpu.memory_space<hbm>>)
        tpu.yield
      }) : () -> ()
    } else {
    }
    return
  }
}

#map = affine_map<(d0, d1) -> (0, 0)>
#map1 = affine_map<(d0, d1) -> (0)>
#map2 = affine_map<(d0, d1) -> (0, 0, 0)>
module attributes {stable_mosaic.version = 14 : i64} {
  func.func @_agg(%arg0: i32, %arg1: i32, %arg2: memref<10000x128xf32, #tpu.memory_space<hbm>>, %arg3: memref<320000xi32, #tpu.memory_space<hbm>>, %arg4: memref<320000xi32, #tpu.memory_space<hbm>>, %arg5: memref<10000x128xf32, #tpu.memory_space<hbm>>, %arg6: memref<2x10000x128xf32, #tpu.memory_space<hbm>>, %arg7: memref<128xi32, #tpu.memory_space<vmem>>, %arg8: memref<128xi32, #tpu.memory_space<vmem>>, %arg9: memref<128xi32, #tpu.memory_space<vmem>>, %arg10: memref<128xi32, #tpu.memory_space<vmem>>, %arg11: memref<16xi32, #tpu.memory_space<vmem>>, %arg12: memref<16xi32, #tpu.memory_space<vmem>>, %arg13: memref<128x128xf32, #tpu.memory_space<vmem>>, %arg14: memref<128x128xf32, #tpu.memory_space<vmem>>, %arg15: memref<10000x128xf32, #tpu.memory_space<vmem_shared>>, %arg16: memref<!tpu.dma_semaphore, #tpu.memory_space<semaphore_mem>>, %arg17: memref<!tpu.dma_semaphore, #tpu.memory_space<semaphore_mem>>) attributes {dimension_semantics = [#tpu.dimension_semantics<core_parallel>, #tpu.dimension_semantics<subcore_parallel>], iteration_bounds = array<i64: 2, 16>, scalar_prefetch = 0 : i64, scratch_operands = 11 : i64, tpu.core_type = #tpu.core_type<sc_vector_subcore>, window_params = [{transform_indices = #map}, {transform_indices = #map1}, {transform_indices = #map1}, {transform_indices = #map}, {transform_indices = #map2}]} {
    %mul3A = arith.constant 16 : i32
    %mul3A_0 = arith.muli %arg0, %mul3A : i32
    %add3A = arith.addi %mul3A_0, %arg1 : i32
    %lt3A = arith.constant 15 : i32
    %lt3A_1 = arith.cmpi slt, %arg1, %lt3A : i32
    %convert_element_type3A = arith.extui %lt3A_1 : i1 to i32
    %cond3A = arith.constant 0 : i32
    %cond3A_2 = arith.cmpi ne, %convert_element_type3A, %cond3A : i32
    scf.if %cond3A_2 {
      %mul3A_33 = arith.constant 624 : i32
      %mul3A_34 = arith.muli %arg1, %mul3A_33 : i32
      %mul3A_35 = arith.constant 624 : i32
      %mul3A_36 = arith.muli %arg1, %mul3A_35 : i32
      "tpu.region"() ({
        %run_scoped3A = tpu.sem_alloc : memref<!tpu.dma_semaphore, #tpu.memory_space<semaphore_mem>>
        %dma_start3A_37 = arith.constant 0 : i32
        %dma_start3A_38 = tpu.memref_slice %arg15[%mul3A_36, %dma_start3A_37] : memref<10000x128xf32, #tpu.memory_space<vmem_shared>> -> memref<624x128xf32, #tpu.memory_space<vmem_shared>>
        %dma_start3A_39 = arith.constant 0 : i32
        %dma_start3A_40 = tpu.memref_slice %arg5[%mul3A_34, %dma_start3A_39] : memref<10000x128xf32, #tpu.memory_space<hbm>> -> memref<624x128xf32, #tpu.memory_space<hbm>>
        tpu.enqueue_dma source(%dma_start3A_40 : memref<624x128xf32, #tpu.memory_space<hbm>>) target(%dma_start3A_38 : memref<624x128xf32, #tpu.memory_space<vmem_shared>>) target_semaphore(%run_scoped3A : memref<!tpu.dma_semaphore, #tpu.memory_space<semaphore_mem>>)
        %dma_wait3A = arith.constant 0 : i32
        %dma_wait3A_41 = tpu.memref_slice %arg15[%mul3A_36, %dma_wait3A] : memref<10000x128xf32, #tpu.memory_space<vmem_shared>> -> memref<624x128xf32, #tpu.memory_space<vmem_shared>>
        %dma_wait3A_42 = arith.constant 0 : i32
        %dma_wait3A_43 = tpu.memref_slice %arg5[%mul3A_34, %dma_wait3A_42] : memref<10000x128xf32, #tpu.memory_space<hbm>> -> memref<624x128xf32, #tpu.memory_space<hbm>>
        tpu.wait_dma2 semaphore(%run_scoped3A : memref<!tpu.dma_semaphore, #tpu.memory_space<semaphore_mem>>) src(%dma_wait3A_43 : memref<624x128xf32, #tpu.memory_space<hbm>>) dst(%dma_wait3A_41 : memref<624x128xf32, #tpu.memory_space<vmem_shared>>)
        tpu.yield
      }) : () -> ()
    } else {
    }
    %eq3A = arith.constant 15 : i32
    %eq3A_3 = arith.cmpi eq, %arg1, %eq3A : i32
    %convert_element_type3A_4 = arith.extui %eq3A_3 : i1 to i32
    %cond3A_5 = arith.constant 0 : i32
    %cond3A_6 = arith.cmpi ne, %convert_element_type3A_4, %cond3A_5 : i32
    scf.if %cond3A_6 {
      "tpu.region"() ({
        %run_scoped3A = tpu.sem_alloc : memref<!tpu.dma_semaphore, #tpu.memory_space<semaphore_mem>>
        %dma_start3A_33 = arith.constant 9360 : i32
        %dma_start3A_34 = arith.constant 0 : i32
        %dma_start3A_35 = tpu.memref_slice %arg15[%dma_start3A_33, %dma_start3A_34] : memref<10000x128xf32, #tpu.memory_space<vmem_shared>> -> memref<640x128xf32, #tpu.memory_space<vmem_shared>>
        %dma_start3A_36 = arith.constant 9360 : i32
        %dma_start3A_37 = arith.constant 0 : i32
        %dma_start3A_38 = tpu.memref_slice %arg5[%dma_start3A_36, %dma_start3A_37] : memref<10000x128xf32, #tpu.memory_space<hbm>> -> memref<640x128xf32, #tpu.memory_space<hbm>>
        tpu.enqueue_dma source(%dma_start3A_38 : memref<640x128xf32, #tpu.memory_space<hbm>>) target(%dma_start3A_35 : memref<640x128xf32, #tpu.memory_space<vmem_shared>>) target_semaphore(%run_scoped3A : memref<!tpu.dma_semaphore, #tpu.memory_space<semaphore_mem>>)
        %dma_wait3A = arith.constant 9360 : i32
        %dma_wait3A_39 = arith.constant 0 : i32
        %dma_wait3A_40 = tpu.memref_slice %arg15[%dma_wait3A, %dma_wait3A_39] : memref<10000x128xf32, #tpu.memory_space<vmem_shared>> -> memref<640x128xf32, #tpu.memory_space<vmem_shared>>
        %dma_wait3A_41 = arith.constant 9360 : i32
        %dma_wait3A_42 = arith.constant 0 : i32
        %dma_wait3A_43 = tpu.memref_slice %arg5[%dma_wait3A_41, %dma_wait3A_42] : memref<10000x128xf32, #tpu.memory_space<hbm>> -> memref<640x128xf32, #tpu.memory_space<hbm>>
        tpu.wait_dma2 semaphore(%run_scoped3A : memref<!tpu.dma_semaphore, #tpu.memory_space<semaphore_mem>>) src(%dma_wait3A_43 : memref<640x128xf32, #tpu.memory_space<hbm>>) dst(%dma_wait3A_40 : memref<640x128xf32, #tpu.memory_space<vmem_shared>>)
        tpu.yield
      }) : () -> ()
    } else {
    }
    %barrier3A = arith.constant 0 : index
    tpu.barrier barrier_id(%barrier3A)
    %mul3A_7 = arith.constant 10000 : i32
    %mul3A_8 = arith.muli %add3A, %mul3A_7 : i32
    %add3A_9 = arith.constant 0 : i32
    %add3A_10 = arith.addi %mul3A_8, %add3A_9 : i32
    "tpu.region"() ({
      %run_scoped3A = tpu.sem_alloc : memref<!tpu.dma_semaphore, #tpu.memory_space<semaphore_mem>>
      %dma_start3A_33 = tpu.memref_slice %arg3[%add3A_10] : memref<320000xi32, #tpu.memory_space<hbm>> -> memref<128xi32, #tpu.memory_space<hbm>>
      %dma_start3A_34 = tpu.memref_slice %arg3[%add3A_10] : memref<320000xi32, #tpu.memory_space<hbm>> -> memref<128xi32, #tpu.memory_space<hbm>>
      tpu.enqueue_dma source(%dma_start3A_34 : memref<128xi32, #tpu.memory_space<hbm>>) target(%arg7 : memref<128xi32, #tpu.memory_space<vmem>>) target_semaphore(%run_scoped3A : memref<!tpu.dma_semaphore, #tpu.memory_space<semaphore_mem>>)
      %dma_wait3A = tpu.memref_slice %arg3[%add3A_10] : memref<320000xi32, #tpu.memory_space<hbm>> -> memref<128xi32, #tpu.memory_space<hbm>>
      %dma_wait3A_35 = tpu.memref_slice %arg3[%add3A_10] : memref<320000xi32, #tpu.memory_space<hbm>> -> memref<128xi32, #tpu.memory_space<hbm>>
      tpu.wait_dma2 semaphore(%run_scoped3A : memref<!tpu.dma_semaphore, #tpu.memory_space<semaphore_mem>>) src(%dma_wait3A_35 : memref<128xi32, #tpu.memory_space<hbm>>) dst(%arg7 : memref<128xi32, #tpu.memory_space<vmem>>)
      tpu.yield
    }) : () -> ()
    %add3A_11 = arith.constant 0 : i32
    %add3A_12 = arith.addi %mul3A_8, %add3A_11 : i32
    "tpu.region"() ({
      %run_scoped3A = tpu.sem_alloc : memref<!tpu.dma_semaphore, #tpu.memory_space<semaphore_mem>>
      %dma_start3A_33 = tpu.memref_slice %arg4[%add3A_12] : memref<320000xi32, #tpu.memory_space<hbm>> -> memref<128xi32, #tpu.memory_space<hbm>>
      %dma_start3A_34 = tpu.memref_slice %arg4[%add3A_12] : memref<320000xi32, #tpu.memory_space<hbm>> -> memref<128xi32, #tpu.memory_space<hbm>>
      tpu.enqueue_dma source(%dma_start3A_34 : memref<128xi32, #tpu.memory_space<hbm>>) target(%arg8 : memref<128xi32, #tpu.memory_space<vmem>>) target_semaphore(%run_scoped3A : memref<!tpu.dma_semaphore, #tpu.memory_space<semaphore_mem>>)
      %dma_wait3A = tpu.memref_slice %arg4[%add3A_12] : memref<320000xi32, #tpu.memory_space<hbm>> -> memref<128xi32, #tpu.memory_space<hbm>>
      %dma_wait3A_35 = tpu.memref_slice %arg4[%add3A_12] : memref<320000xi32, #tpu.memory_space<hbm>> -> memref<128xi32, #tpu.memory_space<hbm>>
      tpu.wait_dma2 semaphore(%run_scoped3A : memref<!tpu.dma_semaphore, #tpu.memory_space<semaphore_mem>>) src(%dma_wait3A_35 : memref<128xi32, #tpu.memory_space<hbm>>) dst(%arg8 : memref<128xi32, #tpu.memory_space<vmem>>)
      tpu.yield
    }) : () -> ()
    %dma_start3A = arith.constant 0 : i32
    %dma_start3A_13 = arith.constant 0 : i32
    %dma_start3A_14 = tpu.memref_slice %arg2[%dma_start3A, %dma_start3A_13] : memref<10000x128xf32, #tpu.memory_space<hbm>> -> memref<10000x128xf32, #tpu.memory_space<hbm>>
    tpu.enqueue_indirect_dma source(%dma_start3A_14 : memref<10000x128xf32, #tpu.memory_space<hbm>>) target(%arg13 : memref<128x128xf32, #tpu.memory_space<vmem>>) offsets(%arg7 : memref<128xi32, #tpu.memory_space<vmem>>) semaphore(%arg16 : memref<!tpu.dma_semaphore, #tpu.memory_space<semaphore_mem>>)
    %scan3A = arith.constant 0 : i32
    %scan3A_15 = arith.constant 0 : i32
    %scan3A_16 = arith.constant 39 : i32
    %scan3A_17 = arith.addi %scan3A_15, %scan3A_16 : i32
    %scan3A_18 = arith.constant 1 : i32
    scf.for %scan3A_33 = %scan3A_15 to %scan3A_17 step %scan3A_18  : i32 {
      %mul3A_34 = arith.constant 2 : i32
      %mul3A_35 = arith.muli %mul3A_34, %scan3A_33 : i32
      %add3A_36 = arith.constant 1 : i32
      %add3A_37 = arith.addi %mul3A_35, %add3A_36 : i32
      %mul3A_38 = arith.constant 128 : i32
      %mul3A_39 = arith.muli %add3A_37, %mul3A_38 : i32
      %add3A_40 = arith.addi %mul3A_8, %mul3A_39 : i32
      "tpu.region"() ({
        %run_scoped3A = tpu.sem_alloc : memref<!tpu.dma_semaphore, #tpu.memory_space<semaphore_mem>>
        %dma_start3A_59 = tpu.memref_slice %arg3[%add3A_40] : memref<320000xi32, #tpu.memory_space<hbm>> -> memref<128xi32, #tpu.memory_space<hbm>>
        %dma_start3A_60 = tpu.memref_slice %arg3[%add3A_40] : memref<320000xi32, #tpu.memory_space<hbm>> -> memref<128xi32, #tpu.memory_space<hbm>>
        tpu.enqueue_dma source(%dma_start3A_60 : memref<128xi32, #tpu.memory_space<hbm>>) target(%arg9 : memref<128xi32, #tpu.memory_space<vmem>>) target_semaphore(%run_scoped3A : memref<!tpu.dma_semaphore, #tpu.memory_space<semaphore_mem>>)
        %dma_wait3A_61 = tpu.memref_slice %arg3[%add3A_40] : memref<320000xi32, #tpu.memory_space<hbm>> -> memref<128xi32, #tpu.memory_space<hbm>>
        %dma_wait3A_62 = tpu.memref_slice %arg3[%add3A_40] : memref<320000xi32, #tpu.memory_space<hbm>> -> memref<128xi32, #tpu.memory_space<hbm>>
        tpu.wait_dma2 semaphore(%run_scoped3A : memref<!tpu.dma_semaphore, #tpu.memory_space<semaphore_mem>>) src(%dma_wait3A_62 : memref<128xi32, #tpu.memory_space<hbm>>) dst(%arg9 : memref<128xi32, #tpu.memory_space<vmem>>)
        tpu.yield
      }) : () -> ()
      %mul3A_41 = arith.constant 128 : i32
      %mul3A_42 = arith.muli %add3A_37, %mul3A_41 : i32
      %add3A_43 = arith.addi %mul3A_8, %mul3A_42 : i32
      "tpu.region"() ({
        %run_scoped3A = tpu.sem_alloc : memref<!tpu.dma_semaphore, #tpu.memory_space<semaphore_mem>>
        %dma_start3A_59 = tpu.memref_slice %arg4[%add3A_43] : memref<320000xi32, #tpu.memory_space<hbm>> -> memref<128xi32, #tpu.memory_space<hbm>>
        %dma_start3A_60 = tpu.memref_slice %arg4[%add3A_43] : memref<320000xi32, #tpu.memory_space<hbm>> -> memref<128xi32, #tpu.memory_space<hbm>>
        tpu.enqueue_dma source(%dma_start3A_60 : memref<128xi32, #tpu.memory_space<hbm>>) target(%arg10 : memref<128xi32, #tpu.memory_space<vmem>>) target_semaphore(%run_scoped3A : memref<!tpu.dma_semaphore, #tpu.memory_space<semaphore_mem>>)
        %dma_wait3A_61 = tpu.memref_slice %arg4[%add3A_43] : memref<320000xi32, #tpu.memory_space<hbm>> -> memref<128xi32, #tpu.memory_space<hbm>>
        %dma_wait3A_62 = tpu.memref_slice %arg4[%add3A_43] : memref<320000xi32, #tpu.memory_space<hbm>> -> memref<128xi32, #tpu.memory_space<hbm>>
        tpu.wait_dma2 semaphore(%run_scoped3A : memref<!tpu.dma_semaphore, #tpu.memory_space<semaphore_mem>>) src(%dma_wait3A_62 : memref<128xi32, #tpu.memory_space<hbm>>) dst(%arg10 : memref<128xi32, #tpu.memory_space<vmem>>)
        tpu.yield
      }) : () -> ()
      %dma_start3A_44 = arith.constant 0 : i32
      %dma_start3A_45 = arith.constant 0 : i32
      %dma_start3A_46 = tpu.memref_slice %arg2[%dma_start3A_44, %dma_start3A_45] : memref<10000x128xf32, #tpu.memory_space<hbm>> -> memref<10000x128xf32, #tpu.memory_space<hbm>>
      tpu.enqueue_indirect_dma source(%dma_start3A_46 : memref<10000x128xf32, #tpu.memory_space<hbm>>) target(%arg14 : memref<128x128xf32, #tpu.memory_space<vmem>>) offsets(%arg9 : memref<128xi32, #tpu.memory_space<vmem>>) semaphore(%arg17 : memref<!tpu.dma_semaphore, #tpu.memory_space<semaphore_mem>>)
      %dma_wait3A = arith.constant 0 : i32
      %dma_wait3A_47 = arith.constant 0 : i32
      %dma_wait3A_48 = tpu.memref_slice %arg2[%dma_wait3A, %dma_wait3A_47] : memref<10000x128xf32, #tpu.memory_space<hbm>> -> memref<10000x128xf32, #tpu.memory_space<hbm>>
      tpu.wait_indirect_dma semaphore(%arg16 : memref<!tpu.dma_semaphore, #tpu.memory_space<semaphore_mem>>) src(%dma_wait3A_48 : memref<10000x128xf32, #tpu.memory_space<hbm>>) dst(%arg13 : memref<128x128xf32, #tpu.memory_space<vmem>>)
      "tpu.region"() ({
        %run_scoped3A = tpu.sem_alloc : memref<!tpu.dma_semaphore, #tpu.memory_space<semaphore_mem>>
        %dma_start3A_59 = arith.constant 0 : i32
        %dma_start3A_60 = arith.constant 0 : i32
        %dma_start3A_61 = tpu.memref_slice %arg15[%dma_start3A_59, %dma_start3A_60] : memref<10000x128xf32, #tpu.memory_space<vmem_shared>> -> memref<10000x128xf32, #tpu.memory_space<vmem_shared>>
        tpu.enqueue_indirect_dma source(%arg13 : memref<128x128xf32, #tpu.memory_space<vmem>>) target(%dma_start3A_61 : memref<10000x128xf32, #tpu.memory_space<vmem_shared>>) offsets(%arg8 : memref<128xi32, #tpu.memory_space<vmem>>) semaphore(%run_scoped3A : memref<!tpu.dma_semaphore, #tpu.memory_space<semaphore_mem>>) {add = true}
        %dma_wait3A_62 = arith.constant 0 : i32
        %dma_wait3A_63 = arith.constant 0 : i32
        %dma_wait3A_64 = tpu.memref_slice %arg15[%dma_wait3A_62, %dma_wait3A_63] : memref<10000x128xf32, #tpu.memory_space<vmem_shared>> -> memref<10000x128xf32, #tpu.memory_space<vmem_shared>>
        tpu.wait_indirect_dma semaphore(%run_scoped3A : memref<!tpu.dma_semaphore, #tpu.memory_space<semaphore_mem>>) src(%arg13 : memref<128x128xf32, #tpu.memory_space<vmem>>) dst(%dma_wait3A_64 : memref<10000x128xf32, #tpu.memory_space<vmem_shared>>)
        tpu.yield
      }) : () -> ()
      %add3A_49 = arith.constant 2 : i32
      %add3A_50 = arith.addi %mul3A_35, %add3A_49 : i32
      %lt3A_51 = arith.constant 78 : i32
      %lt3A_52 = arith.cmpi slt, %add3A_50, %lt3A_51 : i32
      %convert_element_type3A_53 = arith.extui %lt3A_52 : i1 to i32
      %cond3A_54 = arith.constant 0 : i32
      %cond3A_55 = arith.cmpi ne, %convert_element_type3A_53, %cond3A_54 : i32
      scf.if %cond3A_55 {
        %add3A_59 = arith.constant 2 : i32
        %add3A_60 = arith.addi %mul3A_35, %add3A_59 : i32
        %mul3A_61 = arith.constant 128 : i32
        %mul3A_62 = arith.muli %add3A_60, %mul3A_61 : i32
        %add3A_63 = arith.addi %mul3A_8, %mul3A_62 : i32
        "tpu.region"() ({
          %run_scoped3A = tpu.sem_alloc : memref<!tpu.dma_semaphore, #tpu.memory_space<semaphore_mem>>
          %dma_start3A_70 = tpu.memref_slice %arg3[%add3A_63] : memref<320000xi32, #tpu.memory_space<hbm>> -> memref<128xi32, #tpu.memory_space<hbm>>
          %dma_start3A_71 = tpu.memref_slice %arg3[%add3A_63] : memref<320000xi32, #tpu.memory_space<hbm>> -> memref<128xi32, #tpu.memory_space<hbm>>
          tpu.enqueue_dma source(%dma_start3A_71 : memref<128xi32, #tpu.memory_space<hbm>>) target(%arg7 : memref<128xi32, #tpu.memory_space<vmem>>) target_semaphore(%run_scoped3A : memref<!tpu.dma_semaphore, #tpu.memory_space<semaphore_mem>>)
          %dma_wait3A_72 = tpu.memref_slice %arg3[%add3A_63] : memref<320000xi32, #tpu.memory_space<hbm>> -> memref<128xi32, #tpu.memory_space<hbm>>
          %dma_wait3A_73 = tpu.memref_slice %arg3[%add3A_63] : memref<320000xi32, #tpu.memory_space<hbm>> -> memref<128xi32, #tpu.memory_space<hbm>>
          tpu.wait_dma2 semaphore(%run_scoped3A : memref<!tpu.dma_semaphore, #tpu.memory_space<semaphore_mem>>) src(%dma_wait3A_73 : memref<128xi32, #tpu.memory_space<hbm>>) dst(%arg7 : memref<128xi32, #tpu.memory_space<vmem>>)
          tpu.yield
        }) : () -> ()
        %mul3A_64 = arith.constant 128 : i32
        %mul3A_65 = arith.muli %add3A_60, %mul3A_64 : i32
        %add3A_66 = arith.addi %mul3A_8, %mul3A_65 : i32
        "tpu.region"() ({
          %run_scoped3A = tpu.sem_alloc : memref<!tpu.dma_semaphore, #tpu.memory_space<semaphore_mem>>
          %dma_start3A_70 = tpu.memref_slice %arg4[%add3A_66] : memref<320000xi32, #tpu.memory_space<hbm>> -> memref<128xi32, #tpu.memory_space<hbm>>
          %dma_start3A_71 = tpu.memref_slice %arg4[%add3A_66] : memref<320000xi32, #tpu.memory_space<hbm>> -> memref<128xi32, #tpu.memory_space<hbm>>
          tpu.enqueue_dma source(%dma_start3A_71 : memref<128xi32, #tpu.memory_space<hbm>>) target(%arg8 : memref<128xi32, #tpu.memory_space<vmem>>) target_semaphore(%run_scoped3A : memref<!tpu.dma_semaphore, #tpu.memory_space<semaphore_mem>>)
          %dma_wait3A_72 = tpu.memref_slice %arg4[%add3A_66] : memref<320000xi32, #tpu.memory_space<hbm>> -> memref<128xi32, #tpu.memory_space<hbm>>
          %dma_wait3A_73 = tpu.memref_slice %arg4[%add3A_66] : memref<320000xi32, #tpu.memory_space<hbm>> -> memref<128xi32, #tpu.memory_space<hbm>>
          tpu.wait_dma2 semaphore(%run_scoped3A : memref<!tpu.dma_semaphore, #tpu.memory_space<semaphore_mem>>) src(%dma_wait3A_73 : memref<128xi32, #tpu.memory_space<hbm>>) dst(%arg8 : memref<128xi32, #tpu.memory_space<vmem>>)
          tpu.yield
        }) : () -> ()
        %dma_start3A_67 = arith.constant 0 : i32
        %dma_start3A_68 = arith.constant 0 : i32
        %dma_start3A_69 = tpu.memref_slice %arg2[%dma_start3A_67, %dma_start3A_68] : memref<10000x128xf32, #tpu.memory_space<hbm>> -> memref<10000x128xf32, #tpu.memory_space<hbm>>
        tpu.enqueue_indirect_dma source(%dma_start3A_69 : memref<10000x128xf32, #tpu.memory_space<hbm>>) target(%arg13 : memref<128x128xf32, #tpu.memory_space<vmem>>) offsets(%arg7 : memref<128xi32, #tpu.memory_space<vmem>>) semaphore(%arg16 : memref<!tpu.dma_semaphore, #tpu.memory_space<semaphore_mem>>)
      } else {
      }
      %dma_wait3A_56 = arith.constant 0 : i32
      %dma_wait3A_57 = arith.constant 0 : i32
      %dma_wait3A_58 = tpu.memref_slice %arg2[%dma_wait3A_56, %dma_wait3A_57] : memref<10000x128xf32, #tpu.memory_space<hbm>> -> memref<10000x128xf32, #tpu.memory_space<hbm>>
      tpu.wait_indirect_dma semaphore(%arg17 : memref<!tpu.dma_semaphore, #tpu.memory_space<semaphore_mem>>) src(%dma_wait3A_58 : memref<10000x128xf32, #tpu.memory_space<hbm>>) dst(%arg14 : memref<128x128xf32, #tpu.memory_space<vmem>>)
      "tpu.region"() ({
        %run_scoped3A = tpu.sem_alloc : memref<!tpu.dma_semaphore, #tpu.memory_space<semaphore_mem>>
        %dma_start3A_59 = arith.constant 0 : i32
        %dma_start3A_60 = arith.constant 0 : i32
        %dma_start3A_61 = tpu.memref_slice %arg15[%dma_start3A_59, %dma_start3A_60] : memref<10000x128xf32, #tpu.memory_space<vmem_shared>> -> memref<10000x128xf32, #tpu.memory_space<vmem_shared>>
        tpu.enqueue_indirect_dma source(%arg14 : memref<128x128xf32, #tpu.memory_space<vmem>>) target(%dma_start3A_61 : memref<10000x128xf32, #tpu.memory_space<vmem_shared>>) offsets(%arg10 : memref<128xi32, #tpu.memory_space<vmem>>) semaphore(%run_scoped3A : memref<!tpu.dma_semaphore, #tpu.memory_space<semaphore_mem>>) {add = true}
        %dma_wait3A_62 = arith.constant 0 : i32
        %dma_wait3A_63 = arith.constant 0 : i32
        %dma_wait3A_64 = tpu.memref_slice %arg15[%dma_wait3A_62, %dma_wait3A_63] : memref<10000x128xf32, #tpu.memory_space<vmem_shared>> -> memref<10000x128xf32, #tpu.memory_space<vmem_shared>>
        tpu.wait_indirect_dma semaphore(%run_scoped3A : memref<!tpu.dma_semaphore, #tpu.memory_space<semaphore_mem>>) src(%arg14 : memref<128x128xf32, #tpu.memory_space<vmem>>) dst(%dma_wait3A_64 : memref<10000x128xf32, #tpu.memory_space<vmem_shared>>)
        tpu.yield
      }) : () -> ()
    }
    %scan3A_19 = arith.constant 39 : i32
    %add3A_20 = arith.constant 9984 : i32
    %add3A_21 = arith.addi %mul3A_8, %add3A_20 : i32
    "tpu.region"() ({
      %run_scoped3A = tpu.sem_alloc : memref<!tpu.dma_semaphore, #tpu.memory_space<semaphore_mem>>
      %dma_start3A_33 = tpu.memref_slice %arg3[%add3A_21] : memref<320000xi32, #tpu.memory_space<hbm>> -> memref<16xi32, #tpu.memory_space<hbm>>
      %dma_start3A_34 = tpu.memref_slice %arg3[%add3A_21] : memref<320000xi32, #tpu.memory_space<hbm>> -> memref<16xi32, #tpu.memory_space<hbm>>
      tpu.enqueue_dma source(%dma_start3A_34 : memref<16xi32, #tpu.memory_space<hbm>>) target(%arg11 : memref<16xi32, #tpu.memory_space<vmem>>) target_semaphore(%run_scoped3A : memref<!tpu.dma_semaphore, #tpu.memory_space<semaphore_mem>>)
      %dma_wait3A = tpu.memref_slice %arg3[%add3A_21] : memref<320000xi32, #tpu.memory_space<hbm>> -> memref<16xi32, #tpu.memory_space<hbm>>
      %dma_wait3A_35 = tpu.memref_slice %arg3[%add3A_21] : memref<320000xi32, #tpu.memory_space<hbm>> -> memref<16xi32, #tpu.memory_space<hbm>>
      tpu.wait_dma2 semaphore(%run_scoped3A : memref<!tpu.dma_semaphore, #tpu.memory_space<semaphore_mem>>) src(%dma_wait3A_35 : memref<16xi32, #tpu.memory_space<hbm>>) dst(%arg11 : memref<16xi32, #tpu.memory_space<vmem>>)
      tpu.yield
    }) : () -> ()
    "tpu.region"() ({
      %run_scoped3A = tpu.sem_alloc : memref<!tpu.dma_semaphore, #tpu.memory_space<semaphore_mem>>
      %dma_start3A_33 = arith.constant 0 : i32
      %dma_start3A_34 = arith.constant 0 : i32
      %dma_start3A_35 = tpu.memref_slice %arg13[%dma_start3A_33, %dma_start3A_34] : memref<128x128xf32, #tpu.memory_space<vmem>> -> memref<16x128xf32, #tpu.memory_space<vmem>>
      %dma_start3A_36 = arith.constant 0 : i32
      %dma_start3A_37 = arith.constant 0 : i32
      %dma_start3A_38 = tpu.memref_slice %arg2[%dma_start3A_36, %dma_start3A_37] : memref<10000x128xf32, #tpu.memory_space<hbm>> -> memref<10000x128xf32, #tpu.memory_space<hbm>>
      tpu.enqueue_indirect_dma source(%dma_start3A_38 : memref<10000x128xf32, #tpu.memory_space<hbm>>) target(%dma_start3A_35 : memref<16x128xf32, #tpu.memory_space<vmem>>) offsets(%arg11 : memref<16xi32, #tpu.memory_space<vmem>>) semaphore(%run_scoped3A : memref<!tpu.dma_semaphore, #tpu.memory_space<semaphore_mem>>)
      %dma_wait3A = arith.constant 0 : i32
      %dma_wait3A_39 = arith.constant 0 : i32
      %dma_wait3A_40 = tpu.memref_slice %arg13[%dma_wait3A, %dma_wait3A_39] : memref<128x128xf32, #tpu.memory_space<vmem>> -> memref<16x128xf32, #tpu.memory_space<vmem>>
      %dma_wait3A_41 = arith.constant 0 : i32
      %dma_wait3A_42 = arith.constant 0 : i32
      %dma_wait3A_43 = tpu.memref_slice %arg2[%dma_wait3A_41, %dma_wait3A_42] : memref<10000x128xf32, #tpu.memory_space<hbm>> -> memref<10000x128xf32, #tpu.memory_space<hbm>>
      tpu.wait_indirect_dma semaphore(%run_scoped3A : memref<!tpu.dma_semaphore, #tpu.memory_space<semaphore_mem>>) src(%dma_wait3A_43 : memref<10000x128xf32, #tpu.memory_space<hbm>>) dst(%dma_wait3A_40 : memref<16x128xf32, #tpu.memory_space<vmem>>)
      tpu.yield
    }) : () -> ()
    "tpu.region"() ({
      %run_scoped3A = tpu.sem_alloc : memref<!tpu.dma_semaphore, #tpu.memory_space<semaphore_mem>>
      %dma_start3A_33 = tpu.memref_slice %arg4[%add3A_21] : memref<320000xi32, #tpu.memory_space<hbm>> -> memref<16xi32, #tpu.memory_space<hbm>>
      %dma_start3A_34 = tpu.memref_slice %arg4[%add3A_21] : memref<320000xi32, #tpu.memory_space<hbm>> -> memref<16xi32, #tpu.memory_space<hbm>>
      tpu.enqueue_dma source(%dma_start3A_34 : memref<16xi32, #tpu.memory_space<hbm>>) target(%arg12 : memref<16xi32, #tpu.memory_space<vmem>>) target_semaphore(%run_scoped3A : memref<!tpu.dma_semaphore, #tpu.memory_space<semaphore_mem>>)
      %dma_wait3A = tpu.memref_slice %arg4[%add3A_21] : memref<320000xi32, #tpu.memory_space<hbm>> -> memref<16xi32, #tpu.memory_space<hbm>>
      %dma_wait3A_35 = tpu.memref_slice %arg4[%add3A_21] : memref<320000xi32, #tpu.memory_space<hbm>> -> memref<16xi32, #tpu.memory_space<hbm>>
      tpu.wait_dma2 semaphore(%run_scoped3A : memref<!tpu.dma_semaphore, #tpu.memory_space<semaphore_mem>>) src(%dma_wait3A_35 : memref<16xi32, #tpu.memory_space<hbm>>) dst(%arg12 : memref<16xi32, #tpu.memory_space<vmem>>)
      tpu.yield
    }) : () -> ()
    "tpu.region"() ({
      %run_scoped3A = tpu.sem_alloc : memref<!tpu.dma_semaphore, #tpu.memory_space<semaphore_mem>>
      %dma_start3A_33 = arith.constant 0 : i32
      %dma_start3A_34 = arith.constant 0 : i32
      %dma_start3A_35 = tpu.memref_slice %arg13[%dma_start3A_33, %dma_start3A_34] : memref<128x128xf32, #tpu.memory_space<vmem>> -> memref<16x128xf32, #tpu.memory_space<vmem>>
      %dma_start3A_36 = arith.constant 0 : i32
      %dma_start3A_37 = arith.constant 0 : i32
      %dma_start3A_38 = tpu.memref_slice %arg15[%dma_start3A_36, %dma_start3A_37] : memref<10000x128xf32, #tpu.memory_space<vmem_shared>> -> memref<10000x128xf32, #tpu.memory_space<vmem_shared>>
      tpu.enqueue_indirect_dma source(%dma_start3A_35 : memref<16x128xf32, #tpu.memory_space<vmem>>) target(%dma_start3A_38 : memref<10000x128xf32, #tpu.memory_space<vmem_shared>>) offsets(%arg12 : memref<16xi32, #tpu.memory_space<vmem>>) semaphore(%run_scoped3A : memref<!tpu.dma_semaphore, #tpu.memory_space<semaphore_mem>>) {add = true}
      %dma_wait3A = arith.constant 0 : i32
      %dma_wait3A_39 = arith.constant 0 : i32
      %dma_wait3A_40 = tpu.memref_slice %arg13[%dma_wait3A, %dma_wait3A_39] : memref<128x128xf32, #tpu.memory_space<vmem>> -> memref<16x128xf32, #tpu.memory_space<vmem>>
      %dma_wait3A_41 = arith.constant 0 : i32
      %dma_wait3A_42 = arith.constant 0 : i32
      %dma_wait3A_43 = tpu.memref_slice %arg15[%dma_wait3A_41, %dma_wait3A_42] : memref<10000x128xf32, #tpu.memory_space<vmem_shared>> -> memref<10000x128xf32, #tpu.memory_space<vmem_shared>>
      tpu.wait_indirect_dma semaphore(%run_scoped3A : memref<!tpu.dma_semaphore, #tpu.memory_space<semaphore_mem>>) src(%dma_wait3A_40 : memref<16x128xf32, #tpu.memory_space<vmem>>) dst(%dma_wait3A_43 : memref<10000x128xf32, #tpu.memory_space<vmem_shared>>)
      tpu.yield
    }) : () -> ()
    %barrier3A_22 = arith.constant 0 : index
    tpu.barrier barrier_id(%barrier3A_22)
    %lt3A_23 = arith.constant 15 : i32
    %lt3A_24 = arith.cmpi slt, %arg1, %lt3A_23 : i32
    %convert_element_type3A_25 = arith.extui %lt3A_24 : i1 to i32
    %cond3A_26 = arith.constant 0 : i32
    %cond3A_27 = arith.cmpi ne, %convert_element_type3A_25, %cond3A_26 : i32
    scf.if %cond3A_27 {
      %mul3A_33 = arith.constant 624 : i32
      %mul3A_34 = arith.muli %arg1, %mul3A_33 : i32
      %mul3A_35 = arith.constant 624 : i32
      %mul3A_36 = arith.muli %arg1, %mul3A_35 : i32
      "tpu.region"() ({
        %run_scoped3A = tpu.sem_alloc : memref<!tpu.dma_semaphore, #tpu.memory_space<semaphore_mem>>
        %dma_start3A_37 = arith.constant 0 : i32
        %dma_start3A_38 = tpu.memref_slice %arg6[%arg0, %mul3A_36, %dma_start3A_37] : memref<2x10000x128xf32, #tpu.memory_space<hbm>> -> memref<1x624x128xf32, #tpu.memory_space<hbm>>
        %dma_start3A_39 = tpu.memref_squeeze %dma_start3A_38 : memref<1x624x128xf32, #tpu.memory_space<hbm>> -> memref<624x128xf32, #tpu.memory_space<hbm>>
        %dma_start3A_40 = arith.constant 0 : i32
        %dma_start3A_41 = tpu.memref_slice %arg15[%mul3A_34, %dma_start3A_40] : memref<10000x128xf32, #tpu.memory_space<vmem_shared>> -> memref<624x128xf32, #tpu.memory_space<vmem_shared>>
        tpu.enqueue_dma source(%dma_start3A_41 : memref<624x128xf32, #tpu.memory_space<vmem_shared>>) target(%dma_start3A_39 : memref<624x128xf32, #tpu.memory_space<hbm>>) target_semaphore(%run_scoped3A : memref<!tpu.dma_semaphore, #tpu.memory_space<semaphore_mem>>)
        %dma_wait3A = arith.constant 0 : i32
        %dma_wait3A_42 = tpu.memref_slice %arg6[%arg0, %mul3A_36, %dma_wait3A] : memref<2x10000x128xf32, #tpu.memory_space<hbm>> -> memref<1x624x128xf32, #tpu.memory_space<hbm>>
        %dma_wait3A_43 = tpu.memref_squeeze %dma_wait3A_42 : memref<1x624x128xf32, #tpu.memory_space<hbm>> -> memref<624x128xf32, #tpu.memory_space<hbm>>
        %dma_wait3A_44 = arith.constant 0 : i32
        %dma_wait3A_45 = tpu.memref_slice %arg15[%mul3A_34, %dma_wait3A_44] : memref<10000x128xf32, #tpu.memory_space<vmem_shared>> -> memref<624x128xf32, #tpu.memory_space<vmem_shared>>
        tpu.wait_dma2 semaphore(%run_scoped3A : memref<!tpu.dma_semaphore, #tpu.memory_space<semaphore_mem>>) src(%dma_wait3A_45 : memref<624x128xf32, #tpu.memory_space<vmem_shared>>) dst(%dma_wait3A_43 : memref<624x128xf32, #tpu.memory_space<hbm>>)
        tpu.yield
      }) : () -> ()
    } else {
    }
    %eq3A_28 = arith.constant 15 : i32
    %eq3A_29 = arith.cmpi eq, %arg1, %eq3A_28 : i32
    %convert_element_type3A_30 = arith.extui %eq3A_29 : i1 to i32
    %cond3A_31 = arith.constant 0 : i32
    %cond3A_32 = arith.cmpi ne, %convert_element_type3A_30, %cond3A_31 : i32
    scf.if %cond3A_32 {
      "tpu.region"() ({
        %run_scoped3A = tpu.sem_alloc : memref<!tpu.dma_semaphore, #tpu.memory_space<semaphore_mem>>
        %dma_start3A_33 = arith.constant 9360 : i32
        %dma_start3A_34 = arith.constant 0 : i32
        %dma_start3A_35 = tpu.memref_slice %arg6[%arg0, %dma_start3A_33, %dma_start3A_34] : memref<2x10000x128xf32, #tpu.memory_space<hbm>> -> memref<1x640x128xf32, #tpu.memory_space<hbm>>
        %dma_start3A_36 = tpu.memref_squeeze %dma_start3A_35 : memref<1x640x128xf32, #tpu.memory_space<hbm>> -> memref<640x128xf32, #tpu.memory_space<hbm>>
        %dma_start3A_37 = arith.constant 9360 : i32
        %dma_start3A_38 = arith.constant 0 : i32
        %dma_start3A_39 = tpu.memref_slice %arg15[%dma_start3A_37, %dma_start3A_38] : memref<10000x128xf32, #tpu.memory_space<vmem_shared>> -> memref<640x128xf32, #tpu.memory_space<vmem_shared>>
        tpu.enqueue_dma source(%dma_start3A_39 : memref<640x128xf32, #tpu.memory_space<vmem_shared>>) target(%dma_start3A_36 : memref<640x128xf32, #tpu.memory_space<hbm>>) target_semaphore(%run_scoped3A : memref<!tpu.dma_semaphore, #tpu.memory_space<semaphore_mem>>)
        %dma_wait3A = arith.constant 9360 : i32
        %dma_wait3A_40 = arith.constant 0 : i32
        %dma_wait3A_41 = tpu.memref_slice %arg6[%arg0, %dma_wait3A, %dma_wait3A_40] : memref<2x10000x128xf32, #tpu.memory_space<hbm>> -> memref<1x640x128xf32, #tpu.memory_space<hbm>>
        %dma_wait3A_42 = tpu.memref_squeeze %dma_wait3A_41 : memref<1x640x128xf32, #tpu.memory_space<hbm>> -> memref<640x128xf32, #tpu.memory_space<hbm>>
        %dma_wait3A_43 = arith.constant 9360 : i32
        %dma_wait3A_44 = arith.constant 0 : i32
        %dma_wait3A_45 = tpu.memref_slice %arg15[%dma_wait3A_43, %dma_wait3A_44] : memref<10000x128xf32, #tpu.memory_space<vmem_shared>> -> memref<640x128xf32, #tpu.memory_space<vmem_shared>>
        tpu.wait_dma2 semaphore(%run_scoped3A : memref<!tpu.dma_semaphore, #tpu.memory_space<semaphore_mem>>) src(%dma_wait3A_45 : memref<640x128xf32, #tpu.memory_space<vmem_shared>>) dst(%dma_wait3A_42 : memref<640x128xf32, #tpu.memory_space<hbm>>)
        tpu.yield
      }) : () -> ()
    } else {
    }
    return
  }
}

module attributes {stable_mosaic.version = 14 : i64} {
  func.func @body(%arg0: i32, %arg1: memref<1000x128xf32, #tpu.memory_space<vmem>>, %arg2: memref<1000x1xf32, #tpu.memory_space<vmem>>, %arg3: memref<128x128xf32, #tpu.memory_space<vmem>>, %arg4: memref<1000x128xf32, #tpu.memory_space<vmem>>) attributes {dimension_semantics = [#tpu.dimension_semantics<arbitrary>], iteration_bounds = array<i64: 10>, scalar_prefetch = 0 : i64, scratch_operands = 0 : i64, tpu.core_type = #tpu.core_type<tc>, window_params = [{transform_indices = @transform_0, window_bounds = array<i64: 1000, 128>}, {transform_indices = @transform_1, window_bounds = array<i64: 1000, 1>}, {pipeline_mode = #tpu.pipeline_mode<synchronous>, transform_indices = @transform_2, window_bounds = array<i64: 128, 128>}, {transform_indices = @transform_3, window_bounds = array<i64: 1000, 128>}]} {
    %get3A = arith.constant 0 : index
    %get3A_0 = arith.constant 0 : index
    %get3A_1 = vector.load %arg1[%get3A, %get3A_0] : memref<1000x128xf32, #tpu.memory_space<vmem>>, vector<1000x128xf32>
    %get3A_2 = arith.constant 0 : index
    %get3A_3 = arith.constant 0 : index
    %get3A_4 = vector.load %arg2[%get3A_2, %get3A_3] : memref<1000x1xf32, #tpu.memory_space<vmem>>, vector<1000x1xf32>
    %mul3A = vector.broadcast %get3A_4 : vector<1000x1xf32> to vector<1000x128xf32>
    %mul3A_5 = arith.mulf %get3A_1, %mul3A : vector<1000x128xf32>
    %get3A_6 = arith.constant 0 : index
    %get3A_7 = arith.constant 0 : index
    %get3A_8 = vector.load %arg3[%get3A_6, %get3A_7] : memref<128x128xf32, #tpu.memory_space<vmem>>, vector<128x128xf32>
    %dot_general3A = arith.constant dense<0.000000e+00> : vector<1000x128xf32>
    %dot_general3A_9 = tpu.matmul %mul3A_5, %get3A_8, %dot_general3A {dimension_numbers = #tpu.dot_dimension_numbers<[1], [0], [0], [1], [0, 0, 1, 1], [], []>, transpose_lhs_hint = false} : vector<1000x128xf32>, vector<128x128xf32>, vector<1000x128xf32> -> vector<1000x128xf32>
    %swap3A = arith.constant 0 : index
    %swap3A_10 = arith.constant 0 : index
    %swap3A_11 = vector.load %arg4[%swap3A, %swap3A_10] : memref<1000x128xf32, #tpu.memory_space<vmem>>, vector<1000x128xf32>
    tpu.vector_store %arg4[%swap3A, %swap3A_10], %dot_general3A_9 {strides = array<i32>} : memref<1000x128xf32, #tpu.memory_space<vmem>>, vector<1000x128xf32>,
    return
  }
  func.func @transform_0(%arg0: i32) -> (i32, i32) {
    %c0_i32 = arith.constant 0 : i32
    %c0_i32_0 = arith.constant 0 : i32
    return %arg0, %c0_i32 : i32, i32
  }
  func.func @transform_1(%arg0: i32) -> (i32, i32) {
    %c0_i32 = arith.constant 0 : i32
    %c0_i32_0 = arith.constant 0 : i32
    return %arg0, %c0_i32 : i32, i32
  }
  func.func @transform_2(%arg0: i32) -> (i32, i32) {
    %c0_i32 = arith.constant 0 : i32
    %c0_i32_0 = arith.constant 0 : i32
    %c0_i32_1 = arith.constant 0 : i32
    return %c0_i32, %c0_i32_0 : i32, i32
  }
  func.func @transform_3(%arg0: i32) -> (i32, i32) {
    %c0_i32 = arith.constant 0 : i32
    %c0_i32_0 = arith.constant 0 : i32
    return %arg0, %c0_i32 : i32, i32
  }
}

module attributes {stable_mosaic.version = 14 : i64} {
  func.func @body(%arg0: memref<2x2x10000xf32, #tpu.memory_space<vmem>>, %arg1: memref<2x10000xf32, #tpu.memory_space<vmem>>) attributes {dimension_semantics = [], scalar_prefetch = 0 : i64, scratch_operands = 0 : i64, tpu.core_type = #tpu.core_type<tc>} {
    %get3A = arith.constant 0 : index
    %get3A_0 = arith.constant 0 : index
    %get3A_1 = arith.constant 0 : index
    %get3A_2 = vector.load %arg0[%get3A, %get3A_0, %get3A_1] : memref<2x2x10000xf32, #tpu.memory_space<vmem>>, vector<1x2x10000xf32>
    %get3A_3 = vector.shape_cast %get3A_2 : vector<1x2x10000xf32> to vector<2x10000xf32>
    %get3A_4 = arith.constant 1 : index
    %get3A_5 = arith.constant 0 : index
    %get3A_6 = arith.constant 0 : index
    %get3A_7 = vector.load %arg0[%get3A_4, %get3A_5, %get3A_6] : memref<2x2x10000xf32, #tpu.memory_space<vmem>>, vector<1x2x10000xf32>
    %get3A_8 = vector.shape_cast %get3A_7 : vector<1x2x10000xf32> to vector<2x10000xf32>
    %add3A = arith.addf %get3A_3, %get3A_8 : vector<2x10000xf32>
    %gt3A = arith.constant 0.000000e+00 : f32
    %gt3A_9 = vector.broadcast %gt3A : f32 to vector<2x10000xf32>
    %gt3A_10 = arith.cmpf ogt, %add3A, %gt3A_9 : vector<2x10000xf32>
    %jit3A = arith.constant 1.000000e+00 : f32
    %broadcast_in_dim3A = vector.broadcast %jit3A : f32 to vector<2x10000xf32>
    %select_n3A = arith.select %gt3A_10, %add3A, %broadcast_in_dim3A : vector<2x10000xi1>, vector<2x10000xf32>
    %rsqrt3A = math.rsqrt %select_n3A : vector<2x10000xf32>
    %swap3A = arith.constant 0 : index
    %swap3A_11 = arith.constant 0 : index
    %swap3A_12 = vector.load %arg1[%swap3A, %swap3A_11] : memref<2x10000xf32, #tpu.memory_space<vmem>>, vector<2x10000xf32>
    tpu.vector_store %arg1[%swap3A, %swap3A_11], %rsqrt3A {strides = array<i32>} : memref<2x10000xf32, #tpu.memory_space<vmem>>, vector<2x10000xf32>,
    return
  }
}

module attributes {stable_mosaic.version = 14 : i64} {
  func.func @body(%arg0: i32, %arg1: memref<2x1000x128xf32, #tpu.memory_space<vmem>>, %arg2: memref<1000x1xf32, #tpu.memory_space<vmem>>, %arg3: memref<1x128xf32, #tpu.memory_space<vmem>>, %arg4: memref<1000x1xf32, #tpu.memory_space<vmem>>, %arg5: memref<128x128xf32, #tpu.memory_space<vmem>>, %arg6: memref<1000x128xf32, #tpu.memory_space<vmem>>) attributes {dimension_semantics = [#tpu.dimension_semantics<arbitrary>], iteration_bounds = array<i64: 10>, scalar_prefetch = 0 : i64, scratch_operands = 0 : i64, tpu.core_type = #tpu.core_type<tc>, window_params = [{transform_indices = @transform_0, window_bounds = array<i64: 2, 1000, 128>}, {transform_indices = @transform_1, window_bounds = array<i64: 1000, 1>}, {pipeline_mode = #tpu.pipeline_mode<synchronous>, transform_indices = @transform_2, window_bounds = array<i64: 1, 128>}, {transform_indices = @transform_3, window_bounds = array<i64: 1000, 1>}, {pipeline_mode = #tpu.pipeline_mode<synchronous>, transform_indices = @transform_4, window_bounds = array<i64: 128, 128>}, {transform_indices = @transform_5, window_bounds = array<i64: 1000, 128>}]} {
    %get3A = arith.constant 0 : index
    %get3A_0 = arith.constant 0 : index
    %get3A_1 = arith.constant 0 : index
    %get3A_2 = vector.load %arg1[%get3A, %get3A_0, %get3A_1] : memref<2x1000x128xf32, #tpu.memory_space<vmem>>, vector<1x1000x128xf32>
    %get3A_3 = vector.shape_cast %get3A_2 : vector<1x1000x128xf32> to vector<1000x128xf32>
    %get3A_4 = arith.constant 1 : index
    %get3A_5 = arith.constant 0 : index
    %get3A_6 = arith.constant 0 : index
    %get3A_7 = vector.load %arg1[%get3A_4, %get3A_5, %get3A_6] : memref<2x1000x128xf32, #tpu.memory_space<vmem>>, vector<1x1000x128xf32>
    %get3A_8 = vector.shape_cast %get3A_7 : vector<1x1000x128xf32> to vector<1000x128xf32>
    %add3A = arith.addf %get3A_3, %get3A_8 : vector<1000x128xf32>
    %get3A_9 = arith.constant 0 : index
    %get3A_10 = arith.constant 0 : index
    %get3A_11 = vector.load %arg2[%get3A_9, %get3A_10] : memref<1000x1xf32, #tpu.memory_space<vmem>>, vector<1000x1xf32>
    %mul3A = vector.broadcast %get3A_11 : vector<1000x1xf32> to vector<1000x128xf32>
    %mul3A_12 = arith.mulf %add3A, %mul3A : vector<1000x128xf32>
    %get3A_13 = arith.constant 0 : index
    %get3A_14 = arith.constant 0 : index
    %get3A_15 = vector.load %arg3[%get3A_13, %get3A_14] : memref<1x128xf32, #tpu.memory_space<vmem>>, vector<1x128xf32>
    %add3A_16 = vector.broadcast %get3A_15 : vector<1x128xf32> to vector<1000x128xf32>
    %add3A_17 = arith.addf %mul3A_12, %add3A_16 : vector<1000x128xf32>
    %max3A = arith.constant 0.000000e+00 : f32
    %max3A_18 = vector.broadcast %max3A : f32 to vector<1000x128xf32>
    %max3A_19 = arith.maximumf %add3A_17, %max3A_18 : vector<1000x128xf32>
    %get3A_20 = arith.constant 0 : index
    %get3A_21 = arith.constant 0 : index
    %get3A_22 = vector.load %arg4[%get3A_20, %get3A_21] : memref<1000x1xf32, #tpu.memory_space<vmem>>, vector<1000x1xf32>
    %mul3A_23 = vector.broadcast %get3A_22 : vector<1000x1xf32> to vector<1000x128xf32>
    %mul3A_24 = arith.mulf %max3A_19, %mul3A_23 : vector<1000x128xf32>
    %get3A_25 = arith.constant 0 : index
    %get3A_26 = arith.constant 0 : index
    %get3A_27 = vector.load %arg5[%get3A_25, %get3A_26] : memref<128x128xf32, #tpu.memory_space<vmem>>, vector<128x128xf32>
    %dot_general3A = arith.constant dense<0.000000e+00> : vector<1000x128xf32>
    %dot_general3A_28 = tpu.matmul %mul3A_24, %get3A_27, %dot_general3A {dimension_numbers = #tpu.dot_dimension_numbers<[1], [0], [0], [1], [0, 0, 1, 1], [], []>, transpose_lhs_hint = false} : vector<1000x128xf32>, vector<128x128xf32>, vector<1000x128xf32> -> vector<1000x128xf32>
    %swap3A = arith.constant 0 : index
    %swap3A_29 = arith.constant 0 : index
    %swap3A_30 = vector.load %arg6[%swap3A, %swap3A_29] : memref<1000x128xf32, #tpu.memory_space<vmem>>, vector<1000x128xf32>
    tpu.vector_store %arg6[%swap3A, %swap3A_29], %dot_general3A_28 {strides = array<i32>} : memref<1000x128xf32, #tpu.memory_space<vmem>>, vector<1000x128xf32>,
    return
  }
  func.func @transform_0(%arg0: i32) -> (i32, i32, i32) {
    %c0_i32 = arith.constant 0 : i32
    %c0_i32_0 = arith.constant 0 : i32
    %c0_i32_1 = arith.constant 0 : i32
    return %c0_i32, %arg0, %c0_i32_0 : i32, i32, i32
  }
  func.func @transform_1(%arg0: i32) -> (i32, i32) {
    %c0_i32 = arith.constant 0 : i32
    %c0_i32_0 = arith.constant 0 : i32
    return %arg0, %c0_i32 : i32, i32
  }
  func.func @transform_2(%arg0: i32) -> (i32, i32) {
    %c0_i32 = arith.constant 0 : i32
    %c0_i32_0 = arith.constant 0 : i32
    %c0_i32_1 = arith.constant 0 : i32
    return %c0_i32, %c0_i32_0 : i32, i32
  }
  func.func @transform_3(%arg0: i32) -> (i32, i32) {
    %c0_i32 = arith.constant 0 : i32
    %c0_i32_0 = arith.constant 0 : i32
    return %arg0, %c0_i32 : i32, i32
  }
  func.func @transform_4(%arg0: i32) -> (i32, i32) {
    %c0_i32 = arith.constant 0 : i32
    %c0_i32_0 = arith.constant 0 : i32
    %c0_i32_1 = arith.constant 0 : i32
    return %c0_i32, %c0_i32_0 : i32, i32
  }
  func.func @transform_5(%arg0: i32) -> (i32, i32) {
    %c0_i32 = arith.constant 0 : i32
    %c0_i32_0 = arith.constant 0 : i32
    return %arg0, %c0_i32 : i32, i32
  }
}

module attributes {stable_mosaic.version = 14 : i64} {
  func.func @body(%arg0: i32, %arg1: memref<2x1000x128xf32, #tpu.memory_space<vmem>>, %arg2: memref<1000x1xf32, #tpu.memory_space<vmem>>, %arg3: memref<1x128xf32, #tpu.memory_space<vmem>>, %arg4: memref<1000x128xf32, #tpu.memory_space<vmem>>) attributes {dimension_semantics = [#tpu.dimension_semantics<arbitrary>], iteration_bounds = array<i64: 10>, scalar_prefetch = 0 : i64, scratch_operands = 0 : i64, tpu.core_type = #tpu.core_type<tc>, window_params = [{transform_indices = @transform_0, window_bounds = array<i64: 2, 1000, 128>}, {transform_indices = @transform_1, window_bounds = array<i64: 1000, 1>}, {pipeline_mode = #tpu.pipeline_mode<synchronous>, transform_indices = @transform_2, window_bounds = array<i64: 1, 128>}, {transform_indices = @transform_3, window_bounds = array<i64: 1000, 128>}]} {
    %get3A = arith.constant 0 : index
    %get3A_0 = arith.constant 0 : index
    %get3A_1 = arith.constant 0 : index
    %get3A_2 = vector.load %arg1[%get3A, %get3A_0, %get3A_1] : memref<2x1000x128xf32, #tpu.memory_space<vmem>>, vector<1x1000x128xf32>
    %get3A_3 = vector.shape_cast %get3A_2 : vector<1x1000x128xf32> to vector<1000x128xf32>
    %get3A_4 = arith.constant 1 : index
    %get3A_5 = arith.constant 0 : index
    %get3A_6 = arith.constant 0 : index
    %get3A_7 = vector.load %arg1[%get3A_4, %get3A_5, %get3A_6] : memref<2x1000x128xf32, #tpu.memory_space<vmem>>, vector<1x1000x128xf32>
    %get3A_8 = vector.shape_cast %get3A_7 : vector<1x1000x128xf32> to vector<1000x128xf32>
    %add3A = arith.addf %get3A_3, %get3A_8 : vector<1000x128xf32>
    %get3A_9 = arith.constant 0 : index
    %get3A_10 = arith.constant 0 : index
    %get3A_11 = vector.load %arg2[%get3A_9, %get3A_10] : memref<1000x1xf32, #tpu.memory_space<vmem>>, vector<1000x1xf32>
    %mul3A = vector.broadcast %get3A_11 : vector<1000x1xf32> to vector<1000x128xf32>
    %mul3A_12 = arith.mulf %add3A, %mul3A : vector<1000x128xf32>
    %get3A_13 = arith.constant 0 : index
    %get3A_14 = arith.constant 0 : index
    %get3A_15 = vector.load %arg3[%get3A_13, %get3A_14] : memref<1x128xf32, #tpu.memory_space<vmem>>, vector<1x128xf32>
    %add3A_16 = vector.broadcast %get3A_15 : vector<1x128xf32> to vector<1000x128xf32>
    %add3A_17 = arith.addf %mul3A_12, %add3A_16 : vector<1000x128xf32>
    %swap3A = arith.constant 0 : index
    %swap3A_18 = arith.constant 0 : index
    %swap3A_19 = vector.load %arg4[%swap3A, %swap3A_18] : memref<1000x128xf32, #tpu.memory_space<vmem>>, vector<1000x128xf32>
    tpu.vector_store %arg4[%swap3A, %swap3A_18], %add3A_17 {strides = array<i32>} : memref<1000x128xf32, #tpu.memory_space<vmem>>, vector<1000x128xf32>,
    return
  }
  func.func @transform_0(%arg0: i32) -> (i32, i32, i32) {
    %c0_i32 = arith.constant 0 : i32
    %c0_i32_0 = arith.constant 0 : i32
    %c0_i32_1 = arith.constant 0 : i32
    return %c0_i32, %arg0, %c0_i32_0 : i32, i32, i32
  }
  func.func @transform_1(%arg0: i32) -> (i32, i32) {
    %c0_i32 = arith.constant 0 : i32
    %c0_i32_0 = arith.constant 0 : i32
    return %arg0, %c0_i32 : i32, i32
  }
  func.func @transform_2(%arg0: i32) -> (i32, i32) {
    %c0_i32 = arith.constant 0 : i32
    %c0_i32_0 = arith.constant 0 : i32
    %c0_i32_1 = arith.constant 0 : i32
    return %c0_i32, %c0_i32_0 : i32, i32
  }
  func.func @transform_3(%arg0: i32) -> (i32, i32) {
    %c0_i32 = arith.constant 0 : i32
    %c0_i32_0 = arith.constant 0 : i32
    return %arg0, %c0_i32 : i32, i32
  }
}

</mosaic_0001>

<sc_bundles>
// kernel: kernel.11.cloned.1.call-start
scs
__scs_entry_jumppad:
0x0: {  	(pc) =	sbr.rel $0x88, $3  }
0x1: {  	(tag) =	ssettag $0x0;
	lr =	simm.s32 $0x1  }
0x2: {  	[smem:$0x3F99] =	sst lr;
	_ =	strace $0xD0000000  }
0x3: {  	_ = 	snop  }
0x4: {  	_ = 	snop  }
0x5: {  	_ = 	snop  }
0x6: {  	_ = 	snop  }
0x7: {  	_ = 	snop  }
__scs_overlays_trampoline_lowered:
0x8: {  	[smem:$0x3FA8] =	sst s0  }
0x9: {  	[smem:$0x3FA9] =	sst s1  }
0xa: {  	[smem:$0x3FAA] =	sst s2  }
0xb: {  	[smem:$0x3FAB] =	sst s3  }
0xc: {  	[smem:$0x3FAC] =	sst s4  }
0xd: {  	[smem:$0x3FAD] =	sst s5  }
0xe: {  	[smem:$0x3FAE] =	sst s6  }
0xf: {  	[smem:$0x3FAF] =	sst s7  }
0x10: {  	[smem:$0x3FB0] =	sst s8  }
0x11: {  	[smem:$0x3FB1] =	sst s9;
	s0 =	simm.s32 @!p0 $0x0  }
0x12: {  	s1 =	sld [smem:$0x3F97];
	s0 =	simm.s32 @p0 $0x1  }
0x13: {  	[smem:$0x3FB2] =	sst s0;
	s0 =	simm.s32 @!p1 $0x0  }
0x14: {  	s2 =	sld [smem:$0x3F96];
	s0 =	simm.s32 @p1 $0x1  }
0x15: {  	[smem:$0x3FB3] =	sst s0;
	s0 =	simm.s32 @!p2 $0x0  }
0x16: {  	s3 =	sld [smem:$0x3FDB];
	s0 =	simm.s32 @p2 $0x1  }
0x17: {  	s4 =	simm.s32 $0x1BF5;
	[smem:$0x3FB5] =	sst s0  }
0x18: {  	s0 =	sld [smem:$0x3F98];
	_ =	swait.ge [sflag:s4], $0x0  }
0x19: {  	s7 =	sld [smem:$0x3F99]  }
0x1a: {  	s8 =	sadd.s32 $0xFFFFE003, lr  }
0x1b: {  	s9 =	sadd.s32 $0xFFFFFEF7, lr;
	s5 =	simm.s32 $0xFFFFFFFF;
	p2 =	slt.u32 s8, $0xFFFFF086  }
0x1c: {  	p1 =	slt.u32 s9, $0xF7A;
	s5 =	simm.s32 @!p2 $0x0  }
0x1d: {  	s5 =	simm.s32 @p1 $0x1;
	p0 =	seq.s32 s7, s2  }
0x1e: {  	s7 =	smul.u32 @!p0 $0xF7A, s2;
	p2 =	seq.s32 @!p0 s5, $0x0  }
0x1f: {  	s9 =	smul.u32 $0xF7A, s1;
	s8 =	simm.s32 @!p0 $0x1BF5;
	p2 =	por !p2, p0  }
0x20: {  	[sflag:s8] =	ssyncset.s32 @!p0 $0xFFFFF086;
	s6 =	sadd.s32 @!p0 s3, s7;
	s7 =	simm.s32 @!p0 $0x108  }
0x21: {  	s3 =	sadd.s32 s3, s9;
	s6 =	sadd.s32 @!p0 $0x88, s6;
	s7 =	simm.s32 @p2 $0x1082  }
0x22: {  	[simem:s7], [sflag:s8] =	dma.local @!p0 [hbm:s6], $0xF7A  }
0x23: {  	s9 =	sor.u32 $0xD0000000, s2;
	s6 =	simm.s32 $0x108;
	_ =	swait.ge @!p0 [sflag:s8], $0x0  }
0x24: {  	s3 =	sadd.s32 $0x88, s3;
	s6 =	simm.s32 @!p1 $0x1082;
	[sflag:s4] =	ssyncset.s32 $0xFFFFF086  }
0x25: {  	[simem:s6], [sflag:s4] =	dma.local [hbm:s3], $0xF7A  }
0x26: {  	[smem:$0x3F99] =	sst s1;
	(tag) =	ssettag s2;
	_ =	strace s9  }
0x27: {  	s1 =	sld [smem:$0x3FA9]  }
0x28: {  	s2 =	sld [smem:$0x3FAA]  }
0x29: {  	s4 =	sld [smem:$0x3FAC]  }
0x2a: {  	p0 =	seq.s32 s5, $0x0;
	s5 =	sld [smem:$0x3FAD]  }
0x2b: {  	s6 =	sld [smem:$0x3FAE]  }
0x2c: {  	s7 =	sld [smem:$0x3FAF]  }
0x2d: {  	s3 =	simm.s32 $0x108;
	s8 =	sld [smem:$0x3FB0]  }
0x2e: {  	s3 =	simm.s32 @!p0 $0x1082;
	s9 =	sld [smem:$0x3FB1]  }
0x2f: {  	lr =	sadd.s32 s0, s3;
	s0 =	sld [smem:$0x3FA8]  }
0x30: {  	s3 =	sld [smem:$0x3FAB]  }
0x31: {  	[smem:$0x3FB4] =	sst s10  }
0x32: {  	s10 =	sld [smem:$0x3FB2];
	_ =	sdelay $0x3  }
0x33: {  	p0 =	seq.s32 s10, $0x1;
	s10 =	sld [smem:$0x3FB4];
	_ =	sdelay $0x3  }
0x34: {  	[smem:$0x3FB4] =	sst s10  }
0x35: {  	s10 =	sld [smem:$0x3FB3];
	_ =	sdelay $0x3  }
0x36: {  	p1 =	seq.s32 s10, $0x1;
	s10 =	sld [smem:$0x3FB4];
	_ =	sdelay $0x3  }
0x37: {  	[smem:$0x3FB4] =	sst s10  }
0x38: {  	s10 =	sld [smem:$0x3FB5]  }
0x39: {  	_ = 	snop;
	(pc) =	sbr.ind lr, $3  }
0x3a: {  	_ = 	snop  }
0x3b: {  	_ = 	snop  }
0x3c: {  	p2 =	seq.s32 s10, $0x1;
	s10 =	sld [smem:$0x3FB4]  }
0x3d: {  	_ =	shalt  }
0x3e: {  	_ =	shalt  }
0x3f: {  	_ =	shalt  }
0x40: {  	_ =	shalt  }
0x41: {  	_ =	shalt  }
0x42: {  	_ =	shalt  }
0x43: {  	_ =	shalt  }
0x44: {  	_ =	shalt  }
0x45: {  	_ =	shalt  }
0x46: {  	_ =	shalt  }
0x47: {  	_ =	shalt  }
0x48: {  	_ =	shalt  }
0x49: {  	_ =	shalt  }
0x4a: {  	_ =	shalt  }
0x4b: {  	_ =	shalt  }
0x4c: {  	_ =	shalt  }
0x4d: {  	_ =	shalt  }
0x4e: {  	_ =	shalt  }
0x4f: {  	_ =	shalt  }
0x50: {  	_ =	shalt  }
0x51: {  	_ =	shalt  }
0x52: {  	_ =	shalt  }
0x53: {  	_ =	shalt  }
0x54: {  	_ =	shalt  }
0x55: {  	_ =	shalt  }
0x56: {  	_ =	shalt  }
0x57: {  	_ =	shalt  }
0x58: {  	_ =	shalt  }
0x59: {  	_ =	shalt  }
0x5a: {  	_ =	shalt  }
0x5b: {  	_ =	shalt  }
0x5c: {  	_ =	shalt  }
0x5d: {  	_ =	shalt  }
0x5e: {  	_ =	shalt  }
0x5f: {  	_ =	shalt  }
0x60: {  	_ =	shalt  }
0x61: {  	_ =	shalt  }
0x62: {  	_ =	shalt  }
0x63: {  	_ =	shalt  }
0x64: {  	_ =	shalt  }
0x65: {  	_ =	shalt  }
0x66: {  	_ =	shalt  }
0x67: {  	_ =	shalt  }
0x68: {  	_ =	shalt  }
0x69: {  	_ =	shalt  }
0x6a: {  	_ =	shalt  }
0x6b: {  	_ =	shalt  }
0x6c: {  	_ =	shalt  }
0x6d: {  	_ =	shalt  }
0x6e: {  	_ =	shalt  }
0x6f: {  	_ =	shalt  }
0x70: {  	_ =	shalt  }
0x71: {  	_ =	shalt  }
0x72: {  	_ =	shalt  }
0x73: {  	_ =	shalt  }
0x74: {  	_ =	shalt  }
0x75: {  	_ =	shalt  }
0x76: {  	_ =	shalt  }
0x77: {  	_ =	shalt  }
0x78: {  	_ =	shalt  }
0x79: {  	_ =	shalt  }
0x7a: {  	_ =	shalt  }
0x7b: {  	_ =	shalt  }
0x7c: {  	_ =	shalt  }
0x7d: {  	_ =	shalt  }
0x7e: {  	_ =	shalt  }
0x7f: {  	_ =	shalt  }
0x80: {  	_ =	shalt  }
0x81: {  	_ =	shalt  }
0x82: {  	_ =	shalt  }
0x83: {  	_ =	shalt  }
0x84: {  	_ =	shalt  }
0x85: {  	_ =	shalt  }
0x86: {  	_ =	shalt  }
0x87: {  	_ =	shalt  }
.Lfunc_end0:
.L_simem_size_0:
called_computation_lowered:
.L_overlay_start_0:
0x88: {  	s2 =	sld [smem:$0x3FD9]  }
0x89: {  	s3 =	sld [smem:$0x3FFE];
	_ =	sdelay $0x1  }
0x8a: {  	s1 =	srdreg.scid  }
0x8b: {  	s0 =	sand.u32 $0x1, s1  }
0x8c: {  	s17 =	sshll.u32 s0, $0xA;
	s2 =	sadd.s32 s3, s2  }
0x8d: {  	s2 =	sadd.s32 s2, s17  }
0x8e: {  	[smem:$0x3FC0] =	sst s2  }
0x8f: {  	_ = 	snop  }
0x90: {  	s2 =	sld [smem:$0x3FD0];
	(tm) =	ssettm $0x1  }
0x91: {  	s18 =	sld [smem:$0x3FFB];
	_ =	sdelay $0x3  }
0x92: {  	_ =	strace s18  }
0x93: {  	s3 =	sld [smem:$0x3FFC];
	_ =	sdelay $0x3  }
0x94: {  	_ =	strace s3  }
0x95: {  	s3 =	sld [smem:$0x3FFD];
	_ =	sdelay $0x3  }
0x96: {  	_ =	strace s3  }
0x97: {  	_ =	strace $0x8FFFFFFF  }
0x98: {  	s19 =	sld [smem:$0x3FDB];
	_ =	sdelay $0x1  }
0x99: {  	s4 =	simm.s32 $_scs_section_size  }
0x9a: {  	s5 =	simm.s32 $_size__tile_overlayer_lowered;
	s6 =	simm.s32 $_tile_overlayer_lowered  }
0x9b: {  	s22 =	simm.s32 $0x1BFF;
	s21 =	sshll.u32 s6, $0x1;
	s3 =	sadd.s32 s4, s19  }
0x9c: {  	s7 =	simm.s32 $0x0;
	s20 =	sshll.u32 s5, $0x1;
	s5 =	sadd.s32 s21, s3  }
0x9d: {  	[timem:s7], [sflag:s22] =	dma.local [hbm:s5], s20  }
0x9e: {  	_ =	swait.ge [sflag:s22], s20  }
0x9f: {  	s4 =	ssub.s32 $0x0, s20;
	[sflag:s22] =	ssyncset.done $0x0  }
0xa0: {  	[sflag:s22] =	ssyncadd.s32 s4;
	_ =	sdelay $0x1  }
0xa1: {  	s23 =	simm.s32 $0x1B8B  }
0xa2: {  	_ =	swait.ge [sflag:s23], $0x1  }
0xa3: {  	[sflag:s23] =	ssyncset.done $0x0  }
0xa4: {  	s25 =	simm.s32 $0x1B8E;
	s24 =	sld [smem:$0x3FFE];
	[sflag:s23] =	ssyncadd.s32 $0xFFFFFFFF  }
0xa5: {  	s26 =	simm.s32 $execute0_lowered;
	[smem:$0x3FD2] =	sst s25  }
0xa6: {  	s5 =	sshll.u32 s26, $0x1;
	_ =	strace $0x80000046;
	[dreg:$0x1] =	wrdreg $0xFFFFFFFF  }
0xa7: {  	s28 =	simm.s32 $_size_execute0_lowered;
	s3 =	sadd.s32 s3, s5;
	[dreg:$0x0] =	wrdreg $0x0  }
0xa8: {  	s5 =	sshll.u32 s28, $0x1;
	[dreg:$0x2] =	wrdreg s3  }
0xa9: {  	[dreg:$0x3] =	wrdreg s5  }
0xaa: {  	[dreg:$0x4] =	wrdreg $0xC0  }
0xab: {  	_ =	task [dreg:s7], $0x5FFFF  }
0xac: {  	[dreg:$0x1] =	wrdreg $0xFFFFFFFF  }
0xad: {  	[dreg:$0x0] =	wrdreg $0x60  }
0xae: {  	[dreg:$0x2] =	wrdreg s24  }
0xaf: {  	[dreg:$0x3] =	wrdreg s2  }
0xb0: {  	[dreg:$0x4] =	wrdreg $0x1800  }
0xb1: {  	[dreg:$0x5] =	wrdreg $0x3F80  }
0xb2: {  	[dreg:$0x6] =	wrdreg $0x9  }
0xb3: {  	_ =	task.clear_ibuf [dreg:s7], $0x7FFFF;
	_ =	strace $0x90000046  }
0xb4: {  	s29 =	simm.s32 $0x9;
	_ =	strace $0x80000048  }
0xb5: {  	_ =	swait.ge [sflag:s29], $0x1  }
0xb6: {  	[sflag:s29] =	ssyncadd.s32 $0xFFFFFFFF  }
0xb7: {  	_ =	strace $0x90000048  }
0xb8: {  	_ =	sfence  }
0xb9: {  	s30 =	sld [smem:$0x0];
	_ =	sdelay $0x2  }
0xba: {  	s31 =	sshll.u32 s1, $0xD;
	s1 =	sshrl.u32 s1, $0x2  }
0xbb: {  	s3 =	sand.u32 $0x4000, s31;
	s1 =	sadd.s32 s1, s30  }
0xbc: {  	s0 =	sor.u32 s3, s0;
	s1 =	sshll.u32 s1, $0x11  }
0xbd: {  	s0 =	sor.u32 s1, s0  }
0xbe: {  	s0 =	sadd.s32 $0x8F2B, s0  }
0xbf: {  	[sflag:s0] =	ssyncadd.remote.s32 $0x1  }
0xc0: {  	_ =	sfence.sel $0xFFFF  }
0xc1: {  	[dreg:$0x0] =	wrdreg $0xFFFFFFFF;
	(pc) =	sbr.abs _section_cstart, $3  }
0xc2: {  	[dreg:$0x1] =	wrdreg $0xFFFFFFFF  }
0xc3: {  	_ =	task.clear_ibuf [dreg:s7], $0x2FFFF;
	_ =	strace $0x9FFFFFFF  }
0xc4: {  	(tm) =	ssettm $0x7FFFFFFF  }
0xc5: {  	_ =	shalt  }
tec
execute0_lowered:
.L_overlay_start_1:
0x0: {  	(tag) =	ssettag $0x1  }
0x1: {  	s5 =	rddreg [dreg:$0x0]  }
0x2: {  	s10 =	rddreg [dreg:$0x1]  }
0x3: {  	s1 =	rddreg [dreg:$0x2]  }
0x4: {  	s2 =	rddreg [dreg:$0x3]  }
0x5: {  	s3 =	srdreg.scid;
	s0 =	rddreg [dreg:$0x4]  }
0x6: {  	s11 =	stileid.u32;
	s16 =	simm.s32 $0x100;
	s17 =	simm.s32 $0x10  }
0x7: {  	s18 =	simm.s32 $0x0;
	s6 =	sand.u32 $0x1, s3;
	s3 =	simm.s32 $0x0  }
0x8: {  	s12 =	sadd.s32 $0x2200, s5;
	s14 =	smul.u32 $0x2710, s11;
	p0 =	sne.s32 s11, $0x0  }
0x9: {  	s4 =	sshll.u32 s6, $0x4;
	[smem:$0x7FF] =	sst s3;
	s7 =	smul.u32 $0x9E0, s6  }
0xa: {  	s29 =	ssub.s32 $0x2, s6;
	s13 =	smul.u32 $0x27100, s6;
	s4 =	sor.u32 s11, s4  }
0xb: {  	_ =	strace $0x80000047;
	s31 =	sshrl.u32 s29, $0x1;
	s8 =	smul.u32 $0x2710, s4  }
0xc: {  	s4 =	sadd.s32 $0xC000, s5;
	s9 =	sadd.s32 s7, s5;
	s15 =	ssub.s32 s29, s31  }
0xd: {  	s13 =	sadd.s32 s14, s13;
	s14 =	simm.s32 $0x1;
	s30 =	sshrl.u32 s8, $0x3  }
0xe: {  	s13 =	sshrl.u32 s13, $0x3;
	s8 =	sadd.s32 $0xC610, s9;
	s7 =	sadd.s32 $0x4E0, s30  }
0xf: {  	s11 =	sadd.s32 s13, s12;
	s5 =	sadd.s32 s12, s7;
	s6 =	sadd.s32 s10, s7  }
0x10: {  	s7 =	sadd.s32 $0xC600, s9;
	s9 =	smax.u32 s15, $0x1;
	s10 =	sadd.s32 s13, s10  }
0x11: {  	v0 =	vimm.f32 $1.000000000e+00;
	s12 =	sshrl.u32 @!p0 s1, $0x3;
	s13 =	sshrl.u32 @!p0 s2, $0x3;
	s15 =	simm.s32 $0x80  }
.LBB2_1:
0x12: {  	[tilespmem:$0x100] =	vst v0  }
0x13: {  	[tilespmem:$0x110] =	vst v0  }
0x14: {  	[tilespmem:$0x120] =	vst v0  }
0x15: {  	[tilespmem:$0x130] =	vst v0  }
0x16: {  	[tilespmem:$0x140] =	vst v0  }
0x17: {  	[tilespmem:$0x150] =	vst v0  }
0x18: {  	[tilespmem:$0x160] =	vst v0  }
0x19: {  	[tilespmem:$0x170] =	vst v0;
	s19 =	simm.s32 @!p0 $0x1C01;
	s20 =	simm.s32 @!p0 $0x1  }
0x1a: {  	[spmem:s12], [sflag:s19] =	dma.local @!p0 [hbm:s4], $0x4F0  }
0x1b: {  	_ =	swait.ge @!p0 [sflag:s20], $0x4F0  }
0x1c: {  	[sflag:s20] =	ssyncset.done @!p0 $0x0  }
0x1d: {  	[sflag:s20] =	ssyncadd.s32 @!p0 $0xFFFFFB10  }
0x1e: {  	[spmem:s13], [sflag:s19] =	dma.local @!p0 [hbm:s4], $0x4F0  }
0x1f: {  	_ =	swait.ge @!p0 [sflag:s20], $0x4F0  }
0x20: {  	[sflag:s20] =	ssyncset.done @!p0 $0x0  }
0x21: {  	[sflag:s20] =	ssyncadd.s32 @!p0 $0xFFFFFB10  }
0x22: {  	s30 =	sadd.s32 $0x0, s11;
	[bflag:$0x0] =	sbarrier.arrive $0xFFFF  }
0x23: {  	[tilespmem:s3], [sflag:$0x1] =	stream.linear.gather [hbm4b:s30+s3], $0x80, $0x38;
	[tilespmem:$0x670] =	vst v63  }
0x24: {  	_ =	swait.ge [sflag:s14], $0x80  }
0x25: {  	[sflag:s14] =	ssyncset.done $0x0  }
0x26: {  	[sflag:s14] =	ssyncadd.s32 $0xFFFFFF80  }
0x27: {  	[spmem:s1] =	stream.indirect.scatter.add.f32 [tilespmem:s16], [sflag:$0x1], $0x1, s3, s15, $0xb8;
	[tilespmem:$0x670] =	vst v63  }
0x28: {  	_ =	swait.ge [sflag:s14], $0x80  }
0x29: {  	[sflag:s14] =	ssyncset.done $0x0  }
0x2a: {  	s31 =	sadd.s32 $0x0, s10;
	[sflag:s14] =	ssyncadd.s32 $0xFFFFFF80  }
0x2b: {  	[tilespmem:s3], [sflag:$0x1] =	stream.linear.gather [hbm4b:s31+s3], $0x80, $0x38;
	[tilespmem:$0x670] =	vst v63  }
0x2c: {  	_ =	swait.ge [sflag:s14], $0x80  }
0x2d: {  	[sflag:s14] =	ssyncset.done $0x0  }
0x2e: {  	[sflag:s14] =	ssyncadd.s32 $0xFFFFFF80  }
0x2f: {  	[spmem:s2] =	stream.indirect.scatter.add.f32 [tilespmem:s16], [sflag:$0x1], $0x1, s3, s15, $0xb8;
	[tilespmem:$0x670] =	vst v63  }
0x30: {  	_ =	swait.ge [sflag:s14], $0x80  }
0x31: {  	s19 =	simm.s32 $0x10;
	s20 =	simm.s32 $0x20;
	[sflag:s14] =	ssyncset.done $0x0  }
.LBB2_2:
0x32: {  	s21 =	sadd.s32 s19, s11  }
0x33: {  	[sflag:s14] =	ssyncadd.s32 $0xFFFFFF80;
	s22 =	smov.u32 s20;
	s23 =	sadd.s32 $0x10, s20  }
0x34: {  	[tilespmem:s3], [sflag:$0x1] =	stream.linear.gather [hbm4b:s21+s3], $0x80, $0x38;
	[tilespmem:$0x670] =	vst v63  }
0x35: {  	p1 =	sne.s32 s20, $0x4D0;
	_ =	swait.ge [sflag:s14], $0x80  }
0x36: {  	[sflag:s14] =	ssyncset.done $0x0  }
0x37: {  	[sflag:s14] =	ssyncadd.s32 $0xFFFFFF80  }
0x38: {  	[spmem:s1] =	stream.indirect.scatter.add.f32 [tilespmem:s16], [sflag:$0x1], $0x1, s3, s15, $0xb8;
	[tilespmem:$0x670] =	vst v63  }
0x39: {  	_ =	swait.ge [sflag:s14], $0x80  }
0x3a: {  	[sflag:s14] =	ssyncset.done $0x0  }
0x3b: {  	s20 =	sadd.s32 s19, s10;
	s19 =	smov.u32 s22;
	[sflag:s14] =	ssyncadd.s32 $0xFFFFFF80  }
0x3c: {  	[tilespmem:s3], [sflag:$0x1] =	stream.linear.gather [hbm4b:s20+s3], $0x80, $0x38;
	[tilespmem:$0x670] =	vst v63  }
0x3d: {  	_ =	swait.ge [sflag:s14], $0x80  }
.Ltmp0:
0x3e: {  	[sflag:s14] =	ssyncset.done $0x0;
	(pc) =	sbr.rel @p1 .LBB2_2-.Ltmp0, $4  }
0x3f: {  	[sflag:s14] =	ssyncadd.s32 $0xFFFFFF80  }
0x40: {  	[spmem:s2] =	stream.indirect.scatter.add.f32 [tilespmem:s16], [sflag:$0x1], $0x1, s3, s15, $0xb8;
	[tilespmem:$0x670] =	vst v63  }
0x41: {  	_ =	swait.ge [sflag:s14], $0x80  }
0x42: {  	s20 =	smov.u32 s23;
	[sflag:s14] =	ssyncset.done $0x0  }
0x43: {  	s20 =	sadd.s32 s19, s11;
	[sflag:s14] =	ssyncadd.s32 $0xFFFFFF80  }
0x44: {  	[tilespmem:s3], [sflag:$0x1] =	stream.linear.gather [hbm4b:s20+s3], $0x80, $0x38;
	[tilespmem:$0x670] =	vst v63  }
0x45: {  	_ =	swait.ge [sflag:s14], $0x80  }
0x46: {  	[sflag:s14] =	ssyncset.done $0x0  }
0x47: {  	[sflag:s14] =	ssyncadd.s32 $0xFFFFFF80  }
0x48: {  	[spmem:s1] =	stream.indirect.scatter.add.f32 [tilespmem:s16], [sflag:$0x1], $0x1, s3, s15, $0xb8;
	[tilespmem:$0x670] =	vst v63  }
0x49: {  	_ =	swait.ge [sflag:s14], $0x80  }
0x4a: {  	[sflag:s14] =	ssyncset.done $0x0  }
0x4b: {  	s31 =	sadd.s32 s19, s10;
	[sflag:s14] =	ssyncadd.s32 $0xFFFFFF80  }
0x4c: {  	[tilespmem:s3], [sflag:$0x1] =	stream.linear.gather [hbm4b:s31+s3], $0x80, $0x38;
	[tilespmem:$0x670] =	vst v63  }
0x4d: {  	_ =	swait.ge [sflag:s14], $0x80  }
0x4e: {  	[sflag:s14] =	ssyncset.done $0x0  }
0x4f: {  	[sflag:s14] =	ssyncadd.s32 $0xFFFFFF80  }
0x50: {  	[spmem:s2] =	stream.indirect.scatter.add.f32 [tilespmem:s16], [sflag:$0x1], $0x1, s3, s15, $0xb8;
	[tilespmem:$0x670] =	vst v63  }
0x51: {  	_ =	swait.ge [sflag:s14], $0x80  }
0x52: {  	[sflag:s14] =	ssyncset.done $0x0  }
0x53: {  	[sflag:s14] =	ssyncadd.s32 $0xFFFFFF80  }
0x54: {  	[tilespmem:s15], [sflag:$0x1] =	stream.linear.gather [hbm4b:s5+s3], $0x10, $0x38;
	[tilespmem:$0x670] =	vst v63  }
0x55: {  	_ =	swait.ge [sflag:s14], $0x10  }
0x56: {  	[sflag:s14] =	ssyncset.done $0x0  }
0x57: {  	[sflag:s14] =	ssyncadd.s32 $0xFFFFFFF0  }
0x58: {  	[spmem:s1] =	stream.indirect.scatter.add.f32 [tilespmem:s16], [sflag:$0x1], $0x1, s15, s17, $0xb8;
	[tilespmem:$0x670] =	vst v63  }
0x59: {  	_ =	swait.ge [sflag:s14], $0x10  }
0x5a: {  	[sflag:s14] =	ssyncset.done $0x0  }
0x5b: {  	[sflag:s14] =	ssyncadd.s32 $0xFFFFFFF0  }
0x5c: {  	[tilespmem:s15], [sflag:$0x1] =	stream.linear.gather [hbm4b:s6+s3], $0x10, $0x38;
	[tilespmem:$0x670] =	vst v63  }
0x5d: {  	_ =	swait.ge [sflag:s14], $0x10  }
0x5e: {  	[sflag:s14] =	ssyncset.done $0x0  }
0x5f: {  	[sflag:s14] =	ssyncadd.s32 $0xFFFFFFF0  }
0x60: {  	[spmem:s2] =	stream.indirect.scatter.add.f32 [tilespmem:s16], [sflag:$0x1], $0x1, s15, s17, $0xb8;
	[tilespmem:$0x670] =	vst v63  }
0x61: {  	_ =	swait.ge [sflag:s14], $0x10  }
0x62: {  	[sflag:s14] =	ssyncset.done $0x0  }
0x63: {  	s19 =	simm.s32 @!p0 $0x1;
	s21 =	simm.s32 @!p0 $0x10;
	[sflag:s14] =	ssyncadd.s32 $0xFFFFFFF0  }
0x64: {  	s22 =	simm.s32 @!p0 $0x1C01;
	s20 =	simm.s32 @!p0 $0x20;
	[bflag:$0x0] =	sbarrier.arrive $0xFFFF  }
0x65: {  	[hbm:s7@s20], [sflag:s22] =	dma.strided @!p0 [spmem:s12@s21], $0x4F0, s19, $0x10   }
0x66: {  	s18 =	sadd.s32 $0x1, s18;
	_ =	swait.ge @!p0 [sflag:s19], $0x4F0  }
0x67: {  	p1 =	sne.s32 s18, s9;
	[sflag:s19] =	ssyncset.done @!p0 $0x0  }
.Ltmp1:
0x68: {  	[sflag:s19] =	ssyncadd.s32 @!p0 $0xFFFFFB10;
	(pc) =	sbr.rel @p1 .LBB2_1-.Ltmp1, $4  }
0x69: {  	[hbm:s8@s20], [sflag:s22] =	dma.strided @!p0 [spmem:s13@s21], $0x4F0, s19, $0x10   }
0x6a: {  	_ =	swait.ge @!p0 [sflag:s19], $0x4F0  }
0x6b: {  	[sflag:s19] =	ssyncset.done @!p0 $0x0  }
0x6c: {  	[sflag:s19] =	ssyncadd.s32 @!p0 $0xFFFFFB10  }
0x6d: {  	_ =	sfence.sel $0x180000  }
0x6e: {  	[bflag:$0x0] =	sbarrier.arrive $0xFFFF  }
0x6f: {  	_ =	strace $0x90000047  }
0x70: {  	s0 =	sadd.s32 @!p0 $0x100000, s0;
	[bflag:$0x2] =	sbarrier.arrive $0xFFFF  }
0x71: {  	[sflag:s0] =	ssyncadd.tile.s32 @!p0 $0x1;
	_ =	shalt  }
.Lfunc_end2:
_tile_overlayer_lowered:
.L_overlay_start_2:
0x72: {  	(tag) =	ssettag $0x2  }
0x73: {  	s0 =	rddreg [dreg:$0x0];
	s2 =	stileid.u32  }
0x74: {  	s1 =	rddreg [dreg:$0x1];
	p0 =	sne.s32 s2, $0x0  }
0x75: {  	s3 =	rddreg [dreg:$0x2];
	[bflag:$0x3] =	sbarrier.arrive $0xFFFF;
	s2 =	simm.s32 @!p0 $0x1C01  }
0x76: {  	[timem:s3], [sflag:s2] =	dma.local @!p0 [hbm:s0], s1  }
0x77: {  	s0 =	simm.s32 @!p0 $0x1  }
0x78: {  	_ =	swait.ge @!p0 [sflag:s0], s1  }
0x79: {  	s1 =	ssub.s32 @!p0 $0x0, s1;
	[sflag:s0] =	ssyncset.done @!p0 $0x0  }
0x7a: {  	[sflag:s0] =	ssyncadd.s32 @!p0 s1  }
0x7b: {  	[bflag:$0x3] =	sbarrier.arrive $0xFFFF  }
0x7c: {  	_ =	shalt  }

// kernel: kernel.14.cloned.1.call-start
scs
__scs_entry_jumppad:
0x0: {  	(pc) =	sbr.rel $0x88, $3  }
0x1: {  	(tag) =	ssettag $0x0;
	lr =	simm.s32 $0x1  }
0x2: {  	[smem:$0x3F99] =	sst lr;
	_ =	strace $0xD0000000  }
0x3: {  	_ = 	snop  }
0x4: {  	_ = 	snop  }
0x5: {  	_ = 	snop  }
0x6: {  	_ = 	snop  }
0x7: {  	_ = 	snop  }
__scs_overlays_trampoline_lowered:
0x8: {  	[smem:$0x3FA8] =	sst s0  }
0x9: {  	[smem:$0x3FA9] =	sst s1  }
0xa: {  	[smem:$0x3FAA] =	sst s2  }
0xb: {  	[smem:$0x3FAB] =	sst s3  }
0xc: {  	[smem:$0x3FAC] =	sst s4  }
0xd: {  	[smem:$0x3FAD] =	sst s5  }
0xe: {  	[smem:$0x3FAE] =	sst s6  }
0xf: {  	[smem:$0x3FAF] =	sst s7  }
0x10: {  	[smem:$0x3FB0] =	sst s8  }
0x11: {  	[smem:$0x3FB1] =	sst s9;
	s0 =	simm.s32 @!p0 $0x0  }
0x12: {  	s1 =	sld [smem:$0x3F97];
	s0 =	simm.s32 @p0 $0x1  }
0x13: {  	[smem:$0x3FB2] =	sst s0;
	s0 =	simm.s32 @!p1 $0x0  }
0x14: {  	s2 =	sld [smem:$0x3F96];
	s0 =	simm.s32 @p1 $0x1  }
0x15: {  	[smem:$0x3FB3] =	sst s0;
	s0 =	simm.s32 @!p2 $0x0  }
0x16: {  	s3 =	sld [smem:$0x3FDB];
	s0 =	simm.s32 @p2 $0x1  }
0x17: {  	s4 =	simm.s32 $0x1BF5;
	[smem:$0x3FB5] =	sst s0  }
0x18: {  	s0 =	sld [smem:$0x3F98];
	_ =	swait.ge [sflag:s4], $0x0  }
0x19: {  	s7 =	sld [smem:$0x3F99]  }
0x1a: {  	s8 =	sadd.s32 $0xFFFFE003, lr  }
0x1b: {  	s9 =	sadd.s32 $0xFFFFFEF7, lr;
	s5 =	simm.s32 $0xFFFFFFFF;
	p2 =	slt.u32 s8, $0xFFFFF086  }
0x1c: {  	p1 =	slt.u32 s9, $0xF7A;
	s5 =	simm.s32 @!p2 $0x0  }
0x1d: {  	s5 =	simm.s32 @p1 $0x1;
	p0 =	seq.s32 s7, s2  }
0x1e: {  	s7 =	smul.u32 @!p0 $0xF7A, s2;
	p2 =	seq.s32 @!p0 s5, $0x0  }
0x1f: {  	s9 =	smul.u32 $0xF7A, s1;
	s8 =	simm.s32 @!p0 $0x1BF5;
	p2 =	por !p2, p0  }
0x20: {  	[sflag:s8] =	ssyncset.s32 @!p0 $0xFFFFF086;
	s6 =	sadd.s32 @!p0 s3, s7;
	s7 =	simm.s32 @!p0 $0x108  }
0x21: {  	s3 =	sadd.s32 s3, s9;
	s6 =	sadd.s32 @!p0 $0x88, s6;
	s7 =	simm.s32 @p2 $0x1082  }
0x22: {  	[simem:s7], [sflag:s8] =	dma.local @!p0 [hbm:s6], $0xF7A  }
0x23: {  	s9 =	sor.u32 $0xD0000000, s2;
	s6 =	simm.s32 $0x108;
	_ =	swait.ge @!p0 [sflag:s8], $0x0  }
0x24: {  	s3 =	sadd.s32 $0x88, s3;
	s6 =	simm.s32 @!p1 $0x1082;
	[sflag:s4] =	ssyncset.s32 $0xFFFFF086  }
0x25: {  	[simem:s6], [sflag:s4] =	dma.local [hbm:s3], $0xF7A  }
0x26: {  	[smem:$0x3F99] =	sst s1;
	(tag) =	ssettag s2;
	_ =	strace s9  }
0x27: {  	s1 =	sld [smem:$0x3FA9]  }
0x28: {  	s2 =	sld [smem:$0x3FAA]  }
0x29: {  	s4 =	sld [smem:$0x3FAC]  }
0x2a: {  	p0 =	seq.s32 s5, $0x0;
	s5 =	sld [smem:$0x3FAD]  }
0x2b: {  	s6 =	sld [smem:$0x3FAE]  }
0x2c: {  	s7 =	sld [smem:$0x3FAF]  }
0x2d: {  	s3 =	simm.s32 $0x108;
	s8 =	sld [smem:$0x3FB0]  }
0x2e: {  	s3 =	simm.s32 @!p0 $0x1082;
	s9 =	sld [smem:$0x3FB1]  }
0x2f: {  	lr =	sadd.s32 s0, s3;
	s0 =	sld [smem:$0x3FA8]  }
0x30: {  	s3 =	sld [smem:$0x3FAB]  }
0x31: {  	[smem:$0x3FB4] =	sst s10  }
0x32: {  	s10 =	sld [smem:$0x3FB2];
	_ =	sdelay $0x3  }
0x33: {  	p0 =	seq.s32 s10, $0x1;
	s10 =	sld [smem:$0x3FB4];
	_ =	sdelay $0x3  }
0x34: {  	[smem:$0x3FB4] =	sst s10  }
0x35: {  	s10 =	sld [smem:$0x3FB3];
	_ =	sdelay $0x3  }
0x36: {  	p1 =	seq.s32 s10, $0x1;
	s10 =	sld [smem:$0x3FB4];
	_ =	sdelay $0x3  }
0x37: {  	[smem:$0x3FB4] =	sst s10  }
0x38: {  	s10 =	sld [smem:$0x3FB5]  }
0x39: {  	_ = 	snop;
	(pc) =	sbr.ind lr, $3  }
0x3a: {  	_ = 	snop  }
0x3b: {  	_ = 	snop  }
0x3c: {  	p2 =	seq.s32 s10, $0x1;
	s10 =	sld [smem:$0x3FB4]  }
0x3d: {  	_ =	shalt  }
0x3e: {  	_ =	shalt  }
0x3f: {  	_ =	shalt  }
0x40: {  	_ =	shalt  }
0x41: {  	_ =	shalt  }
0x42: {  	_ =	shalt  }
0x43: {  	_ =	shalt  }
0x44: {  	_ =	shalt  }
0x45: {  	_ =	shalt  }
0x46: {  	_ =	shalt  }
0x47: {  	_ =	shalt  }
0x48: {  	_ =	shalt  }
0x49: {  	_ =	shalt  }
0x4a: {  	_ =	shalt  }
0x4b: {  	_ =	shalt  }
0x4c: {  	_ =	shalt  }
0x4d: {  	_ =	shalt  }
0x4e: {  	_ =	shalt  }
0x4f: {  	_ =	shalt  }
0x50: {  	_ =	shalt  }
0x51: {  	_ =	shalt  }
0x52: {  	_ =	shalt  }
0x53: {  	_ =	shalt  }
0x54: {  	_ =	shalt  }
0x55: {  	_ =	shalt  }
0x56: {  	_ =	shalt  }
0x57: {  	_ =	shalt  }
0x58: {  	_ =	shalt  }
0x59: {  	_ =	shalt  }
0x5a: {  	_ =	shalt  }
0x5b: {  	_ =	shalt  }
0x5c: {  	_ =	shalt  }
0x5d: {  	_ =	shalt  }
0x5e: {  	_ =	shalt  }
0x5f: {  	_ =	shalt  }
0x60: {  	_ =	shalt  }
0x61: {  	_ =	shalt  }
0x62: {  	_ =	shalt  }
0x63: {  	_ =	shalt  }
0x64: {  	_ =	shalt  }
0x65: {  	_ =	shalt  }
0x66: {  	_ =	shalt  }
0x67: {  	_ =	shalt  }
0x68: {  	_ =	shalt  }
0x69: {  	_ =	shalt  }
0x6a: {  	_ =	shalt  }
0x6b: {  	_ =	shalt  }
0x6c: {  	_ =	shalt  }
0x6d: {  	_ =	shalt  }
0x6e: {  	_ =	shalt  }
0x6f: {  	_ =	shalt  }
0x70: {  	_ =	shalt  }
0x71: {  	_ =	shalt  }
0x72: {  	_ =	shalt  }
0x73: {  	_ =	shalt  }
0x74: {  	_ =	shalt  }
0x75: {  	_ =	shalt  }
0x76: {  	_ =	shalt  }
0x77: {  	_ =	shalt  }
0x78: {  	_ =	shalt  }
0x79: {  	_ =	shalt  }
0x7a: {  	_ =	shalt  }
0x7b: {  	_ =	shalt  }
0x7c: {  	_ =	shalt  }
0x7d: {  	_ =	shalt  }
0x7e: {  	_ =	shalt  }
0x7f: {  	_ =	shalt  }
0x80: {  	_ =	shalt  }
0x81: {  	_ =	shalt  }
0x82: {  	_ =	shalt  }
0x83: {  	_ =	shalt  }
0x84: {  	_ =	shalt  }
0x85: {  	_ =	shalt  }
0x86: {  	_ =	shalt  }
0x87: {  	_ =	shalt  }
.Lfunc_end0:
.L_simem_size_0:
called_computation.1_lowered:
.L_overlay_start_0:
0x88: {  	s2 =	sld [smem:$0x3FD9]  }
0x89: {  	s3 =	sld [smem:$0x3FFE];
	_ =	sdelay $0x1  }
0x8a: {  	s1 =	srdreg.scid  }
0x8b: {  	s0 =	sand.u32 $0x1, s1  }
0x8c: {  	s17 =	sshll.u32 s0, $0xA;
	s2 =	sadd.s32 s3, s2  }
0x8d: {  	s2 =	sadd.s32 s2, s17  }
0x8e: {  	[smem:$0x3FC0] =	sst s2  }
0x8f: {  	_ = 	snop  }
0x90: {  	s2 =	sld [smem:$0x3FD0];
	(tm) =	ssettm $0x1  }
0x91: {  	s18 =	sld [smem:$0x3FFB];
	_ =	sdelay $0x3  }
0x92: {  	_ =	strace s18  }
0x93: {  	s3 =	sld [smem:$0x3FFC];
	_ =	sdelay $0x3  }
0x94: {  	_ =	strace s3  }
0x95: {  	s3 =	sld [smem:$0x3FFD];
	_ =	sdelay $0x3  }
0x96: {  	_ =	strace s3  }
0x97: {  	_ =	strace $0x8FFFFFFF  }
0x98: {  	s19 =	sld [smem:$0x3FDB];
	_ =	sdelay $0x1  }
0x99: {  	s4 =	simm.s32 $_scs_section_size  }
0x9a: {  	s5 =	simm.s32 $_size__tile_overlayer_lowered;
	s6 =	simm.s32 $_tile_overlayer_lowered  }
0x9b: {  	s22 =	simm.s32 $0x1BFF;
	s21 =	sshll.u32 s6, $0x1;
	s3 =	sadd.s32 s4, s19  }
0x9c: {  	s7 =	simm.s32 $0x0;
	s20 =	sshll.u32 s5, $0x1;
	s5 =	sadd.s32 s21, s3  }
0x9d: {  	[timem:s7], [sflag:s22] =	dma.local [hbm:s5], s20  }
0x9e: {  	_ =	swait.ge [sflag:s22], s20  }
0x9f: {  	s4 =	ssub.s32 $0x0, s20;
	[sflag:s22] =	ssyncset.done $0x0  }
0xa0: {  	[sflag:s22] =	ssyncadd.s32 s4;
	_ =	sdelay $0x1  }
0xa1: {  	s23 =	simm.s32 $0x1B8B  }
0xa2: {  	_ =	swait.ge [sflag:s23], $0x1  }
0xa3: {  	[sflag:s23] =	ssyncset.done $0x0  }
0xa4: {  	s25 =	simm.s32 $0x1B8E;
	s24 =	sld [smem:$0x3FFE];
	[sflag:s23] =	ssyncadd.s32 $0xFFFFFFFF  }
0xa5: {  	s26 =	simm.s32 $execute0_lowered;
	[smem:$0x3FD2] =	sst s25  }
0xa6: {  	s5 =	sshll.u32 s26, $0x1;
	_ =	strace $0x80000049;
	[dreg:$0x1] =	wrdreg $0xFFFFFFFF  }
0xa7: {  	s28 =	simm.s32 $_size_execute0_lowered;
	s3 =	sadd.s32 s3, s5;
	[dreg:$0x0] =	wrdreg $0x0  }
0xa8: {  	s5 =	sshll.u32 s28, $0x1;
	[dreg:$0x2] =	wrdreg s3  }
0xa9: {  	[dreg:$0x3] =	wrdreg s5  }
0xaa: {  	[dreg:$0x4] =	wrdreg $0xC0  }
0xab: {  	_ =	task [dreg:s7], $0x5FFFF  }
0xac: {  	[dreg:$0x1] =	wrdreg $0xFFFFFFFF  }
0xad: {  	[dreg:$0x0] =	wrdreg $0x60  }
0xae: {  	[dreg:$0x2] =	wrdreg s24  }
0xaf: {  	[dreg:$0x3] =	wrdreg s2  }
0xb0: {  	[dreg:$0x4] =	wrdreg $0x83000  }
0xb1: {  	[dreg:$0x5] =	wrdreg $0x9  }
0xb2: {  	_ =	task.clear_ibuf [dreg:s7], $0x6FFFF;
	_ =	strace $0x90000049  }
0xb3: {  	s29 =	simm.s32 $0x9;
	_ =	strace $0x8000004B  }
0xb4: {  	_ =	swait.ge [sflag:s29], $0x1  }
0xb5: {  	[sflag:s29] =	ssyncadd.s32 $0xFFFFFFFF  }
0xb6: {  	_ =	strace $0x9000004B  }
0xb7: {  	_ =	sfence  }
0xb8: {  	s30 =	sld [smem:$0x0];
	_ =	sdelay $0x2  }
0xb9: {  	s31 =	sshll.u32 s1, $0xD;
	s1 =	sshrl.u32 s1, $0x2  }
0xba: {  	s3 =	sand.u32 $0x4000, s31;
	s1 =	sadd.s32 s1, s30  }
0xbb: {  	s0 =	sor.u32 s3, s0;
	s1 =	sshll.u32 s1, $0x11  }
0xbc: {  	s0 =	sor.u32 s1, s0  }
0xbd: {  	s0 =	sadd.s32 $0x8F2B, s0  }
0xbe: {  	[sflag:s0] =	ssyncadd.remote.s32 $0x1  }
0xbf: {  	_ =	sfence.sel $0xFFFF  }
0xc0: {  	[dreg:$0x0] =	wrdreg $0xFFFFFFFF;
	(pc) =	sbr.abs _section_cstart, $3  }
0xc1: {  	[dreg:$0x1] =	wrdreg $0xFFFFFFFF  }
0xc2: {  	_ =	task.clear_ibuf [dreg:s7], $0x2FFFF;
	_ =	strace $0x9FFFFFFF  }
0xc3: {  	(tm) =	ssettm $0x7FFFFFFF  }
tec
execute0_lowered:
.L_overlay_start_1:
0x0: {  	(tag) =	ssettag $0x1  }
0x1: {  	s0 =	rddreg [dreg:$0x0]  }
0x2: {  	s1 =	rddreg [dreg:$0x1]  }
0x3: {  	s3 =	rddreg [dreg:$0x2];
	s4 =	simm.s32 $0x0  }
0x4: {  	s13 =	stileid.u32;
	s6 =	srdreg.scid;
	s28 =	simm.s32 $0x180  }
0x5: {  	s29 =	simm.s32 $0x4300;
	s30 =	simm.s32 $0x1;
	s2 =	smul.u32 $0x2700, s13  }
0x6: {  	[smem:$0x7FF] =	sst s4;
	s5 =	sadd.s32 $0xC000, s0;
	s11 =	smul.u32 $0x4E000, s13  }
0x7: {  	s7 =	sand.u32 $0x1, s6;
	s6 =	sadd.s32 $0x2200, s0;
	s16 =	smul.u32 $0x13800, s13  }
0x8: {  	s12 =	sadd.s32 $0x5A400, s0;
	s21 =	smul.u32 $0x2710, s13;
	p0 =	seq.s32 s13, $0xF  }
0x9: {  	s31 =	simm.s32 $0x2;
	_ =	strace $0x8000004A;
	s14 =	smul.u32 $0x138800, s7  }
0xa: {  	s8 =	ssub.s32 $0x2, s7;
	s10 =	sshll.u32 s7, $0x4;
	s7 =	smul.u32 $0x27100, s7  }
0xb: {  	s2 =	sadd.s32 s2, s0;
	s9 =	sshrl.u32 s8, $0x1;
	s24 =	sor.u32 s13, s10  }
0xc: {  	s25 =	sshrl.u32 s11, $0x2;
	s11 =	sadd.s32 $0x124800, s3;
	s0 =	sadd.s32 $0x57B00, s0  }
0xd: {  	s8 =	ssub.s32 s8, s9;
	s2 =	sadd.s32 $0x33200, s2;
	[dreg:$0x6] =	wrdreg s11  }
0xe: {  	s26 =	smul.u32 $0x2710, s24;
	s10 =	sadd.s32 s25, s3;
	[dreg:$0x7] =	wrdreg s0  }
0xf: {  	s9 =	sshrl.u32 s14, $0x3;
	s23 =	sadd.s32 s21, s7;
	[dreg:$0x4] =	wrdreg s2  }
0x10: {  	s7 =	simm.s32 $0x280;
	[dreg:$0x5] =	wrdreg s10;
	s2 =	sadd.s32 s16, s14  }
0x11: {  	s22 =	sadd.s32 s12, s9;
	s24 =	smax.u32 s8, $0x1;
	s25 =	sadd.s32 $0x80, s23  }
0x12: {  	s8 =	simm.s32 $0x0;
	s15 =	sshrl.u32 s26, $0x3;
	s2 =	sshrl.u32 s2, $0x3  }
0x13: {  	[dreg:$0xe] =	wrdreg s24;
	s26 =	sshrl.u32 s25, $0x3;
	s24 =	simm.s32 $0x80  }
0x14: {  	s25 =	simm.s32 $0x300;
	s17 =	sadd.s32 s6, s15;
	s18 =	sadd.s32 s1, s15  }
0x15: {  	s19 =	sadd.s32 $0x4E0, s15;
	s2 =	sadd.s32 s12, s2;
	[dreg:$0x8] =	wrdreg s17  }
0x16: {  	s0 =	sadd.s32 $0x4D0, s15;
	s21 =	sadd.s32 s26, s1;
	[dreg:$0x9] =	wrdreg s18  }
0x17: {  	s20 =	sadd.s32 s6, s19;
	s10 =	sadd.s32 s1, s19;
	[dreg:$0xc] =	wrdreg s2  }
0x18: {  	s2 =	sadd.s32 $0x24900, s22;
	s18 =	sadd.s32 s6, s0;
	[dreg:$0xa] =	wrdreg s20  }
0x19: {  	s19 =	sadd.s32 s1, s0;
	s22 =	sadd.s32 s26, s6;
	[dreg:$0xb] =	wrdreg s10  }
0x1a: {  	s26 =	simm.s32 $0x100;
	s0 =	simm.s32 $0x200;
	[dreg:$0xd] =	wrdreg s2  }
0x1b: {  	s20 =	sadd.s32 $0x100, s23;
	s23 =	simm.s32 $0x3;
	s2 =	simm.s32 $0x10  }
.LBB2_1:
0x1c: {  	s9 =	rddreg [dreg:$0x6]  }
0x1d: {  	s10 =	simm.s32 @p0 $0x1FC3;
	s11 =	rddreg [dreg:$0x7];
	s9 =	sshrl.u32 @p0 s9, $0x3  }
0x1e: {  	[spmem:s9], [sflag:s10] =	dma.local @p0 [hbm:s11], $0x2800  }
0x1f: {  	s10 =	simm.s32 @p0 $0x3  }
0x20: {  	s11 =	stileid.u32;
	_ =	swait.ge @p0 [sflag:s10], $0x2800  }
0x21: {  	s11 =	sshll.u32 @!p0 s11, $0x6;
	[sflag:s10] =	ssyncset.done @p0 $0x0  }
0x22: {  	[sflag:s10] =	ssyncadd.s32 @p0 $0xFFFFD800;
	s10 =	sor.u32 @!p0 $0x1C03, s11;
	s11 =	rddreg [dreg:$0x5]  }
0x23: {  	s12 =	rddreg [dreg:$0x4];
	s11 =	sshrl.u32 @!p0 s11, $0x3  }
0x24: {  	[spmem:s11], [sflag:s10] =	dma.local @!p0 [hbm:s12], $0x2700  }
0x25: {  	s12 =	simm.s32 @!p0 $0x3  }
0x26: {  	_ =	swait.ge @!p0 [sflag:s12], $0x2700  }
0x27: {  	[sflag:s12] =	ssyncset.done @!p0 $0x0  }
0x28: {  	[sflag:s12] =	ssyncadd.s32 @!p0 $0xFFFFD900  }
0x29: {  	[bflag:$0x0] =	sbarrier.arrive $0xFFFF  }
0x2a: {  	s13 =	rddreg [dreg:$0x8]  }
0x2b: {  	[tilespmem:s4], [sflag:$0x3] =	stream.linear.gather [hbm4b:s13+s4], $0x80, $0x38;
	[tilespmem:$0x1BB80] =	vst v63  }
0x2c: {  	_ =	swait.ge [sflag:s23], $0x80  }
0x2d: {  	[sflag:s23] =	ssyncset.done $0x0  }
0x2e: {  	s14 =	rddreg [dreg:$0x9];
	[sflag:s23] =	ssyncadd.s32 $0xFFFFFF80  }
0x2f: {  	[tilespmem:s24], [sflag:$0x3] =	stream.linear.gather [hbm4b:s14+s4], $0x80, $0x38;
	[tilespmem:$0x1BB80] =	vst v63  }
0x30: {  	_ =	swait.ge [sflag:s23], $0x80  }
0x31: {  	[sflag:s23] =	ssyncset.done $0x0  }
0x32: {  	[sflag:s23] =	ssyncadd.s32 $0xFFFFFF80  }
0x33: {  	[tilespmem:s25], [sflag:$0x1] =	stream.indirect.gather [hbm4b:s5+s24], $0x80, s4, s24, $0xb8;
	[tilespmem:$0x1BB80] =	vst v63  }
0x34: {  	s15 =	sadd.s32 $0x0, s22  }
0x35: {  	[tilespmem:s26], [sflag:$0x3] =	stream.linear.gather [hbm4b:s15+s4], $0x80, $0x38;
	[tilespmem:$0x1BB80] =	vst v63  }
0x36: {  	_ =	swait.ge [sflag:s23], $0x80  }
0x37: {  	[sflag:s23] =	ssyncset.done $0x0  }
0x38: {  	s16 =	sadd.s32 $0x0, s21;
	[sflag:s23] =	ssyncadd.s32 $0xFFFFFF80  }
0x39: {  	[tilespmem:s28], [sflag:$0x3] =	stream.linear.gather [hbm4b:s16+s4], $0x80, $0x38;
	[tilespmem:$0x1BB80] =	vst v63  }
0x3a: {  	_ =	swait.ge [sflag:s23], $0x80  }
0x3b: {  	[sflag:s23] =	ssyncset.done $0x0  }
0x3c: {  	[sflag:s23] =	ssyncadd.s32 $0xFFFFFF80  }
0x3d: {  	[tilespmem:s29], [sflag:$0x2] =	stream.indirect.gather [hbm4b:s5+s24], $0x80, s26, s24, $0xb8;
	[tilespmem:$0x1BB80] =	vst v63  }
0x3e: {  	_ =	swait.ge [sflag:s30], $0x4000  }
0x3f: {  	[sflag:s30] =	ssyncset.done $0x0  }
0x40: {  	[sflag:s30] =	ssyncadd.s32 $0xFFFFC000  }
0x41: {  	[spmem:s3] =	stream.indirect.scatter.add.f32 [tilespmem:s25], [sflag:$0x3], $0x80, s24, s24, $0xb8;
	[tilespmem:$0x1BB80] =	vst v63  }
0x42: {  	_ =	swait.ge [sflag:s23], $0x4000  }
0x43: {  	s17 =	sshrl.u32 s20, $0x3;
	[sflag:s23] =	ssyncset.done $0x0  }
0x44: {  	s13 =	sadd.s32 s6, s17;
	[sflag:s23] =	ssyncadd.s32 $0xFFFFC000  }
0x45: {  	[tilespmem:s4], [sflag:$0x3] =	stream.linear.gather [hbm4b:s13+s4], $0x80, $0x38;
	[tilespmem:$0x1BB80] =	vst v63  }
0x46: {  	_ =	swait.ge [sflag:s23], $0x80  }
0x47: {  	[sflag:s23] =	ssyncset.done $0x0  }
0x48: {  	s12 =	sadd.s32 s1, s17;
	[sflag:s23] =	ssyncadd.s32 $0xFFFFFF80  }
0x49: {  	[tilespmem:s24], [sflag:$0x3] =	stream.linear.gather [hbm4b:s12+s4], $0x80, $0x38;
	[tilespmem:$0x1BB80] =	vst v63  }
0x4a: {  	_ =	swait.ge [sflag:s23], $0x80  }
0x4b: {  	[sflag:s23] =	ssyncset.done $0x0  }
0x4c: {  	[sflag:s23] =	ssyncadd.s32 $0xFFFFFF80  }
0x4d: {  	[tilespmem:s25], [sflag:$0x1] =	stream.indirect.gather [hbm4b:s5+s24], $0x80, s4, s24, $0xb8;
	[tilespmem:$0x1BB80] =	vst v63  }
0x4e: {  	_ =	swait.ge [sflag:s31], $0x4000  }
0x4f: {  	[sflag:s31] =	ssyncset.done $0x0  }
0x50: {  	[sflag:s31] =	ssyncadd.s32 $0xFFFFC000  }
0x51: {  	[spmem:s3] =	stream.indirect.scatter.add.f32 [tilespmem:s29], [sflag:$0x3], $0x80, s28, s24, $0xb8;
	[tilespmem:$0x1BB80] =	vst v63  }
0x52: {  	s14 =	simm.s32 $0x40;
	_ =	swait.ge [sflag:s23], $0x4000  }
0x53: {  	s13 =	simm.s32 $0x20;
	s12 =	sadd.s32 $0x100, s20;
	[sflag:s23] =	ssyncset.done $0x0  }
.LBB2_2:
0x54: {  	s16 =	sadd.s32 s13, s22  }
0x55: {  	[sflag:s23] =	ssyncadd.s32 $0xFFFFC000;
	s17 =	smov.u32 s14;
	s15 =	sadd.s32 $0x20, s14  }
0x56: {  	[tilespmem:s26], [sflag:$0x3] =	stream.linear.gather [hbm4b:s16+s4], $0x80, $0x38;
	[tilespmem:$0x1BB80] =	vst v63  }
0x57: {  	p1 =	sne.s32 s14, $0x4A0;
	_ =	swait.ge [sflag:s23], $0x80  }
0x58: {  	[sflag:s23] =	ssyncset.done $0x0  }
0x59: {  	s14 =	sadd.s32 s13, s21;
	s13 =	smov.u32 s17;
	[sflag:s23] =	ssyncadd.s32 $0xFFFFFF80  }
0x5a: {  	[tilespmem:s28], [sflag:$0x3] =	stream.linear.gather [hbm4b:s14+s4], $0x80, $0x38;
	[tilespmem:$0x1BB80] =	vst v63  }
0x5b: {  	_ =	swait.ge [sflag:s23], $0x80  }
0x5c: {  	[sflag:s23] =	ssyncset.done $0x0  }
0x5d: {  	[sflag:s23] =	ssyncadd.s32 $0xFFFFFF80  }
0x5e: {  	[tilespmem:s29], [sflag:$0x2] =	stream.indirect.gather [hbm4b:s5+s24], $0x80, s26, s24, $0xb8;
	[tilespmem:$0x1BB80] =	vst v63  }
0x5f: {  	_ =	swait.ge [sflag:s30], $0x4000  }
0x60: {  	[sflag:s30] =	ssyncset.done $0x0  }
0x61: {  	[sflag:s30] =	ssyncadd.s32 $0xFFFFC000  }
0x62: {  	[spmem:s3] =	stream.indirect.scatter.add.f32 [tilespmem:s25], [sflag:$0x3], $0x80, s24, s24, $0xb8;
	[tilespmem:$0x1BB80] =	vst v63  }
0x63: {  	_ =	swait.ge [sflag:s23], $0x4000  }
0x64: {  	s14 =	sshrl.u32 s12, $0x3;
	[sflag:s23] =	ssyncset.done $0x0  }
0x65: {  	s16 =	sadd.s32 s6, s14;
	[sflag:s23] =	ssyncadd.s32 $0xFFFFC000  }
0x66: {  	[tilespmem:s4], [sflag:$0x3] =	stream.linear.gather [hbm4b:s16+s4], $0x80, $0x38;
	[tilespmem:$0x1BB80] =	vst v63  }
0x67: {  	_ =	swait.ge [sflag:s23], $0x80  }
0x68: {  	[sflag:s23] =	ssyncset.done $0x0  }
0x69: {  	s14 =	sadd.s32 s1, s14;
	[sflag:s23] =	ssyncadd.s32 $0xFFFFFF80  }
0x6a: {  	[tilespmem:s24], [sflag:$0x3] =	stream.linear.gather [hbm4b:s14+s4], $0x80, $0x38;
	[tilespmem:$0x1BB80] =	vst v63  }
0x6b: {  	_ =	swait.ge [sflag:s23], $0x80  }
0x6c: {  	[sflag:s23] =	ssyncset.done $0x0  }
0x6d: {  	[sflag:s23] =	ssyncadd.s32 $0xFFFFFF80  }
0x6e: {  	[tilespmem:s25], [sflag:$0x1] =	stream.indirect.gather [hbm4b:s5+s24], $0x80, s4, s24, $0xb8;
	[tilespmem:$0x1BB80] =	vst v63  }
0x6f: {  	_ =	swait.ge [sflag:s31], $0x4000  }
.Ltmp0:
0x70: {  	[sflag:s31] =	ssyncset.done $0x0;
	(pc) =	sbr.rel @p1 .LBB2_2-.Ltmp0, $4  }
0x71: {  	[sflag:s31] =	ssyncadd.s32 $0xFFFFC000  }
0x72: {  	[spmem:s3] =	stream.indirect.scatter.add.f32 [tilespmem:s29], [sflag:$0x3], $0x80, s28, s24, $0xb8;
	[tilespmem:$0x1BB80] =	vst v63  }
0x73: {  	_ =	swait.ge [sflag:s23], $0x4000  }
0x74: {  	s12 =	sadd.s32 $0x100, s12;
	s14 =	smov.u32 s15;
	[sflag:s23] =	ssyncset.done $0x0  }
0x75: {  	s14 =	sadd.s32 s13, s22;
	[sflag:s23] =	ssyncadd.s32 $0xFFFFC000  }
0x76: {  	[tilespmem:s26], [sflag:$0x3] =	stream.linear.gather [hbm4b:s14+s4], $0x80, $0x38;
	[tilespmem:$0x1BB80] =	vst v63  }
0x77: {  	_ =	swait.ge [sflag:s23], $0x80  }
0x78: {  	[sflag:s23] =	ssyncset.done $0x0  }
0x79: {  	s17 =	sadd.s32 s13, s21;
	[sflag:s23] =	ssyncadd.s32 $0xFFFFFF80  }
0x7a: {  	[tilespmem:s28], [sflag:$0x3] =	stream.linear.gather [hbm4b:s17+s4], $0x80, $0x38;
	[tilespmem:$0x1BB80] =	vst v63  }
0x7b: {  	_ =	swait.ge [sflag:s23], $0x80  }
0x7c: {  	[sflag:s23] =	ssyncset.done $0x0  }
0x7d: {  	[sflag:s23] =	ssyncadd.s32 $0xFFFFFF80  }
0x7e: {  	[tilespmem:s29], [sflag:$0x2] =	stream.indirect.gather [hbm4b:s5+s24], $0x80, s26, s24, $0xb8;
	[tilespmem:$0x1BB80] =	vst v63  }
0x7f: {  	_ =	swait.ge [sflag:s30], $0x4000  }
0x80: {  	[sflag:s30] =	ssyncset.done $0x0  }
0x81: {  	[sflag:s30] =	ssyncadd.s32 $0xFFFFC000  }
0x82: {  	[spmem:s3] =	stream.indirect.scatter.add.f32 [tilespmem:s25], [sflag:$0x3], $0x80, s24, s24, $0xb8;
	[tilespmem:$0x1BB80] =	vst v63  }
0x83: {  	_ =	swait.ge [sflag:s23], $0x4000  }
0x84: {  	s12 =	sshrl.u32 s12, $0x3;
	[sflag:s23] =	ssyncset.done $0x0  }
0x85: {  	s14 =	sadd.s32 s6, s12;
	[sflag:s23] =	ssyncadd.s32 $0xFFFFC000  }
0x86: {  	[tilespmem:s4], [sflag:$0x3] =	stream.linear.gather [hbm4b:s14+s4], $0x80, $0x38;
	[tilespmem:$0x1BB80] =	vst v63  }
0x87: {  	_ =	swait.ge [sflag:s23], $0x80  }
0x88: {  	[sflag:s23] =	ssyncset.done $0x0  }
0x89: {  	s12 =	sadd.s32 s1, s12;
	[sflag:s23] =	ssyncadd.s32 $0xFFFFFF80  }
0x8a: {  	[tilespmem:s24], [sflag:$0x3] =	stream.linear.gather [hbm4b:s12+s4], $0x80, $0x38;
	[tilespmem:$0x1BB80] =	vst v63  }
0x8b: {  	_ =	swait.ge [sflag:s23], $0x80  }
0x8c: {  	[sflag:s23] =	ssyncset.done $0x0  }
0x8d: {  	[sflag:s23] =	ssyncadd.s32 $0xFFFFFF80  }
0x8e: {  	[tilespmem:s25], [sflag:$0x1] =	stream.indirect.gather [hbm4b:s5+s24], $0x80, s4, s24, $0xb8;
	[tilespmem:$0x1BB80] =	vst v63  }
0x8f: {  	_ =	swait.ge [sflag:s31], $0x4000  }
0x90: {  	[sflag:s31] =	ssyncset.done $0x0  }
0x91: {  	[sflag:s31] =	ssyncadd.s32 $0xFFFFC000  }
0x92: {  	[spmem:s3] =	stream.indirect.scatter.add.f32 [tilespmem:s29], [sflag:$0x3], $0x80, s28, s24, $0xb8;
	[tilespmem:$0x1BB80] =	vst v63  }
0x93: {  	_ =	swait.ge [sflag:s23], $0x4000  }
0x94: {  	[sflag:s23] =	ssyncset.done $0x0  }
0x95: {  	[sflag:s23] =	ssyncadd.s32 $0xFFFFC000  }
0x96: {  	[tilespmem:s26], [sflag:$0x3] =	stream.linear.gather [hbm4b:s18+s4], $0x80, $0x38;
	[tilespmem:$0x1BB80] =	vst v63  }
0x97: {  	_ =	swait.ge [sflag:s23], $0x80  }
0x98: {  	[sflag:s23] =	ssyncset.done $0x0  }
0x99: {  	[sflag:s23] =	ssyncadd.s32 $0xFFFFFF80  }
0x9a: {  	[tilespmem:s28], [sflag:$0x3] =	stream.linear.gather [hbm4b:s19+s4], $0x80, $0x38;
	[tilespmem:$0x1BB80] =	vst v63  }
0x9b: {  	_ =	swait.ge [sflag:s23], $0x80  }
0x9c: {  	[sflag:s23] =	ssyncset.done $0x0  }
0x9d: {  	[sflag:s23] =	ssyncadd.s32 $0xFFFFFF80  }
0x9e: {  	[tilespmem:s29], [sflag:$0x2] =	stream.indirect.gather [hbm4b:s5+s24], $0x80, s26, s24, $0xb8;
	[tilespmem:$0x1BB80] =	vst v63  }
0x9f: {  	_ =	swait.ge [sflag:s30], $0x4000  }
0xa0: {  	[sflag:s30] =	ssyncset.done $0x0  }
0xa1: {  	[sflag:s30] =	ssyncadd.s32 $0xFFFFC000  }
0xa2: {  	[spmem:s3] =	stream.indirect.scatter.add.f32 [tilespmem:s25], [sflag:$0x3], $0x80, s24, s24, $0xb8;
	[tilespmem:$0x1BB80] =	vst v63  }
0xa3: {  	_ =	swait.ge [sflag:s23], $0x4000  }
0xa4: {  	[sflag:s23] =	ssyncset.done $0x0  }
0xa5: {  	[sflag:s23] =	ssyncadd.s32 $0xFFFFC000  }
0xa6: {  	_ =	swait.ge [sflag:s31], $0x4000  }
0xa7: {  	[sflag:s31] =	ssyncset.done $0x0  }
0xa8: {  	[sflag:s31] =	ssyncadd.s32 $0xFFFFC000  }
0xa9: {  	[spmem:s3] =	stream.indirect.scatter.add.f32 [tilespmem:s29], [sflag:$0x3], $0x80, s28, s24, $0xb8;
	[tilespmem:$0x1BB80] =	vst v63  }
0xaa: {  	_ =	swait.ge [sflag:s23], $0x4000  }
0xab: {  	[sflag:s23] =	ssyncset.done $0x0  }
0xac: {  	s15 =	rddreg [dreg:$0xa];
	[sflag:s23] =	ssyncadd.s32 $0xFFFFC000  }
0xad: {  	[tilespmem:s0], [sflag:$0x3] =	stream.linear.gather [hbm4b:s15+s4], $0x10, $0x38;
	[tilespmem:$0x1BB80] =	vst v63  }
0xae: {  	_ =	swait.ge [sflag:s23], $0x10  }
0xaf: {  	[sflag:s23] =	ssyncset.done $0x0  }
0xb0: {  	[sflag:s23] =	ssyncadd.s32 $0xFFFFFFF0  }
0xb1: {  	[tilespmem:s25], [sflag:$0x3] =	stream.indirect.gather [hbm4b:s5+s2], $0x80, s0, s2, $0xb8;
	[tilespmem:$0x1BB80] =	vst v63  }
0xb2: {  	_ =	swait.ge [sflag:s23], $0x800  }
0xb3: {  	[sflag:s23] =	ssyncset.done $0x0  }
0xb4: {  	s16 =	rddreg [dreg:$0xb];
	[sflag:s23] =	ssyncadd.s32 $0xFFFFF800  }
0xb5: {  	[tilespmem:s7], [sflag:$0x3] =	stream.linear.gather [hbm4b:s16+s4], $0x10, $0x38;
	[tilespmem:$0x1BB80] =	vst v63  }
0xb6: {  	_ =	swait.ge [sflag:s23], $0x10  }
0xb7: {  	[sflag:s23] =	ssyncset.done $0x0  }
0xb8: {  	[sflag:s23] =	ssyncadd.s32 $0xFFFFFFF0  }
0xb9: {  	[spmem:s3] =	stream.indirect.scatter.add.f32 [tilespmem:s25], [sflag:$0x3], $0x80, s7, s2, $0xb8;
	[tilespmem:$0x1BB80] =	vst v63  }
0xba: {  	_ =	swait.ge [sflag:s23], $0x800  }
0xbb: {  	[sflag:s23] =	ssyncset.done $0x0  }
0xbc: {  	[sflag:s23] =	ssyncadd.s32 $0xFFFFF800  }
0xbd: {  	[bflag:$0x0] =	sbarrier.arrive $0xFFFF  }
0xbe: {  	s12 =	simm.s32 @p0 $0x1FC3;
	s13 =	rddreg [dreg:$0xd]  }
0xbf: {  	[hbm:s13], [sflag:s12] =	dma.local @p0 [spmem:s9], $0x2800  }
0xc0: {  	s9 =	simm.s32 @p0 $0x3  }
0xc1: {  	_ =	swait.ge @p0 [sflag:s9], $0x2800  }
0xc2: {  	[sflag:s9] =	ssyncset.done @p0 $0x0  }
0xc3: {  	[sflag:s9] =	ssyncadd.s32 @p0 $0xFFFFD800;
	s9 =	rddreg [dreg:$0xc]  }
0xc4: {  	[hbm:s9], [sflag:s10] =	dma.local @!p0 [spmem:s11], $0x2700  }
0xc5: {  	s9 =	simm.s32 @!p0 $0x3  }
0xc6: {  	_ =	swait.ge @!p0 [sflag:s9], $0x2700  }
0xc7: {  	s8 =	sadd.s32 $0x1, s8;
	s17 =	rddreg [dreg:$0xe]  }
0xc8: {  	p1 =	sne.s32 s8, s17  }
.Ltmp1:
0xc9: {  	_ = 	snop;
	(pc) =	sbr.rel @p1 .LBB2_1-.Ltmp1, $3  }
0xca: {  	_ =	sdelay $0x1  }
0xcb: {  	[sflag:s9] =	ssyncset.done @!p0 $0x0  }
0xcc: {  	[sflag:s9] =	ssyncadd.s32 @!p0 $0xFFFFD900  }
0xcd: {  	_ =	sfence.sel $0x180000  }
0xce: {  	[bflag:$0x0] =	sbarrier.arrive $0xFFFF  }
0xcf: {  	_ =	strace $0x9000004A  }
0xd0: {  	s0 =	stileid.u32;
	[bflag:$0x2] =	sbarrier.arrive $0xFFFF  }
0xd1: {  	p0 =	sne.s32 s0, $0x0;
	s0 =	rddreg [dreg:$0x3]  }
0xd2: {  	s0 =	sadd.s32 @!p0 $0x100000, s0  }
0xd3: {  	[sflag:s0] =	ssyncadd.tile.s32 @!p0 $0x1;
	_ =	shalt  }
.Lfunc_end2:
_tile_overlayer_lowered:
.L_overlay_start_2:
0xd4: {  	(tag) =	ssettag $0x2  }
0xd5: {  	s0 =	rddreg [dreg:$0x0];
	s2 =	stileid.u32  }
0xd6: {  	s1 =	rddreg [dreg:$0x1];
	p0 =	sne.s32 s2, $0x0  }
0xd7: {  	s3 =	rddreg [dreg:$0x2];
	[bflag:$0x3] =	sbarrier.arrive $0xFFFF;
	s2 =	simm.s32 @!p0 $0x1C03  }
0xd8: {  	[timem:s3], [sflag:s2] =	dma.local @!p0 [hbm:s0], s1  }
0xd9: {  	s0 =	simm.s32 @!p0 $0x3  }
0xda: {  	_ =	swait.ge @!p0 [sflag:s0], s1  }
0xdb: {  	s1 =	ssub.s32 @!p0 $0x0, s1;
	[sflag:s0] =	ssyncset.done @!p0 $0x0  }
0xdc: {  	[sflag:s0] =	ssyncadd.s32 @!p0 s1  }
0xdd: {  	[bflag:$0x3] =	sbarrier.arrive $0xFFFF  }
0xde: {  	_ =	shalt  }

// kernel: kernel.17.cloned.1.call-start
scs
__scs_entry_jumppad:
0x0: {  	(pc) =	sbr.rel $0x88, $3  }
0x1: {  	(tag) =	ssettag $0x0;
	lr =	simm.s32 $0x1  }
0x2: {  	[smem:$0x3F99] =	sst lr;
	_ =	strace $0xD0000000  }
0x3: {  	_ = 	snop  }
0x4: {  	_ = 	snop  }
0x5: {  	_ = 	snop  }
0x6: {  	_ = 	snop  }
0x7: {  	_ = 	snop  }
__scs_overlays_trampoline_lowered:
0x8: {  	[smem:$0x3FA8] =	sst s0  }
0x9: {  	[smem:$0x3FA9] =	sst s1  }
0xa: {  	[smem:$0x3FAA] =	sst s2  }
0xb: {  	[smem:$0x3FAB] =	sst s3  }
0xc: {  	[smem:$0x3FAC] =	sst s4  }
0xd: {  	[smem:$0x3FAD] =	sst s5  }
0xe: {  	[smem:$0x3FAE] =	sst s6  }
0xf: {  	[smem:$0x3FAF] =	sst s7  }
0x10: {  	[smem:$0x3FB0] =	sst s8  }
0x11: {  	[smem:$0x3FB1] =	sst s9;
	s0 =	simm.s32 @!p0 $0x0  }
0x12: {  	s1 =	sld [smem:$0x3F97];
	s0 =	simm.s32 @p0 $0x1  }
0x13: {  	[smem:$0x3FB2] =	sst s0;
	s0 =	simm.s32 @!p1 $0x0  }
0x14: {  	s2 =	sld [smem:$0x3F96];
	s0 =	simm.s32 @p1 $0x1  }
0x15: {  	[smem:$0x3FB3] =	sst s0;
	s0 =	simm.s32 @!p2 $0x0  }
0x16: {  	s3 =	sld [smem:$0x3FDB];
	s0 =	simm.s32 @p2 $0x1  }
0x17: {  	s4 =	simm.s32 $0x1BF5;
	[smem:$0x3FB5] =	sst s0  }
0x18: {  	s0 =	sld [smem:$0x3F98];
	_ =	swait.ge [sflag:s4], $0x0  }
0x19: {  	s7 =	sld [smem:$0x3F99]  }
0x1a: {  	s8 =	sadd.s32 $0xFFFFE003, lr  }
0x1b: {  	s9 =	sadd.s32 $0xFFFFFEF7, lr;
	s5 =	simm.s32 $0xFFFFFFFF;
	p2 =	slt.u32 s8, $0xFFFFF086  }
0x1c: {  	p1 =	slt.u32 s9, $0xF7A;
	s5 =	simm.s32 @!p2 $0x0  }
0x1d: {  	s5 =	simm.s32 @p1 $0x1;
	p0 =	seq.s32 s7, s2  }
0x1e: {  	s7 =	smul.u32 @!p0 $0xF7A, s2;
	p2 =	seq.s32 @!p0 s5, $0x0  }
0x1f: {  	s9 =	smul.u32 $0xF7A, s1;
	s8 =	simm.s32 @!p0 $0x1BF5;
	p2 =	por !p2, p0  }
0x20: {  	[sflag:s8] =	ssyncset.s32 @!p0 $0xFFFFF086;
	s6 =	sadd.s32 @!p0 s3, s7;
	s7 =	simm.s32 @!p0 $0x108  }
0x21: {  	s3 =	sadd.s32 s3, s9;
	s6 =	sadd.s32 @!p0 $0x88, s6;
	s7 =	simm.s32 @p2 $0x1082  }
0x22: {  	[simem:s7], [sflag:s8] =	dma.local @!p0 [hbm:s6], $0xF7A  }
0x23: {  	s9 =	sor.u32 $0xD0000000, s2;
	s6 =	simm.s32 $0x108;
	_ =	swait.ge @!p0 [sflag:s8], $0x0  }
0x24: {  	s3 =	sadd.s32 $0x88, s3;
	s6 =	simm.s32 @!p1 $0x1082;
	[sflag:s4] =	ssyncset.s32 $0xFFFFF086  }
0x25: {  	[simem:s6], [sflag:s4] =	dma.local [hbm:s3], $0xF7A  }
0x26: {  	[smem:$0x3F99] =	sst s1;
	(tag) =	ssettag s2;
	_ =	strace s9  }
0x27: {  	s1 =	sld [smem:$0x3FA9]  }
0x28: {  	s2 =	sld [smem:$0x3FAA]  }
0x29: {  	s4 =	sld [smem:$0x3FAC]  }
0x2a: {  	p0 =	seq.s32 s5, $0x0;
	s5 =	sld [smem:$0x3FAD]  }
0x2b: {  	s6 =	sld [smem:$0x3FAE]  }
0x2c: {  	s7 =	sld [smem:$0x3FAF]  }
0x2d: {  	s3 =	simm.s32 $0x108;
	s8 =	sld [smem:$0x3FB0]  }
0x2e: {  	s3 =	simm.s32 @!p0 $0x1082;
	s9 =	sld [smem:$0x3FB1]  }
0x2f: {  	lr =	sadd.s32 s0, s3;
	s0 =	sld [smem:$0x3FA8]  }
0x30: {  	s3 =	sld [smem:$0x3FAB]  }
0x31: {  	[smem:$0x3FB4] =	sst s10  }
0x32: {  	s10 =	sld [smem:$0x3FB2];
	_ =	sdelay $0x3  }
0x33: {  	p0 =	seq.s32 s10, $0x1;
	s10 =	sld [smem:$0x3FB4];
	_ =	sdelay $0x3  }
0x34: {  	[smem:$0x3FB4] =	sst s10  }
0x35: {  	s10 =	sld [smem:$0x3FB3];
	_ =	sdelay $0x3  }
0x36: {  	p1 =	seq.s32 s10, $0x1;
	s10 =	sld [smem:$0x3FB4];
	_ =	sdelay $0x3  }
0x37: {  	[smem:$0x3FB4] =	sst s10  }
0x38: {  	s10 =	sld [smem:$0x3FB5]  }
0x39: {  	_ = 	snop;
	(pc) =	sbr.ind lr, $3  }
0x3a: {  	_ = 	snop  }
0x3b: {  	_ = 	snop  }
0x3c: {  	p2 =	seq.s32 s10, $0x1;
	s10 =	sld [smem:$0x3FB4]  }
0x3d: {  	_ =	shalt  }
0x3e: {  	_ =	shalt  }
0x3f: {  	_ =	shalt  }
0x40: {  	_ =	shalt  }
0x41: {  	_ =	shalt  }
0x42: {  	_ =	shalt  }
0x43: {  	_ =	shalt  }
0x44: {  	_ =	shalt  }
0x45: {  	_ =	shalt  }
0x46: {  	_ =	shalt  }
0x47: {  	_ =	shalt  }
0x48: {  	_ =	shalt  }
0x49: {  	_ =	shalt  }
0x4a: {  	_ =	shalt  }
0x4b: {  	_ =	shalt  }
0x4c: {  	_ =	shalt  }
0x4d: {  	_ =	shalt  }
0x4e: {  	_ =	shalt  }
0x4f: {  	_ =	shalt  }
0x50: {  	_ =	shalt  }
0x51: {  	_ =	shalt  }
0x52: {  	_ =	shalt  }
0x53: {  	_ =	shalt  }
0x54: {  	_ =	shalt  }
0x55: {  	_ =	shalt  }
0x56: {  	_ =	shalt  }
0x57: {  	_ =	shalt  }
0x58: {  	_ =	shalt  }
0x59: {  	_ =	shalt  }
0x5a: {  	_ =	shalt  }
0x5b: {  	_ =	shalt  }
0x5c: {  	_ =	shalt  }
0x5d: {  	_ =	shalt  }
0x5e: {  	_ =	shalt  }
0x5f: {  	_ =	shalt  }
0x60: {  	_ =	shalt  }
0x61: {  	_ =	shalt  }
0x62: {  	_ =	shalt  }
0x63: {  	_ =	shalt  }
0x64: {  	_ =	shalt  }
0x65: {  	_ =	shalt  }
0x66: {  	_ =	shalt  }
0x67: {  	_ =	shalt  }
0x68: {  	_ =	shalt  }
0x69: {  	_ =	shalt  }
0x6a: {  	_ =	shalt  }
0x6b: {  	_ =	shalt  }
0x6c: {  	_ =	shalt  }
0x6d: {  	_ =	shalt  }
0x6e: {  	_ =	shalt  }
0x6f: {  	_ =	shalt  }
0x70: {  	_ =	shalt  }
0x71: {  	_ =	shalt  }
0x72: {  	_ =	shalt  }
0x73: {  	_ =	shalt  }
0x74: {  	_ =	shalt  }
0x75: {  	_ =	shalt  }
0x76: {  	_ =	shalt  }
0x77: {  	_ =	shalt  }
0x78: {  	_ =	shalt  }
0x79: {  	_ =	shalt  }
0x7a: {  	_ =	shalt  }
0x7b: {  	_ =	shalt  }
0x7c: {  	_ =	shalt  }
0x7d: {  	_ =	shalt  }
0x7e: {  	_ =	shalt  }
0x7f: {  	_ =	shalt  }
0x80: {  	_ =	shalt  }
0x81: {  	_ =	shalt  }
0x82: {  	_ =	shalt  }
0x83: {  	_ =	shalt  }
0x84: {  	_ =	shalt  }
0x85: {  	_ =	shalt  }
0x86: {  	_ =	shalt  }
0x87: {  	_ =	shalt  }
.Lfunc_end0:
.L_simem_size_0:
called_computation.2_lowered:
.L_overlay_start_0:
0x88: {  	s2 =	sld [smem:$0x3FD9]  }
0x89: {  	s3 =	sld [smem:$0x3FFE];
	_ =	sdelay $0x1  }
0x8a: {  	s1 =	srdreg.scid  }
0x8b: {  	s0 =	sand.u32 $0x1, s1  }
0x8c: {  	s17 =	sshll.u32 s0, $0xA;
	s2 =	sadd.s32 s3, s2  }
0x8d: {  	s2 =	sadd.s32 s2, s17  }
0x8e: {  	[smem:$0x3FC0] =	sst s2  }
0x8f: {  	_ = 	snop  }
0x90: {  	s2 =	sld [smem:$0x3FD0];
	(tm) =	ssettm $0x1  }
0x91: {  	s18 =	sld [smem:$0x3FFB];
	_ =	sdelay $0x3  }
0x92: {  	_ =	strace s18  }
0x93: {  	s3 =	sld [smem:$0x3FFC];
	_ =	sdelay $0x3  }
0x94: {  	_ =	strace s3  }
0x95: {  	s3 =	sld [smem:$0x3FFD];
	_ =	sdelay $0x3  }
0x96: {  	_ =	strace s3  }
0x97: {  	_ =	strace $0x8FFFFFFF  }
0x98: {  	s19 =	sld [smem:$0x3FDB];
	_ =	sdelay $0x1  }
0x99: {  	s4 =	simm.s32 $_scs_section_size  }
0x9a: {  	s5 =	simm.s32 $_size__tile_overlayer_lowered;
	s6 =	simm.s32 $_tile_overlayer_lowered  }
0x9b: {  	s22 =	simm.s32 $0x1BFF;
	s21 =	sshll.u32 s6, $0x1;
	s3 =	sadd.s32 s4, s19  }
0x9c: {  	s7 =	simm.s32 $0x0;
	s20 =	sshll.u32 s5, $0x1;
	s5 =	sadd.s32 s21, s3  }
0x9d: {  	[timem:s7], [sflag:s22] =	dma.local [hbm:s5], s20  }
0x9e: {  	_ =	swait.ge [sflag:s22], s20  }
0x9f: {  	s4 =	ssub.s32 $0x0, s20;
	[sflag:s22] =	ssyncset.done $0x0  }
0xa0: {  	[sflag:s22] =	ssyncadd.s32 s4;
	_ =	sdelay $0x1  }
0xa1: {  	s23 =	simm.s32 $0x1B8B  }
0xa2: {  	_ =	swait.ge [sflag:s23], $0x1  }
0xa3: {  	[sflag:s23] =	ssyncset.done $0x0  }
0xa4: {  	s25 =	simm.s32 $0x1B8E;
	s24 =	sld [smem:$0x3FFE];
	[sflag:s23] =	ssyncadd.s32 $0xFFFFFFFF  }
0xa5: {  	s26 =	simm.s32 $execute0_lowered;
	[smem:$0x3FD2] =	sst s25  }
0xa6: {  	s5 =	sshll.u32 s26, $0x1;
	_ =	strace $0x8000004C;
	[dreg:$0x1] =	wrdreg $0xFFFFFFFF  }
0xa7: {  	s28 =	simm.s32 $_size_execute0_lowered;
	s3 =	sadd.s32 s3, s5;
	[dreg:$0x0] =	wrdreg $0x0  }
0xa8: {  	s5 =	sshll.u32 s28, $0x1;
	[dreg:$0x2] =	wrdreg s3  }
0xa9: {  	[dreg:$0x3] =	wrdreg s5  }
0xaa: {  	[dreg:$0x4] =	wrdreg $0xC0  }
0xab: {  	_ =	task [dreg:s7], $0x5FFFF  }
0xac: {  	[dreg:$0x1] =	wrdreg $0xFFFFFFFF  }
0xad: {  	[dreg:$0x0] =	wrdreg $0x60  }
0xae: {  	[dreg:$0x2] =	wrdreg s24  }
0xaf: {  	[dreg:$0x3] =	wrdreg s2  }
0xb0: {  	[dreg:$0x4] =	wrdreg $0x83000  }
0xb1: {  	[dreg:$0x5] =	wrdreg $0x9  }
0xb2: {  	_ =	task.clear_ibuf [dreg:s7], $0x6FFFF;
	_ =	strace $0x9000004C  }
0xb3: {  	s29 =	simm.s32 $0x9;
	_ =	strace $0x8000004E  }
0xb4: {  	_ =	swait.ge [sflag:s29], $0x1  }
0xb5: {  	[sflag:s29] =	ssyncadd.s32 $0xFFFFFFFF  }
0xb6: {  	_ =	strace $0x9000004E  }
0xb7: {  	_ =	sfence  }
0xb8: {  	s30 =	sld [smem:$0x0];
	_ =	sdelay $0x2  }
0xb9: {  	s31 =	sshll.u32 s1, $0xD;
	s1 =	sshrl.u32 s1, $0x2  }
0xba: {  	s3 =	sand.u32 $0x4000, s31;
	s1 =	sadd.s32 s1, s30  }
0xbb: {  	s0 =	sor.u32 s3, s0;
	s1 =	sshll.u32 s1, $0x11  }
0xbc: {  	s0 =	sor.u32 s1, s0  }
0xbd: {  	s0 =	sadd.s32 $0x8F2B, s0  }
0xbe: {  	[sflag:s0] =	ssyncadd.remote.s32 $0x1  }
0xbf: {  	_ =	sfence.sel $0xFFFF  }
0xc0: {  	[dreg:$0x0] =	wrdreg $0xFFFFFFFF;
	(pc) =	sbr.abs _section_cstart, $3  }
0xc1: {  	[dreg:$0x1] =	wrdreg $0xFFFFFFFF  }
0xc2: {  	_ =	task.clear_ibuf [dreg:s7], $0x2FFFF;
	_ =	strace $0x9FFFFFFF  }
0xc3: {  	(tm) =	ssettm $0x7FFFFFFF  }
tec
execute0_lowered:
.L_overlay_start_1:
0x0: {  	(tag) =	ssettag $0x1  }
0x1: {  	s0 =	rddreg [dreg:$0x0]  }
0x2: {  	s1 =	rddreg [dreg:$0x1]  }
0x3: {  	s3 =	rddreg [dreg:$0x2];
	s4 =	simm.s32 $0x0  }
0x4: {  	s13 =	stileid.u32;
	s6 =	srdreg.scid;
	s28 =	simm.s32 $0x180  }
0x5: {  	s29 =	simm.s32 $0x4300;
	s30 =	simm.s32 $0x1;
	s2 =	smul.u32 $0x2700, s13  }
0x6: {  	[smem:$0x7FF] =	sst s4;
	s5 =	sadd.s32 $0xC000, s0;
	s11 =	smul.u32 $0x4E000, s13  }
0x7: {  	s7 =	sand.u32 $0x1, s6;
	s6 =	sadd.s32 $0x2200, s0;
	s16 =	smul.u32 $0x13800, s13  }
0x8: {  	s12 =	sadd.s32 $0x5A400, s0;
	s21 =	smul.u32 $0x2710, s13;
	p0 =	seq.s32 s13, $0xF  }
0x9: {  	s31 =	simm.s32 $0x2;
	_ =	strace $0x8000004D;
	s14 =	smul.u32 $0x138800, s7  }
0xa: {  	s8 =	ssub.s32 $0x2, s7;
	s10 =	sshll.u32 s7, $0x4;
	s7 =	smul.u32 $0x27100, s7  }
0xb: {  	s2 =	sadd.s32 s2, s0;
	s9 =	sshrl.u32 s8, $0x1;
	s24 =	sor.u32 s13, s10  }
0xc: {  	s25 =	sshrl.u32 s11, $0x2;
	s11 =	sadd.s32 $0x124800, s3;
	s0 =	sadd.s32 $0x57B00, s0  }
0xd: {  	s8 =	ssub.s32 s8, s9;
	s2 =	sadd.s32 $0x33200, s2;
	[dreg:$0x6] =	wrdreg s11  }
0xe: {  	s26 =	smul.u32 $0x2710, s24;
	s10 =	sadd.s32 s25, s3;
	[dreg:$0x7] =	wrdreg s0  }
0xf: {  	s9 =	sshrl.u32 s14, $0x3;
	s23 =	sadd.s32 s21, s7;
	[dreg:$0x4] =	wrdreg s2  }
0x10: {  	s7 =	simm.s32 $0x280;
	[dreg:$0x5] =	wrdreg s10;
	s2 =	sadd.s32 s16, s14  }
0x11: {  	s22 =	sadd.s32 s12, s9;
	s24 =	smax.u32 s8, $0x1;
	s25 =	sadd.s32 $0x80, s23  }
0x12: {  	s8 =	simm.s32 $0x0;
	s15 =	sshrl.u32 s26, $0x3;
	s2 =	sshrl.u32 s2, $0x3  }
0x13: {  	[dreg:$0xe] =	wrdreg s24;
	s26 =	sshrl.u32 s25, $0x3;
	s24 =	simm.s32 $0x80  }
0x14: {  	s25 =	simm.s32 $0x300;
	s17 =	sadd.s32 s6, s15;
	s18 =	sadd.s32 s1, s15  }
0x15: {  	s19 =	sadd.s32 $0x4E0, s15;
	s2 =	sadd.s32 s12, s2;
	[dreg:$0x8] =	wrdreg s17  }
0x16: {  	s0 =	sadd.s32 $0x4D0, s15;
	s21 =	sadd.s32 s26, s1;
	[dreg:$0x9] =	wrdreg s18  }
0x17: {  	s20 =	sadd.s32 s6, s19;
	s10 =	sadd.s32 s1, s19;
	[dreg:$0xc] =	wrdreg s2  }
0x18: {  	s2 =	sadd.s32 $0x24900, s22;
	s18 =	sadd.s32 s6, s0;
	[dreg:$0xa] =	wrdreg s20  }
0x19: {  	s19 =	sadd.s32 s1, s0;
	s22 =	sadd.s32 s26, s6;
	[dreg:$0xb] =	wrdreg s10  }
0x1a: {  	s26 =	simm.s32 $0x100;
	s0 =	simm.s32 $0x200;
	[dreg:$0xd] =	wrdreg s2  }
0x1b: {  	s20 =	sadd.s32 $0x100, s23;
	s23 =	simm.s32 $0x3;
	s2 =	simm.s32 $0x10  }
.LBB2_1:
0x1c: {  	s9 =	rddreg [dreg:$0x6]  }
0x1d: {  	s10 =	simm.s32 @p0 $0x1FC3;
	s11 =	rddreg [dreg:$0x7];
	s9 =	sshrl.u32 @p0 s9, $0x3  }
0x1e: {  	[spmem:s9], [sflag:s10] =	dma.local @p0 [hbm:s11], $0x2800  }
0x1f: {  	s10 =	simm.s32 @p0 $0x3  }
0x20: {  	s11 =	stileid.u32;
	_ =	swait.ge @p0 [sflag:s10], $0x2800  }
0x21: {  	s11 =	sshll.u32 @!p0 s11, $0x6;
	[sflag:s10] =	ssyncset.done @p0 $0x0  }
0x22: {  	[sflag:s10] =	ssyncadd.s32 @p0 $0xFFFFD800;
	s10 =	sor.u32 @!p0 $0x1C03, s11;
	s11 =	rddreg [dreg:$0x5]  }
0x23: {  	s12 =	rddreg [dreg:$0x4];
	s11 =	sshrl.u32 @!p0 s11, $0x3  }
0x24: {  	[spmem:s11], [sflag:s10] =	dma.local @!p0 [hbm:s12], $0x2700  }
0x25: {  	s12 =	simm.s32 @!p0 $0x3  }
0x26: {  	_ =	swait.ge @!p0 [sflag:s12], $0x2700  }
0x27: {  	[sflag:s12] =	ssyncset.done @!p0 $0x0  }
0x28: {  	[sflag:s12] =	ssyncadd.s32 @!p0 $0xFFFFD900  }
0x29: {  	[bflag:$0x0] =	sbarrier.arrive $0xFFFF  }
0x2a: {  	s13 =	rddreg [dreg:$0x8]  }
0x2b: {  	[tilespmem:s4], [sflag:$0x3] =	stream.linear.gather [hbm4b:s13+s4], $0x80, $0x38;
	[tilespmem:$0x1BB80] =	vst v63  }
0x2c: {  	_ =	swait.ge [sflag:s23], $0x80  }
0x2d: {  	[sflag:s23] =	ssyncset.done $0x0  }
0x2e: {  	s14 =	rddreg [dreg:$0x9];
	[sflag:s23] =	ssyncadd.s32 $0xFFFFFF80  }
0x2f: {  	[tilespmem:s24], [sflag:$0x3] =	stream.linear.gather [hbm4b:s14+s4], $0x80, $0x38;
	[tilespmem:$0x1BB80] =	vst v63  }
0x30: {  	_ =	swait.ge [sflag:s23], $0x80  }
0x31: {  	[sflag:s23] =	ssyncset.done $0x0  }
0x32: {  	[sflag:s23] =	ssyncadd.s32 $0xFFFFFF80  }
0x33: {  	[tilespmem:s25], [sflag:$0x1] =	stream.indirect.gather [hbm4b:s5+s24], $0x80, s4, s24, $0xb8;
	[tilespmem:$0x1BB80] =	vst v63  }
0x34: {  	s15 =	sadd.s32 $0x0, s22  }
0x35: {  	[tilespmem:s26], [sflag:$0x3] =	stream.linear.gather [hbm4b:s15+s4], $0x80, $0x38;
	[tilespmem:$0x1BB80] =	vst v63  }
0x36: {  	_ =	swait.ge [sflag:s23], $0x80  }
0x37: {  	[sflag:s23] =	ssyncset.done $0x0  }
0x38: {  	s16 =	sadd.s32 $0x0, s21;
	[sflag:s23] =	ssyncadd.s32 $0xFFFFFF80  }
0x39: {  	[tilespmem:s28], [sflag:$0x3] =	stream.linear.gather [hbm4b:s16+s4], $0x80, $0x38;
	[tilespmem:$0x1BB80] =	vst v63  }
0x3a: {  	_ =	swait.ge [sflag:s23], $0x80  }
0x3b: {  	[sflag:s23] =	ssyncset.done $0x0  }
0x3c: {  	[sflag:s23] =	ssyncadd.s32 $0xFFFFFF80  }
0x3d: {  	[tilespmem:s29], [sflag:$0x2] =	stream.indirect.gather [hbm4b:s5+s24], $0x80, s26, s24, $0xb8;
	[tilespmem:$0x1BB80] =	vst v63  }
0x3e: {  	_ =	swait.ge [sflag:s30], $0x4000  }
0x3f: {  	[sflag:s30] =	ssyncset.done $0x0  }
0x40: {  	[sflag:s30] =	ssyncadd.s32 $0xFFFFC000  }
0x41: {  	[spmem:s3] =	stream.indirect.scatter.add.f32 [tilespmem:s25], [sflag:$0x3], $0x80, s24, s24, $0xb8;
	[tilespmem:$0x1BB80] =	vst v63  }
0x42: {  	_ =	swait.ge [sflag:s23], $0x4000  }
0x43: {  	s17 =	sshrl.u32 s20, $0x3;
	[sflag:s23] =	ssyncset.done $0x0  }
0x44: {  	s13 =	sadd.s32 s6, s17;
	[sflag:s23] =	ssyncadd.s32 $0xFFFFC000  }
0x45: {  	[tilespmem:s4], [sflag:$0x3] =	stream.linear.gather [hbm4b:s13+s4], $0x80, $0x38;
	[tilespmem:$0x1BB80] =	vst v63  }
0x46: {  	_ =	swait.ge [sflag:s23], $0x80  }
0x47: {  	[sflag:s23] =	ssyncset.done $0x0  }
0x48: {  	s12 =	sadd.s32 s1, s17;
	[sflag:s23] =	ssyncadd.s32 $0xFFFFFF80  }
0x49: {  	[tilespmem:s24], [sflag:$0x3] =	stream.linear.gather [hbm4b:s12+s4], $0x80, $0x38;
	[tilespmem:$0x1BB80] =	vst v63  }
0x4a: {  	_ =	swait.ge [sflag:s23], $0x80  }
0x4b: {  	[sflag:s23] =	ssyncset.done $0x0  }
0x4c: {  	[sflag:s23] =	ssyncadd.s32 $0xFFFFFF80  }
0x4d: {  	[tilespmem:s25], [sflag:$0x1] =	stream.indirect.gather [hbm4b:s5+s24], $0x80, s4, s24, $0xb8;
	[tilespmem:$0x1BB80] =	vst v63  }
0x4e: {  	_ =	swait.ge [sflag:s31], $0x4000  }
0x4f: {  	[sflag:s31] =	ssyncset.done $0x0  }
0x50: {  	[sflag:s31] =	ssyncadd.s32 $0xFFFFC000  }
0x51: {  	[spmem:s3] =	stream.indirect.scatter.add.f32 [tilespmem:s29], [sflag:$0x3], $0x80, s28, s24, $0xb8;
	[tilespmem:$0x1BB80] =	vst v63  }
0x52: {  	s14 =	simm.s32 $0x40;
	_ =	swait.ge [sflag:s23], $0x4000  }
0x53: {  	s13 =	simm.s32 $0x20;
	s12 =	sadd.s32 $0x100, s20;
	[sflag:s23] =	ssyncset.done $0x0  }
.LBB2_2:
0x54: {  	s16 =	sadd.s32 s13, s22  }
0x55: {  	[sflag:s23] =	ssyncadd.s32 $0xFFFFC000;
	s17 =	smov.u32 s14;
	s15 =	sadd.s32 $0x20, s14  }
0x56: {  	[tilespmem:s26], [sflag:$0x3] =	stream.linear.gather [hbm4b:s16+s4], $0x80, $0x38;
	[tilespmem:$0x1BB80] =	vst v63  }
0x57: {  	p1 =	sne.s32 s14, $0x4A0;
	_ =	swait.ge [sflag:s23], $0x80  }
0x58: {  	[sflag:s23] =	ssyncset.done $0x0  }
0x59: {  	s14 =	sadd.s32 s13, s21;
	s13 =	smov.u32 s17;
	[sflag:s23] =	ssyncadd.s32 $0xFFFFFF80  }
0x5a: {  	[tilespmem:s28], [sflag:$0x3] =	stream.linear.gather [hbm4b:s14+s4], $0x80, $0x38;
	[tilespmem:$0x1BB80] =	vst v63  }
0x5b: {  	_ =	swait.ge [sflag:s23], $0x80  }
0x5c: {  	[sflag:s23] =	ssyncset.done $0x0  }
0x5d: {  	[sflag:s23] =	ssyncadd.s32 $0xFFFFFF80  }
0x5e: {  	[tilespmem:s29], [sflag:$0x2] =	stream.indirect.gather [hbm4b:s5+s24], $0x80, s26, s24, $0xb8;
	[tilespmem:$0x1BB80] =	vst v63  }
0x5f: {  	_ =	swait.ge [sflag:s30], $0x4000  }
0x60: {  	[sflag:s30] =	ssyncset.done $0x0  }
0x61: {  	[sflag:s30] =	ssyncadd.s32 $0xFFFFC000  }
0x62: {  	[spmem:s3] =	stream.indirect.scatter.add.f32 [tilespmem:s25], [sflag:$0x3], $0x80, s24, s24, $0xb8;
	[tilespmem:$0x1BB80] =	vst v63  }
0x63: {  	_ =	swait.ge [sflag:s23], $0x4000  }
0x64: {  	s14 =	sshrl.u32 s12, $0x3;
	[sflag:s23] =	ssyncset.done $0x0  }
0x65: {  	s16 =	sadd.s32 s6, s14;
	[sflag:s23] =	ssyncadd.s32 $0xFFFFC000  }
0x66: {  	[tilespmem:s4], [sflag:$0x3] =	stream.linear.gather [hbm4b:s16+s4], $0x80, $0x38;
	[tilespmem:$0x1BB80] =	vst v63  }
0x67: {  	_ =	swait.ge [sflag:s23], $0x80  }
0x68: {  	[sflag:s23] =	ssyncset.done $0x0  }
0x69: {  	s14 =	sadd.s32 s1, s14;
	[sflag:s23] =	ssyncadd.s32 $0xFFFFFF80  }
0x6a: {  	[tilespmem:s24], [sflag:$0x3] =	stream.linear.gather [hbm4b:s14+s4], $0x80, $0x38;
	[tilespmem:$0x1BB80] =	vst v63  }
0x6b: {  	_ =	swait.ge [sflag:s23], $0x80  }
0x6c: {  	[sflag:s23] =	ssyncset.done $0x0  }
0x6d: {  	[sflag:s23] =	ssyncadd.s32 $0xFFFFFF80  }
0x6e: {  	[tilespmem:s25], [sflag:$0x1] =	stream.indirect.gather [hbm4b:s5+s24], $0x80, s4, s24, $0xb8;
	[tilespmem:$0x1BB80] =	vst v63  }
0x6f: {  	_ =	swait.ge [sflag:s31], $0x4000  }
.Ltmp0:
0x70: {  	[sflag:s31] =	ssyncset.done $0x0;
	(pc) =	sbr.rel @p1 .LBB2_2-.Ltmp0, $4  }
0x71: {  	[sflag:s31] =	ssyncadd.s32 $0xFFFFC000  }
0x72: {  	[spmem:s3] =	stream.indirect.scatter.add.f32 [tilespmem:s29], [sflag:$0x3], $0x80, s28, s24, $0xb8;
	[tilespmem:$0x1BB80] =	vst v63  }
0x73: {  	_ =	swait.ge [sflag:s23], $0x4000  }
0x74: {  	s12 =	sadd.s32 $0x100, s12;
	s14 =	smov.u32 s15;
	[sflag:s23] =	ssyncset.done $0x0  }
0x75: {  	s14 =	sadd.s32 s13, s22;
	[sflag:s23] =	ssyncadd.s32 $0xFFFFC000  }
0x76: {  	[tilespmem:s26], [sflag:$0x3] =	stream.linear.gather [hbm4b:s14+s4], $0x80, $0x38;
	[tilespmem:$0x1BB80] =	vst v63  }
0x77: {  	_ =	swait.ge [sflag:s23], $0x80  }
0x78: {  	[sflag:s23] =	ssyncset.done $0x0  }
0x79: {  	s17 =	sadd.s32 s13, s21;
	[sflag:s23] =	ssyncadd.s32 $0xFFFFFF80  }
0x7a: {  	[tilespmem:s28], [sflag:$0x3] =	stream.linear.gather [hbm4b:s17+s4], $0x80, $0x38;
	[tilespmem:$0x1BB80] =	vst v63  }
0x7b: {  	_ =	swait.ge [sflag:s23], $0x80  }
0x7c: {  	[sflag:s23] =	ssyncset.done $0x0  }
0x7d: {  	[sflag:s23] =	ssyncadd.s32 $0xFFFFFF80  }
0x7e: {  	[tilespmem:s29], [sflag:$0x2] =	stream.indirect.gather [hbm4b:s5+s24], $0x80, s26, s24, $0xb8;
	[tilespmem:$0x1BB80] =	vst v63  }
0x7f: {  	_ =	swait.ge [sflag:s30], $0x4000  }
0x80: {  	[sflag:s30] =	ssyncset.done $0x0  }
0x81: {  	[sflag:s30] =	ssyncadd.s32 $0xFFFFC000  }
0x82: {  	[spmem:s3] =	stream.indirect.scatter.add.f32 [tilespmem:s25], [sflag:$0x3], $0x80, s24, s24, $0xb8;
	[tilespmem:$0x1BB80] =	vst v63  }
0x83: {  	_ =	swait.ge [sflag:s23], $0x4000  }
0x84: {  	s12 =	sshrl.u32 s12, $0x3;
	[sflag:s23] =	ssyncset.done $0x0  }
0x85: {  	s14 =	sadd.s32 s6, s12;
	[sflag:s23] =	ssyncadd.s32 $0xFFFFC000  }
0x86: {  	[tilespmem:s4], [sflag:$0x3] =	stream.linear.gather [hbm4b:s14+s4], $0x80, $0x38;
	[tilespmem:$0x1BB80] =	vst v63  }
0x87: {  	_ =	swait.ge [sflag:s23], $0x80  }
0x88: {  	[sflag:s23] =	ssyncset.done $0x0  }
0x89: {  	s12 =	sadd.s32 s1, s12;
	[sflag:s23] =	ssyncadd.s32 $0xFFFFFF80  }
0x8a: {  	[tilespmem:s24], [sflag:$0x3] =	stream.linear.gather [hbm4b:s12+s4], $0x80, $0x38;
	[tilespmem:$0x1BB80] =	vst v63  }
0x8b: {  	_ =	swait.ge [sflag:s23], $0x80  }
0x8c: {  	[sflag:s23] =	ssyncset.done $0x0  }
0x8d: {  	[sflag:s23] =	ssyncadd.s32 $0xFFFFFF80  }
0x8e: {  	[tilespmem:s25], [sflag:$0x1] =	stream.indirect.gather [hbm4b:s5+s24], $0x80, s4, s24, $0xb8;
	[tilespmem:$0x1BB80] =	vst v63  }
0x8f: {  	_ =	swait.ge [sflag:s31], $0x4000  }
0x90: {  	[sflag:s31] =	ssyncset.done $0x0  }
0x91: {  	[sflag:s31] =	ssyncadd.s32 $0xFFFFC000  }
0x92: {  	[spmem:s3] =	stream.indirect.scatter.add.f32 [tilespmem:s29], [sflag:$0x3], $0x80, s28, s24, $0xb8;
	[tilespmem:$0x1BB80] =	vst v63  }
0x93: {  	_ =	swait.ge [sflag:s23], $0x4000  }
0x94: {  	[sflag:s23] =	ssyncset.done $0x0  }
0x95: {  	[sflag:s23] =	ssyncadd.s32 $0xFFFFC000  }
0x96: {  	[tilespmem:s26], [sflag:$0x3] =	stream.linear.gather [hbm4b:s18+s4], $0x80, $0x38;
	[tilespmem:$0x1BB80] =	vst v63  }
0x97: {  	_ =	swait.ge [sflag:s23], $0x80  }
0x98: {  	[sflag:s23] =	ssyncset.done $0x0  }
0x99: {  	[sflag:s23] =	ssyncadd.s32 $0xFFFFFF80  }
0x9a: {  	[tilespmem:s28], [sflag:$0x3] =	stream.linear.gather [hbm4b:s19+s4], $0x80, $0x38;
	[tilespmem:$0x1BB80] =	vst v63  }
0x9b: {  	_ =	swait.ge [sflag:s23], $0x80  }
0x9c: {  	[sflag:s23] =	ssyncset.done $0x0  }
0x9d: {  	[sflag:s23] =	ssyncadd.s32 $0xFFFFFF80  }
0x9e: {  	[tilespmem:s29], [sflag:$0x2] =	stream.indirect.gather [hbm4b:s5+s24], $0x80, s26, s24, $0xb8;
	[tilespmem:$0x1BB80] =	vst v63  }
0x9f: {  	_ =	swait.ge [sflag:s30], $0x4000  }
0xa0: {  	[sflag:s30] =	ssyncset.done $0x0  }
0xa1: {  	[sflag:s30] =	ssyncadd.s32 $0xFFFFC000  }
0xa2: {  	[spmem:s3] =	stream.indirect.scatter.add.f32 [tilespmem:s25], [sflag:$0x3], $0x80, s24, s24, $0xb8;
	[tilespmem:$0x1BB80] =	vst v63  }
0xa3: {  	_ =	swait.ge [sflag:s23], $0x4000  }
0xa4: {  	[sflag:s23] =	ssyncset.done $0x0  }
0xa5: {  	[sflag:s23] =	ssyncadd.s32 $0xFFFFC000  }
0xa6: {  	_ =	swait.ge [sflag:s31], $0x4000  }
0xa7: {  	[sflag:s31] =	ssyncset.done $0x0  }
0xa8: {  	[sflag:s31] =	ssyncadd.s32 $0xFFFFC000  }
0xa9: {  	[spmem:s3] =	stream.indirect.scatter.add.f32 [tilespmem:s29], [sflag:$0x3], $0x80, s28, s24, $0xb8;
	[tilespmem:$0x1BB80] =	vst v63  }
0xaa: {  	_ =	swait.ge [sflag:s23], $0x4000  }
0xab: {  	[sflag:s23] =	ssyncset.done $0x0  }
0xac: {  	s15 =	rddreg [dreg:$0xa];
	[sflag:s23] =	ssyncadd.s32 $0xFFFFC000  }
0xad: {  	[tilespmem:s0], [sflag:$0x3] =	stream.linear.gather [hbm4b:s15+s4], $0x10, $0x38;
	[tilespmem:$0x1BB80] =	vst v63  }
0xae: {  	_ =	swait.ge [sflag:s23], $0x10  }
0xaf: {  	[sflag:s23] =	ssyncset.done $0x0  }
0xb0: {  	[sflag:s23] =	ssyncadd.s32 $0xFFFFFFF0  }
0xb1: {  	[tilespmem:s25], [sflag:$0x3] =	stream.indirect.gather [hbm4b:s5+s2], $0x80, s0, s2, $0xb8;
	[tilespmem:$0x1BB80] =	vst v63  }
0xb2: {  	_ =	swait.ge [sflag:s23], $0x800  }
0xb3: {  	[sflag:s23] =	ssyncset.done $0x0  }
0xb4: {  	s16 =	rddreg [dreg:$0xb];
	[sflag:s23] =	ssyncadd.s32 $0xFFFFF800  }
0xb5: {  	[tilespmem:s7], [sflag:$0x3] =	stream.linear.gather [hbm4b:s16+s4], $0x10, $0x38;
	[tilespmem:$0x1BB80] =	vst v63  }
0xb6: {  	_ =	swait.ge [sflag:s23], $0x10  }
0xb7: {  	[sflag:s23] =	ssyncset.done $0x0  }
0xb8: {  	[sflag:s23] =	ssyncadd.s32 $0xFFFFFFF0  }
0xb9: {  	[spmem:s3] =	stream.indirect.scatter.add.f32 [tilespmem:s25], [sflag:$0x3], $0x80, s7, s2, $0xb8;
	[tilespmem:$0x1BB80] =	vst v63  }
0xba: {  	_ =	swait.ge [sflag:s23], $0x800  }
0xbb: {  	[sflag:s23] =	ssyncset.done $0x0  }
0xbc: {  	[sflag:s23] =	ssyncadd.s32 $0xFFFFF800  }
0xbd: {  	[bflag:$0x0] =	sbarrier.arrive $0xFFFF  }
0xbe: {  	s12 =	simm.s32 @p0 $0x1FC3;
	s13 =	rddreg [dreg:$0xd]  }
0xbf: {  	[hbm:s13], [sflag:s12] =	dma.local @p0 [spmem:s9], $0x2800  }
0xc0: {  	s9 =	simm.s32 @p0 $0x3  }
0xc1: {  	_ =	swait.ge @p0 [sflag:s9], $0x2800  }
0xc2: {  	[sflag:s9] =	ssyncset.done @p0 $0x0  }
0xc3: {  	[sflag:s9] =	ssyncadd.s32 @p0 $0xFFFFD800;
	s9 =	rddreg [dreg:$0xc]  }
0xc4: {  	[hbm:s9], [sflag:s10] =	dma.local @!p0 [spmem:s11], $0x2700  }
0xc5: {  	s9 =	simm.s32 @!p0 $0x3  }
0xc6: {  	_ =	swait.ge @!p0 [sflag:s9], $0x2700  }
0xc7: {  	s8 =	sadd.s32 $0x1, s8;
	s17 =	rddreg [dreg:$0xe]  }
0xc8: {  	p1 =	sne.s32 s8, s17  }
.Ltmp1:
0xc9: {  	_ = 	snop;
	(pc) =	sbr.rel @p1 .LBB2_1-.Ltmp1, $3  }
0xca: {  	_ =	sdelay $0x1  }
0xcb: {  	[sflag:s9] =	ssyncset.done @!p0 $0x0  }
0xcc: {  	[sflag:s9] =	ssyncadd.s32 @!p0 $0xFFFFD900  }
0xcd: {  	_ =	sfence.sel $0x180000  }
0xce: {  	[bflag:$0x0] =	sbarrier.arrive $0xFFFF  }
0xcf: {  	_ =	strace $0x9000004D  }
0xd0: {  	s0 =	stileid.u32;
	[bflag:$0x2] =	sbarrier.arrive $0xFFFF  }
0xd1: {  	p0 =	sne.s32 s0, $0x0;
	s0 =	rddreg [dreg:$0x3]  }
0xd2: {  	s0 =	sadd.s32 @!p0 $0x100000, s0  }
0xd3: {  	[sflag:s0] =	ssyncadd.tile.s32 @!p0 $0x1;
	_ =	shalt  }
.Lfunc_end2:
_tile_overlayer_lowered:
.L_overlay_start_2:
0xd4: {  	(tag) =	ssettag $0x2  }
0xd5: {  	s0 =	rddreg [dreg:$0x0];
	s2 =	stileid.u32  }
0xd6: {  	s1 =	rddreg [dreg:$0x1];
	p0 =	sne.s32 s2, $0x0  }
0xd7: {  	s3 =	rddreg [dreg:$0x2];
	[bflag:$0x3] =	sbarrier.arrive $0xFFFF;
	s2 =	simm.s32 @!p0 $0x1C03  }
0xd8: {  	[timem:s3], [sflag:s2] =	dma.local @!p0 [hbm:s0], s1  }
0xd9: {  	s0 =	simm.s32 @!p0 $0x3  }
0xda: {  	_ =	swait.ge @!p0 [sflag:s0], s1  }
0xdb: {  	s1 =	ssub.s32 @!p0 $0x0, s1;
	[sflag:s0] =	ssyncset.done @!p0 $0x0  }
0xdc: {  	[sflag:s0] =	ssyncadd.s32 @!p0 s1  }
0xdd: {  	[bflag:$0x3] =	sbarrier.arrive $0xFFFF  }
0xde: {  	_ =	shalt  }

// kernel: kernel.20.cloned.1.call-start
scs
__scs_entry_jumppad:
0x0: {  	(pc) =	sbr.rel $0x88, $3  }
0x1: {  	(tag) =	ssettag $0x0;
	lr =	simm.s32 $0x1  }
0x2: {  	[smem:$0x3F99] =	sst lr;
	_ =	strace $0xD0000000  }
0x3: {  	_ = 	snop  }
0x4: {  	_ = 	snop  }
0x5: {  	_ = 	snop  }
0x6: {  	_ = 	snop  }
0x7: {  	_ = 	snop  }
__scs_overlays_trampoline_lowered:
0x8: {  	[smem:$0x3FA8] =	sst s0  }
0x9: {  	[smem:$0x3FA9] =	sst s1  }
0xa: {  	[smem:$0x3FAA] =	sst s2  }
0xb: {  	[smem:$0x3FAB] =	sst s3  }
0xc: {  	[smem:$0x3FAC] =	sst s4  }
0xd: {  	[smem:$0x3FAD] =	sst s5  }
0xe: {  	[smem:$0x3FAE] =	sst s6  }
0xf: {  	[smem:$0x3FAF] =	sst s7  }
0x10: {  	[smem:$0x3FB0] =	sst s8  }
0x11: {  	[smem:$0x3FB1] =	sst s9;
	s0 =	simm.s32 @!p0 $0x0  }
0x12: {  	s1 =	sld [smem:$0x3F97];
	s0 =	simm.s32 @p0 $0x1  }
0x13: {  	[smem:$0x3FB2] =	sst s0;
	s0 =	simm.s32 @!p1 $0x0  }
0x14: {  	s2 =	sld [smem:$0x3F96];
	s0 =	simm.s32 @p1 $0x1  }
0x15: {  	[smem:$0x3FB3] =	sst s0;
	s0 =	simm.s32 @!p2 $0x0  }
0x16: {  	s3 =	sld [smem:$0x3FDB];
	s0 =	simm.s32 @p2 $0x1  }
0x17: {  	s4 =	simm.s32 $0x1BF5;
	[smem:$0x3FB5] =	sst s0  }
0x18: {  	s0 =	sld [smem:$0x3F98];
	_ =	swait.ge [sflag:s4], $0x0  }
0x19: {  	s7 =	sld [smem:$0x3F99]  }
0x1a: {  	s8 =	sadd.s32 $0xFFFFE003, lr  }
0x1b: {  	s9 =	sadd.s32 $0xFFFFFEF7, lr;
	s5 =	simm.s32 $0xFFFFFFFF;
	p2 =	slt.u32 s8, $0xFFFFF086  }
0x1c: {  	p1 =	slt.u32 s9, $0xF7A;
	s5 =	simm.s32 @!p2 $0x0  }
0x1d: {  	s5 =	simm.s32 @p1 $0x1;
	p0 =	seq.s32 s7, s2  }
0x1e: {  	s7 =	smul.u32 @!p0 $0xF7A, s2;
	p2 =	seq.s32 @!p0 s5, $0x0  }
0x1f: {  	s9 =	smul.u32 $0xF7A, s1;
	s8 =	simm.s32 @!p0 $0x1BF5;
	p2 =	por !p2, p0  }
0x20: {  	[sflag:s8] =	ssyncset.s32 @!p0 $0xFFFFF086;
	s6 =	sadd.s32 @!p0 s3, s7;
	s7 =	simm.s32 @!p0 $0x108  }
0x21: {  	s3 =	sadd.s32 s3, s9;
	s6 =	sadd.s32 @!p0 $0x88, s6;
	s7 =	simm.s32 @p2 $0x1082  }
0x22: {  	[simem:s7], [sflag:s8] =	dma.local @!p0 [hbm:s6], $0xF7A  }
0x23: {  	s9 =	sor.u32 $0xD0000000, s2;
	s6 =	simm.s32 $0x108;
	_ =	swait.ge @!p0 [sflag:s8], $0x0  }
0x24: {  	s3 =	sadd.s32 $0x88, s3;
	s6 =	simm.s32 @!p1 $0x1082;
	[sflag:s4] =	ssyncset.s32 $0xFFFFF086  }
0x25: {  	[simem:s6], [sflag:s4] =	dma.local [hbm:s3], $0xF7A  }
0x26: {  	[smem:$0x3F99] =	sst s1;
	(tag) =	ssettag s2;
	_ =	strace s9  }
0x27: {  	s1 =	sld [smem:$0x3FA9]  }
0x28: {  	s2 =	sld [smem:$0x3FAA]  }
0x29: {  	s4 =	sld [smem:$0x3FAC]  }
0x2a: {  	p0 =	seq.s32 s5, $0x0;
	s5 =	sld [smem:$0x3FAD]  }
0x2b: {  	s6 =	sld [smem:$0x3FAE]  }
0x2c: {  	s7 =	sld [smem:$0x3FAF]  }
0x2d: {  	s3 =	simm.s32 $0x108;
	s8 =	sld [smem:$0x3FB0]  }
0x2e: {  	s3 =	simm.s32 @!p0 $0x1082;
	s9 =	sld [smem:$0x3FB1]  }
0x2f: {  	lr =	sadd.s32 s0, s3;
	s0 =	sld [smem:$0x3FA8]  }
0x30: {  	s3 =	sld [smem:$0x3FAB]  }
0x31: {  	[smem:$0x3FB4] =	sst s10  }
0x32: {  	s10 =	sld [smem:$0x3FB2];
	_ =	sdelay $0x3  }
0x33: {  	p0 =	seq.s32 s10, $0x1;
	s10 =	sld [smem:$0x3FB4];
	_ =	sdelay $0x3  }
0x34: {  	[smem:$0x3FB4] =	sst s10  }
0x35: {  	s10 =	sld [smem:$0x3FB3];
	_ =	sdelay $0x3  }
0x36: {  	p1 =	seq.s32 s10, $0x1;
	s10 =	sld [smem:$0x3FB4];
	_ =	sdelay $0x3  }
0x37: {  	[smem:$0x3FB4] =	sst s10  }
0x38: {  	s10 =	sld [smem:$0x3FB5]  }
0x39: {  	_ = 	snop;
	(pc) =	sbr.ind lr, $3  }
0x3a: {  	_ = 	snop  }
0x3b: {  	_ = 	snop  }
0x3c: {  	p2 =	seq.s32 s10, $0x1;
	s10 =	sld [smem:$0x3FB4]  }
0x3d: {  	_ =	shalt  }
0x3e: {  	_ =	shalt  }
0x3f: {  	_ =	shalt  }
0x40: {  	_ =	shalt  }
0x41: {  	_ =	shalt  }
0x42: {  	_ =	shalt  }
0x43: {  	_ =	shalt  }
0x44: {  	_ =	shalt  }
0x45: {  	_ =	shalt  }
0x46: {  	_ =	shalt  }
0x47: {  	_ =	shalt  }
0x48: {  	_ =	shalt  }
0x49: {  	_ =	shalt  }
0x4a: {  	_ =	shalt  }
0x4b: {  	_ =	shalt  }
0x4c: {  	_ =	shalt  }
0x4d: {  	_ =	shalt  }
0x4e: {  	_ =	shalt  }
0x4f: {  	_ =	shalt  }
0x50: {  	_ =	shalt  }
0x51: {  	_ =	shalt  }
0x52: {  	_ =	shalt  }
0x53: {  	_ =	shalt  }
0x54: {  	_ =	shalt  }
0x55: {  	_ =	shalt  }
0x56: {  	_ =	shalt  }
0x57: {  	_ =	shalt  }
0x58: {  	_ =	shalt  }
0x59: {  	_ =	shalt  }
0x5a: {  	_ =	shalt  }
0x5b: {  	_ =	shalt  }
0x5c: {  	_ =	shalt  }
0x5d: {  	_ =	shalt  }
0x5e: {  	_ =	shalt  }
0x5f: {  	_ =	shalt  }
0x60: {  	_ =	shalt  }
0x61: {  	_ =	shalt  }
0x62: {  	_ =	shalt  }
0x63: {  	_ =	shalt  }
0x64: {  	_ =	shalt  }
0x65: {  	_ =	shalt  }
0x66: {  	_ =	shalt  }
0x67: {  	_ =	shalt  }
0x68: {  	_ =	shalt  }
0x69: {  	_ =	shalt  }
0x6a: {  	_ =	shalt  }
0x6b: {  	_ =	shalt  }
0x6c: {  	_ =	shalt  }
0x6d: {  	_ =	shalt  }
0x6e: {  	_ =	shalt  }
0x6f: {  	_ =	shalt  }
0x70: {  	_ =	shalt  }
0x71: {  	_ =	shalt  }
0x72: {  	_ =	shalt  }
0x73: {  	_ =	shalt  }
0x74: {  	_ =	shalt  }
0x75: {  	_ =	shalt  }
0x76: {  	_ =	shalt  }
0x77: {  	_ =	shalt  }
0x78: {  	_ =	shalt  }
0x79: {  	_ =	shalt  }
0x7a: {  	_ =	shalt  }
0x7b: {  	_ =	shalt  }
0x7c: {  	_ =	shalt  }
0x7d: {  	_ =	shalt  }
0x7e: {  	_ =	shalt  }
0x7f: {  	_ =	shalt  }
0x80: {  	_ =	shalt  }
0x81: {  	_ =	shalt  }
0x82: {  	_ =	shalt  }
0x83: {  	_ =	shalt  }
0x84: {  	_ =	shalt  }
0x85: {  	_ =	shalt  }
0x86: {  	_ =	shalt  }
0x87: {  	_ =	shalt  }
.Lfunc_end0:
.L_simem_size_0:
called_computation.3_lowered:
.L_overlay_start_0:
0x88: {  	s2 =	sld [smem:$0x3FD9]  }
0x89: {  	s3 =	sld [smem:$0x3FFE];
	_ =	sdelay $0x1  }
0x8a: {  	s1 =	srdreg.scid  }
0x8b: {  	s0 =	sand.u32 $0x1, s1  }
0x8c: {  	s17 =	sshll.u32 s0, $0xA;
	s2 =	sadd.s32 s3, s2  }
0x8d: {  	s2 =	sadd.s32 s2, s17  }
0x8e: {  	[smem:$0x3FC0] =	sst s2  }
0x8f: {  	_ = 	snop  }
0x90: {  	s2 =	sld [smem:$0x3FD0];
	(tm) =	ssettm $0x1  }
0x91: {  	s18 =	sld [smem:$0x3FFB];
	_ =	sdelay $0x3  }
0x92: {  	_ =	strace s18  }
0x93: {  	s3 =	sld [smem:$0x3FFC];
	_ =	sdelay $0x3  }
0x94: {  	_ =	strace s3  }
0x95: {  	s3 =	sld [smem:$0x3FFD];
	_ =	sdelay $0x3  }
0x96: {  	_ =	strace s3  }
0x97: {  	_ =	strace $0x8FFFFFFF  }
0x98: {  	s19 =	sld [smem:$0x3FDB];
	_ =	sdelay $0x1  }
0x99: {  	s4 =	simm.s32 $_scs_section_size  }
0x9a: {  	s5 =	simm.s32 $_size__tile_overlayer_lowered;
	s6 =	simm.s32 $_tile_overlayer_lowered  }
0x9b: {  	s22 =	simm.s32 $0x1BFF;
	s21 =	sshll.u32 s6, $0x1;
	s3 =	sadd.s32 s4, s19  }
0x9c: {  	s7 =	simm.s32 $0x0;
	s20 =	sshll.u32 s5, $0x1;
	s5 =	sadd.s32 s21, s3  }
0x9d: {  	[timem:s7], [sflag:s22] =	dma.local [hbm:s5], s20  }
0x9e: {  	_ =	swait.ge [sflag:s22], s20  }
0x9f: {  	s4 =	ssub.s32 $0x0, s20;
	[sflag:s22] =	ssyncset.done $0x0  }
0xa0: {  	[sflag:s22] =	ssyncadd.s32 s4;
	_ =	sdelay $0x1  }
0xa1: {  	s23 =	simm.s32 $0x1B8B  }
0xa2: {  	_ =	swait.ge [sflag:s23], $0x1  }
0xa3: {  	[sflag:s23] =	ssyncset.done $0x0  }
0xa4: {  	s25 =	simm.s32 $0x1B8E;
	s24 =	sld [smem:$0x3FFE];
	[sflag:s23] =	ssyncadd.s32 $0xFFFFFFFF  }
0xa5: {  	s26 =	simm.s32 $execute0_lowered;
	[smem:$0x3FD2] =	sst s25  }
0xa6: {  	s5 =	sshll.u32 s26, $0x1;
	_ =	strace $0x8000004F;
	[dreg:$0x1] =	wrdreg $0xFFFFFFFF  }
0xa7: {  	s28 =	simm.s32 $_size_execute0_lowered;
	s3 =	sadd.s32 s3, s5;
	[dreg:$0x0] =	wrdreg $0x0  }
0xa8: {  	s5 =	sshll.u32 s28, $0x1;
	[dreg:$0x2] =	wrdreg s3  }
0xa9: {  	[dreg:$0x3] =	wrdreg s5  }
0xaa: {  	[dreg:$0x4] =	wrdreg $0xC0  }
0xab: {  	_ =	task [dreg:s7], $0x5FFFF  }
0xac: {  	[dreg:$0x1] =	wrdreg $0xFFFFFFFF  }
0xad: {  	[dreg:$0x0] =	wrdreg $0x60  }
0xae: {  	[dreg:$0x2] =	wrdreg s24  }
0xaf: {  	[dreg:$0x3] =	wrdreg s2  }
0xb0: {  	[dreg:$0x4] =	wrdreg $0x83000  }
0xb1: {  	[dreg:$0x5] =	wrdreg $0x9  }
0xb2: {  	_ =	task.clear_ibuf [dreg:s7], $0x6FFFF;
	_ =	strace $0x9000004F  }
0xb3: {  	s29 =	simm.s32 $0x9;
	_ =	strace $0x80000051  }
0xb4: {  	_ =	swait.ge [sflag:s29], $0x1  }
0xb5: {  	[sflag:s29] =	ssyncadd.s32 $0xFFFFFFFF  }
0xb6: {  	_ =	strace $0x90000051  }
0xb7: {  	_ =	sfence  }
0xb8: {  	s30 =	sld [smem:$0x0];
	_ =	sdelay $0x2  }
0xb9: {  	s31 =	sshll.u32 s1, $0xD;
	s1 =	sshrl.u32 s1, $0x2  }
0xba: {  	s3 =	sand.u32 $0x4000, s31;
	s1 =	sadd.s32 s1, s30  }
0xbb: {  	s0 =	sor.u32 s3, s0;
	s1 =	sshll.u32 s1, $0x11  }
0xbc: {  	s0 =	sor.u32 s1, s0  }
0xbd: {  	s0 =	sadd.s32 $0x8F2B, s0  }
0xbe: {  	[sflag:s0] =	ssyncadd.remote.s32 $0x1  }
0xbf: {  	_ =	sfence.sel $0xFFFF  }
0xc0: {  	[dreg:$0x0] =	wrdreg $0xFFFFFFFF;
	(pc) =	sbr.abs _section_cstart, $3  }
0xc1: {  	[dreg:$0x1] =	wrdreg $0xFFFFFFFF  }
0xc2: {  	_ =	task.clear_ibuf [dreg:s7], $0x2FFFF;
	_ =	strace $0x9FFFFFFF  }
0xc3: {  	(tm) =	ssettm $0x7FFFFFFF  }
tec
execute0_lowered:
.L_overlay_start_1:
0x0: {  	(tag) =	ssettag $0x1  }
0x1: {  	s0 =	rddreg [dreg:$0x0]  }
0x2: {  	s1 =	rddreg [dreg:$0x1]  }
0x3: {  	s3 =	rddreg [dreg:$0x2];
	s4 =	simm.s32 $0x0  }
0x4: {  	s13 =	stileid.u32;
	s6 =	srdreg.scid;
	s28 =	simm.s32 $0x180  }
0x5: {  	s29 =	simm.s32 $0x4300;
	s30 =	simm.s32 $0x1;
	s2 =	smul.u32 $0x2700, s13  }
0x6: {  	[smem:$0x7FF] =	sst s4;
	s5 =	sadd.s32 $0xC000, s0;
	s11 =	smul.u32 $0x4E000, s13  }
0x7: {  	s7 =	sand.u32 $0x1, s6;
	s6 =	sadd.s32 $0x2200, s0;
	s16 =	smul.u32 $0x13800, s13  }
0x8: {  	s12 =	sadd.s32 $0x5A400, s0;
	s21 =	smul.u32 $0x2710, s13;
	p0 =	seq.s32 s13, $0xF  }
0x9: {  	s31 =	simm.s32 $0x2;
	_ =	strace $0x80000050;
	s14 =	smul.u32 $0x138800, s7  }
0xa: {  	s8 =	ssub.s32 $0x2, s7;
	s10 =	sshll.u32 s7, $0x4;
	s7 =	smul.u32 $0x27100, s7  }
0xb: {  	s2 =	sadd.s32 s2, s0;
	s9 =	sshrl.u32 s8, $0x1;
	s24 =	sor.u32 s13, s10  }
0xc: {  	s25 =	sshrl.u32 s11, $0x2;
	s11 =	sadd.s32 $0x124800, s3;
	s0 =	sadd.s32 $0x57B00, s0  }
0xd: {  	s8 =	ssub.s32 s8, s9;
	s2 =	sadd.s32 $0x33200, s2;
	[dreg:$0x6] =	wrdreg s11  }
0xe: {  	s26 =	smul.u32 $0x2710, s24;
	s10 =	sadd.s32 s25, s3;
	[dreg:$0x7] =	wrdreg s0  }
0xf: {  	s9 =	sshrl.u32 s14, $0x3;
	s23 =	sadd.s32 s21, s7;
	[dreg:$0x4] =	wrdreg s2  }
0x10: {  	s7 =	simm.s32 $0x280;
	[dreg:$0x5] =	wrdreg s10;
	s2 =	sadd.s32 s16, s14  }
0x11: {  	s22 =	sadd.s32 s12, s9;
	s24 =	smax.u32 s8, $0x1;
	s25 =	sadd.s32 $0x80, s23  }
0x12: {  	s8 =	simm.s32 $0x0;
	s15 =	sshrl.u32 s26, $0x3;
	s2 =	sshrl.u32 s2, $0x3  }
0x13: {  	[dreg:$0xe] =	wrdreg s24;
	s26 =	sshrl.u32 s25, $0x3;
	s24 =	simm.s32 $0x80  }
0x14: {  	s25 =	simm.s32 $0x300;
	s17 =	sadd.s32 s6, s15;
	s18 =	sadd.s32 s1, s15  }
0x15: {  	s19 =	sadd.s32 $0x4E0, s15;
	s2 =	sadd.s32 s12, s2;
	[dreg:$0x8] =	wrdreg s17  }
0x16: {  	s0 =	sadd.s32 $0x4D0, s15;
	s21 =	sadd.s32 s26, s1;
	[dreg:$0x9] =	wrdreg s18  }
0x17: {  	s20 =	sadd.s32 s6, s19;
	s10 =	sadd.s32 s1, s19;
	[dreg:$0xc] =	wrdreg s2  }
0x18: {  	s2 =	sadd.s32 $0x24900, s22;
	s18 =	sadd.s32 s6, s0;
	[dreg:$0xa] =	wrdreg s20  }
0x19: {  	s19 =	sadd.s32 s1, s0;
	s22 =	sadd.s32 s26, s6;
	[dreg:$0xb] =	wrdreg s10  }
0x1a: {  	s26 =	simm.s32 $0x100;
	s0 =	simm.s32 $0x200;
	[dreg:$0xd] =	wrdreg s2  }
0x1b: {  	s20 =	sadd.s32 $0x100, s23;
	s23 =	simm.s32 $0x3;
	s2 =	simm.s32 $0x10  }
.LBB2_1:
0x1c: {  	s9 =	rddreg [dreg:$0x6]  }
0x1d: {  	s10 =	simm.s32 @p0 $0x1FC3;
	s11 =	rddreg [dreg:$0x7];
	s9 =	sshrl.u32 @p0 s9, $0x3  }
0x1e: {  	[spmem:s9], [sflag:s10] =	dma.local @p0 [hbm:s11], $0x2800  }
0x1f: {  	s10 =	simm.s32 @p0 $0x3  }
0x20: {  	s11 =	stileid.u32;
	_ =	swait.ge @p0 [sflag:s10], $0x2800  }
0x21: {  	s11 =	sshll.u32 @!p0 s11, $0x6;
	[sflag:s10] =	ssyncset.done @p0 $0x0  }
0x22: {  	[sflag:s10] =	ssyncadd.s32 @p0 $0xFFFFD800;
	s10 =	sor.u32 @!p0 $0x1C03, s11;
	s11 =	rddreg [dreg:$0x5]  }
0x23: {  	s12 =	rddreg [dreg:$0x4];
	s11 =	sshrl.u32 @!p0 s11, $0x3  }
0x24: {  	[spmem:s11], [sflag:s10] =	dma.local @!p0 [hbm:s12], $0x2700  }
0x25: {  	s12 =	simm.s32 @!p0 $0x3  }
0x26: {  	_ =	swait.ge @!p0 [sflag:s12], $0x2700  }
0x27: {  	[sflag:s12] =	ssyncset.done @!p0 $0x0  }
0x28: {  	[sflag:s12] =	ssyncadd.s32 @!p0 $0xFFFFD900  }
0x29: {  	[bflag:$0x0] =	sbarrier.arrive $0xFFFF  }
0x2a: {  	s13 =	rddreg [dreg:$0x8]  }
0x2b: {  	[tilespmem:s4], [sflag:$0x3] =	stream.linear.gather [hbm4b:s13+s4], $0x80, $0x38;
	[tilespmem:$0x1BB80] =	vst v63  }
0x2c: {  	_ =	swait.ge [sflag:s23], $0x80  }
0x2d: {  	[sflag:s23] =	ssyncset.done $0x0  }
0x2e: {  	s14 =	rddreg [dreg:$0x9];
	[sflag:s23] =	ssyncadd.s32 $0xFFFFFF80  }
0x2f: {  	[tilespmem:s24], [sflag:$0x3] =	stream.linear.gather [hbm4b:s14+s4], $0x80, $0x38;
	[tilespmem:$0x1BB80] =	vst v63  }
0x30: {  	_ =	swait.ge [sflag:s23], $0x80  }
0x31: {  	[sflag:s23] =	ssyncset.done $0x0  }
0x32: {  	[sflag:s23] =	ssyncadd.s32 $0xFFFFFF80  }
0x33: {  	[tilespmem:s25], [sflag:$0x1] =	stream.indirect.gather [hbm4b:s5+s24], $0x80, s4, s24, $0xb8;
	[tilespmem:$0x1BB80] =	vst v63  }
0x34: {  	s15 =	sadd.s32 $0x0, s22  }
0x35: {  	[tilespmem:s26], [sflag:$0x3] =	stream.linear.gather [hbm4b:s15+s4], $0x80, $0x38;
	[tilespmem:$0x1BB80] =	vst v63  }
0x36: {  	_ =	swait.ge [sflag:s23], $0x80  }
0x37: {  	[sflag:s23] =	ssyncset.done $0x0  }
0x38: {  	s16 =	sadd.s32 $0x0, s21;
	[sflag:s23] =	ssyncadd.s32 $0xFFFFFF80  }
0x39: {  	[tilespmem:s28], [sflag:$0x3] =	stream.linear.gather [hbm4b:s16+s4], $0x80, $0x38;
	[tilespmem:$0x1BB80] =	vst v63  }
0x3a: {  	_ =	swait.ge [sflag:s23], $0x80  }
0x3b: {  	[sflag:s23] =	ssyncset.done $0x0  }
0x3c: {  	[sflag:s23] =	ssyncadd.s32 $0xFFFFFF80  }
0x3d: {  	[tilespmem:s29], [sflag:$0x2] =	stream.indirect.gather [hbm4b:s5+s24], $0x80, s26, s24, $0xb8;
	[tilespmem:$0x1BB80] =	vst v63  }
0x3e: {  	_ =	swait.ge [sflag:s30], $0x4000  }
0x3f: {  	[sflag:s30] =	ssyncset.done $0x0  }
0x40: {  	[sflag:s30] =	ssyncadd.s32 $0xFFFFC000  }
0x41: {  	[spmem:s3] =	stream.indirect.scatter.add.f32 [tilespmem:s25], [sflag:$0x3], $0x80, s24, s24, $0xb8;
	[tilespmem:$0x1BB80] =	vst v63  }
0x42: {  	_ =	swait.ge [sflag:s23], $0x4000  }
0x43: {  	s17 =	sshrl.u32 s20, $0x3;
	[sflag:s23] =	ssyncset.done $0x0  }
0x44: {  	s13 =	sadd.s32 s6, s17;
	[sflag:s23] =	ssyncadd.s32 $0xFFFFC000  }
0x45: {  	[tilespmem:s4], [sflag:$0x3] =	stream.linear.gather [hbm4b:s13+s4], $0x80, $0x38;
	[tilespmem:$0x1BB80] =	vst v63  }
0x46: {  	_ =	swait.ge [sflag:s23], $0x80  }
0x47: {  	[sflag:s23] =	ssyncset.done $0x0  }
0x48: {  	s12 =	sadd.s32 s1, s17;
	[sflag:s23] =	ssyncadd.s32 $0xFFFFFF80  }
0x49: {  	[tilespmem:s24], [sflag:$0x3] =	stream.linear.gather [hbm4b:s12+s4], $0x80, $0x38;
	[tilespmem:$0x1BB80] =	vst v63  }
0x4a: {  	_ =	swait.ge [sflag:s23], $0x80  }
0x4b: {  	[sflag:s23] =	ssyncset.done $0x0  }
0x4c: {  	[sflag:s23] =	ssyncadd.s32 $0xFFFFFF80  }
0x4d: {  	[tilespmem:s25], [sflag:$0x1] =	stream.indirect.gather [hbm4b:s5+s24], $0x80, s4, s24, $0xb8;
	[tilespmem:$0x1BB80] =	vst v63  }
0x4e: {  	_ =	swait.ge [sflag:s31], $0x4000  }
0x4f: {  	[sflag:s31] =	ssyncset.done $0x0  }
0x50: {  	[sflag:s31] =	ssyncadd.s32 $0xFFFFC000  }
0x51: {  	[spmem:s3] =	stream.indirect.scatter.add.f32 [tilespmem:s29], [sflag:$0x3], $0x80, s28, s24, $0xb8;
	[tilespmem:$0x1BB80] =	vst v63  }
0x52: {  	s14 =	simm.s32 $0x40;
	_ =	swait.ge [sflag:s23], $0x4000  }
0x53: {  	s13 =	simm.s32 $0x20;
	s12 =	sadd.s32 $0x100, s20;
	[sflag:s23] =	ssyncset.done $0x0  }
.LBB2_2:
0x54: {  	s16 =	sadd.s32 s13, s22  }
0x55: {  	[sflag:s23] =	ssyncadd.s32 $0xFFFFC000;
	s17 =	smov.u32 s14;
	s15 =	sadd.s32 $0x20, s14  }
0x56: {  	[tilespmem:s26], [sflag:$0x3] =	stream.linear.gather [hbm4b:s16+s4], $0x80, $0x38;
	[tilespmem:$0x1BB80] =	vst v63  }
0x57: {  	p1 =	sne.s32 s14, $0x4A0;
	_ =	swait.ge [sflag:s23], $0x80  }
0x58: {  	[sflag:s23] =	ssyncset.done $0x0  }
0x59: {  	s14 =	sadd.s32 s13, s21;
	s13 =	smov.u32 s17;
	[sflag:s23] =	ssyncadd.s32 $0xFFFFFF80  }
0x5a: {  	[tilespmem:s28], [sflag:$0x3] =	stream.linear.gather [hbm4b:s14+s4], $0x80, $0x38;
	[tilespmem:$0x1BB80] =	vst v63  }
0x5b: {  	_ =	swait.ge [sflag:s23], $0x80  }
0x5c: {  	[sflag:s23] =	ssyncset.done $0x0  }
0x5d: {  	[sflag:s23] =	ssyncadd.s32 $0xFFFFFF80  }
0x5e: {  	[tilespmem:s29], [sflag:$0x2] =	stream.indirect.gather [hbm4b:s5+s24], $0x80, s26, s24, $0xb8;
	[tilespmem:$0x1BB80] =	vst v63  }
0x5f: {  	_ =	swait.ge [sflag:s30], $0x4000  }
0x60: {  	[sflag:s30] =	ssyncset.done $0x0  }
0x61: {  	[sflag:s30] =	ssyncadd.s32 $0xFFFFC000  }
0x62: {  	[spmem:s3] =	stream.indirect.scatter.add.f32 [tilespmem:s25], [sflag:$0x3], $0x80, s24, s24, $0xb8;
	[tilespmem:$0x1BB80] =	vst v63  }
0x63: {  	_ =	swait.ge [sflag:s23], $0x4000  }
0x64: {  	s14 =	sshrl.u32 s12, $0x3;
	[sflag:s23] =	ssyncset.done $0x0  }
0x65: {  	s16 =	sadd.s32 s6, s14;
	[sflag:s23] =	ssyncadd.s32 $0xFFFFC000  }
0x66: {  	[tilespmem:s4], [sflag:$0x3] =	stream.linear.gather [hbm4b:s16+s4], $0x80, $0x38;
	[tilespmem:$0x1BB80] =	vst v63  }
0x67: {  	_ =	swait.ge [sflag:s23], $0x80  }
0x68: {  	[sflag:s23] =	ssyncset.done $0x0  }
0x69: {  	s14 =	sadd.s32 s1, s14;
	[sflag:s23] =	ssyncadd.s32 $0xFFFFFF80  }
0x6a: {  	[tilespmem:s24], [sflag:$0x3] =	stream.linear.gather [hbm4b:s14+s4], $0x80, $0x38;
	[tilespmem:$0x1BB80] =	vst v63  }
0x6b: {  	_ =	swait.ge [sflag:s23], $0x80  }
0x6c: {  	[sflag:s23] =	ssyncset.done $0x0  }
0x6d: {  	[sflag:s23] =	ssyncadd.s32 $0xFFFFFF80  }
0x6e: {  	[tilespmem:s25], [sflag:$0x1] =	stream.indirect.gather [hbm4b:s5+s24], $0x80, s4, s24, $0xb8;
	[tilespmem:$0x1BB80] =	vst v63  }
0x6f: {  	_ =	swait.ge [sflag:s31], $0x4000  }
.Ltmp0:
0x70: {  	[sflag:s31] =	ssyncset.done $0x0;
	(pc) =	sbr.rel @p1 .LBB2_2-.Ltmp0, $4  }
0x71: {  	[sflag:s31] =	ssyncadd.s32 $0xFFFFC000  }
0x72: {  	[spmem:s3] =	stream.indirect.scatter.add.f32 [tilespmem:s29], [sflag:$0x3], $0x80, s28, s24, $0xb8;
	[tilespmem:$0x1BB80] =	vst v63  }
0x73: {  	_ =	swait.ge [sflag:s23], $0x4000  }
0x74: {  	s12 =	sadd.s32 $0x100, s12;
	s14 =	smov.u32 s15;
	[sflag:s23] =	ssyncset.done $0x0  }
0x75: {  	s14 =	sadd.s32 s13, s22;
	[sflag:s23] =	ssyncadd.s32 $0xFFFFC000  }
0x76: {  	[tilespmem:s26], [sflag:$0x3] =	stream.linear.gather [hbm4b:s14+s4], $0x80, $0x38;
	[tilespmem:$0x1BB80] =	vst v63  }
0x77: {  	_ =	swait.ge [sflag:s23], $0x80  }
0x78: {  	[sflag:s23] =	ssyncset.done $0x0  }
0x79: {  	s17 =	sadd.s32 s13, s21;
	[sflag:s23] =	ssyncadd.s32 $0xFFFFFF80  }
0x7a: {  	[tilespmem:s28], [sflag:$0x3] =	stream.linear.gather [hbm4b:s17+s4], $0x80, $0x38;
	[tilespmem:$0x1BB80] =	vst v63  }
0x7b: {  	_ =	swait.ge [sflag:s23], $0x80  }
0x7c: {  	[sflag:s23] =	ssyncset.done $0x0  }
0x7d: {  	[sflag:s23] =	ssyncadd.s32 $0xFFFFFF80  }
0x7e: {  	[tilespmem:s29], [sflag:$0x2] =	stream.indirect.gather [hbm4b:s5+s24], $0x80, s26, s24, $0xb8;
	[tilespmem:$0x1BB80] =	vst v63  }
0x7f: {  	_ =	swait.ge [sflag:s30], $0x4000  }
0x80: {  	[sflag:s30] =	ssyncset.done $0x0  }
0x81: {  	[sflag:s30] =	ssyncadd.s32 $0xFFFFC000  }
0x82: {  	[spmem:s3] =	stream.indirect.scatter.add.f32 [tilespmem:s25], [sflag:$0x3], $0x80, s24, s24, $0xb8;
	[tilespmem:$0x1BB80] =	vst v63  }
0x83: {  	_ =	swait.ge [sflag:s23], $0x4000  }
0x84: {  	s12 =	sshrl.u32 s12, $0x3;
	[sflag:s23] =	ssyncset.done $0x0  }
0x85: {  	s14 =	sadd.s32 s6, s12;
	[sflag:s23] =	ssyncadd.s32 $0xFFFFC000  }
0x86: {  	[tilespmem:s4], [sflag:$0x3] =	stream.linear.gather [hbm4b:s14+s4], $0x80, $0x38;
	[tilespmem:$0x1BB80] =	vst v63  }
0x87: {  	_ =	swait.ge [sflag:s23], $0x80  }
0x88: {  	[sflag:s23] =	ssyncset.done $0x0  }
0x89: {  	s12 =	sadd.s32 s1, s12;
	[sflag:s23] =	ssyncadd.s32 $0xFFFFFF80  }
0x8a: {  	[tilespmem:s24], [sflag:$0x3] =	stream.linear.gather [hbm4b:s12+s4], $0x80, $0x38;
	[tilespmem:$0x1BB80] =	vst v63  }
0x8b: {  	_ =	swait.ge [sflag:s23], $0x80  }
0x8c: {  	[sflag:s23] =	ssyncset.done $0x0  }
0x8d: {  	[sflag:s23] =	ssyncadd.s32 $0xFFFFFF80  }
0x8e: {  	[tilespmem:s25], [sflag:$0x1] =	stream.indirect.gather [hbm4b:s5+s24], $0x80, s4, s24, $0xb8;
	[tilespmem:$0x1BB80] =	vst v63  }
0x8f: {  	_ =	swait.ge [sflag:s31], $0x4000  }
0x90: {  	[sflag:s31] =	ssyncset.done $0x0  }
0x91: {  	[sflag:s31] =	ssyncadd.s32 $0xFFFFC000  }
0x92: {  	[spmem:s3] =	stream.indirect.scatter.add.f32 [tilespmem:s29], [sflag:$0x3], $0x80, s28, s24, $0xb8;
	[tilespmem:$0x1BB80] =	vst v63  }
0x93: {  	_ =	swait.ge [sflag:s23], $0x4000  }
0x94: {  	[sflag:s23] =	ssyncset.done $0x0  }
0x95: {  	[sflag:s23] =	ssyncadd.s32 $0xFFFFC000  }
0x96: {  	[tilespmem:s26], [sflag:$0x3] =	stream.linear.gather [hbm4b:s18+s4], $0x80, $0x38;
	[tilespmem:$0x1BB80] =	vst v63  }
0x97: {  	_ =	swait.ge [sflag:s23], $0x80  }
0x98: {  	[sflag:s23] =	ssyncset.done $0x0  }
0x99: {  	[sflag:s23] =	ssyncadd.s32 $0xFFFFFF80  }
0x9a: {  	[tilespmem:s28], [sflag:$0x3] =	stream.linear.gather [hbm4b:s19+s4], $0x80, $0x38;
	[tilespmem:$0x1BB80] =	vst v63  }
0x9b: {  	_ =	swait.ge [sflag:s23], $0x80  }
0x9c: {  	[sflag:s23] =	ssyncset.done $0x0  }
0x9d: {  	[sflag:s23] =	ssyncadd.s32 $0xFFFFFF80  }
0x9e: {  	[tilespmem:s29], [sflag:$0x2] =	stream.indirect.gather [hbm4b:s5+s24], $0x80, s26, s24, $0xb8;
	[tilespmem:$0x1BB80] =	vst v63  }
0x9f: {  	_ =	swait.ge [sflag:s30], $0x4000  }
0xa0: {  	[sflag:s30] =	ssyncset.done $0x0  }
0xa1: {  	[sflag:s30] =	ssyncadd.s32 $0xFFFFC000  }
0xa2: {  	[spmem:s3] =	stream.indirect.scatter.add.f32 [tilespmem:s25], [sflag:$0x3], $0x80, s24, s24, $0xb8;
	[tilespmem:$0x1BB80] =	vst v63  }
0xa3: {  	_ =	swait.ge [sflag:s23], $0x4000  }
0xa4: {  	[sflag:s23] =	ssyncset.done $0x0  }
0xa5: {  	[sflag:s23] =	ssyncadd.s32 $0xFFFFC000  }
0xa6: {  	_ =	swait.ge [sflag:s31], $0x4000  }
0xa7: {  	[sflag:s31] =	ssyncset.done $0x0  }
0xa8: {  	[sflag:s31] =	ssyncadd.s32 $0xFFFFC000  }
0xa9: {  	[spmem:s3] =	stream.indirect.scatter.add.f32 [tilespmem:s29], [sflag:$0x3], $0x80, s28, s24, $0xb8;
	[tilespmem:$0x1BB80] =	vst v63  }
0xaa: {  	_ =	swait.ge [sflag:s23], $0x4000  }
0xab: {  	[sflag:s23] =	ssyncset.done $0x0  }
0xac: {  	s15 =	rddreg [dreg:$0xa];
	[sflag:s23] =	ssyncadd.s32 $0xFFFFC000  }
0xad: {  	[tilespmem:s0], [sflag:$0x3] =	stream.linear.gather [hbm4b:s15+s4], $0x10, $0x38;
	[tilespmem:$0x1BB80] =	vst v63  }
0xae: {  	_ =	swait.ge [sflag:s23], $0x10  }
0xaf: {  	[sflag:s23] =	ssyncset.done $0x0  }
0xb0: {  	[sflag:s23] =	ssyncadd.s32 $0xFFFFFFF0  }
0xb1: {  	[tilespmem:s25], [sflag:$0x3] =	stream.indirect.gather [hbm4b:s5+s2], $0x80, s0, s2, $0xb8;
	[tilespmem:$0x1BB80] =	vst v63  }
0xb2: {  	_ =	swait.ge [sflag:s23], $0x800  }
0xb3: {  	[sflag:s23] =	ssyncset.done $0x0  }
0xb4: {  	s16 =	rddreg [dreg:$0xb];
	[sflag:s23] =	ssyncadd.s32 $0xFFFFF800  }
0xb5: {  	[tilespmem:s7], [sflag:$0x3] =	stream.linear.gather [hbm4b:s16+s4], $0x10, $0x38;
	[tilespmem:$0x1BB80] =	vst v63  }
0xb6: {  	_ =	swait.ge [sflag:s23], $0x10  }
0xb7: {  	[sflag:s23] =	ssyncset.done $0x0  }
0xb8: {  	[sflag:s23] =	ssyncadd.s32 $0xFFFFFFF0  }
0xb9: {  	[spmem:s3] =	stream.indirect.scatter.add.f32 [tilespmem:s25], [sflag:$0x3], $0x80, s7, s2, $0xb8;
	[tilespmem:$0x1BB80] =	vst v63  }
0xba: {  	_ =	swait.ge [sflag:s23], $0x800  }
0xbb: {  	[sflag:s23] =	ssyncset.done $0x0  }
0xbc: {  	[sflag:s23] =	ssyncadd.s32 $0xFFFFF800  }
0xbd: {  	[bflag:$0x0] =	sbarrier.arrive $0xFFFF  }
0xbe: {  	s12 =	simm.s32 @p0 $0x1FC3;
	s13 =	rddreg [dreg:$0xd]  }
0xbf: {  	[hbm:s13], [sflag:s12] =	dma.local @p0 [spmem:s9], $0x2800  }
0xc0: {  	s9 =	simm.s32 @p0 $0x3  }
0xc1: {  	_ =	swait.ge @p0 [sflag:s9], $0x2800  }
0xc2: {  	[sflag:s9] =	ssyncset.done @p0 $0x0  }
0xc3: {  	[sflag:s9] =	ssyncadd.s32 @p0 $0xFFFFD800;
	s9 =	rddreg [dreg:$0xc]  }
0xc4: {  	[hbm:s9], [sflag:s10] =	dma.local @!p0 [spmem:s11], $0x2700  }
0xc5: {  	s9 =	simm.s32 @!p0 $0x3  }
0xc6: {  	_ =	swait.ge @!p0 [sflag:s9], $0x2700  }
0xc7: {  	s8 =	sadd.s32 $0x1, s8;
	s17 =	rddreg [dreg:$0xe]  }
0xc8: {  	p1 =	sne.s32 s8, s17  }
.Ltmp1:
0xc9: {  	_ = 	snop;
	(pc) =	sbr.rel @p1 .LBB2_1-.Ltmp1, $3  }
0xca: {  	_ =	sdelay $0x1  }
0xcb: {  	[sflag:s9] =	ssyncset.done @!p0 $0x0  }
0xcc: {  	[sflag:s9] =	ssyncadd.s32 @!p0 $0xFFFFD900  }
0xcd: {  	_ =	sfence.sel $0x180000  }
0xce: {  	[bflag:$0x0] =	sbarrier.arrive $0xFFFF  }
0xcf: {  	_ =	strace $0x90000050  }
0xd0: {  	s0 =	stileid.u32;
	[bflag:$0x2] =	sbarrier.arrive $0xFFFF  }
0xd1: {  	p0 =	sne.s32 s0, $0x0;
	s0 =	rddreg [dreg:$0x3]  }
0xd2: {  	s0 =	sadd.s32 @!p0 $0x100000, s0  }
0xd3: {  	[sflag:s0] =	ssyncadd.tile.s32 @!p0 $0x1;
	_ =	shalt  }
.Lfunc_end2:
_tile_overlayer_lowered:
.L_overlay_start_2:
0xd4: {  	(tag) =	ssettag $0x2  }
0xd5: {  	s0 =	rddreg [dreg:$0x0];
	s2 =	stileid.u32  }
0xd6: {  	s1 =	rddreg [dreg:$0x1];
	p0 =	sne.s32 s2, $0x0  }
0xd7: {  	s3 =	rddreg [dreg:$0x2];
	[bflag:$0x3] =	sbarrier.arrive $0xFFFF;
	s2 =	simm.s32 @!p0 $0x1C03  }
0xd8: {  	[timem:s3], [sflag:s2] =	dma.local @!p0 [hbm:s0], s1  }
0xd9: {  	s0 =	simm.s32 @!p0 $0x3  }
0xda: {  	_ =	swait.ge @!p0 [sflag:s0], s1  }
0xdb: {  	s1 =	ssub.s32 @!p0 $0x0, s1;
	[sflag:s0] =	ssyncset.done @!p0 $0x0  }
0xdc: {  	[sflag:s0] =	ssyncadd.s32 @!p0 s1  }
0xdd: {  	[bflag:$0x3] =	sbarrier.arrive $0xFFFF  }
0xde: {  	_ =	shalt  }

</sc_bundles>
